<compile_context>
chip_gen: v7x
topology: tpu7x:2x2x1
jax: 0.10.2.dev20260603
libtpu: 0.0.44.dev20260713+nightly
codegen_flags: <defaults>
</compile_context>

<pallas_src>
import functools

import jax
import jax.numpy as jnp
from jax import lax
from jax.experimental import pallas as pl
from jax.experimental.pallas import tpu as pltpu
from jax.experimental.pallas import tpu_sc as plsc

_D = 64
_W = _D // 4
_NW = 32
_CHUNK = 1024


_RCH = 1250


def _sc_repack_body(w_hbm, w32_out, src_v, dst_v, *, nv):
    rows_per_w = nv // _NW
    wid = lax.axis_index("s") * 2 + lax.axis_index("c")

    def chunk(c, _):
        row0 = wid * rows_per_w + c * _RCH
        pltpu.sync_copy(w_hbm.at[pl.ds(row0, _RCH)], src_v)

        def body(i, _):
            for u in range(10):
                r = i * 10 + u
                dst_v[r, :] = plsc.bitcast(src_v[r, :], jnp.int32)
            return 0

        lax.fori_loop(0, _RCH // 10, body, 0)
        pltpu.sync_copy(dst_v, w32_out.at[pl.ds(row0, _RCH)])
        return 0

    lax.fori_loop(0, rows_per_w // _RCH, chunk, 0)


@functools.cache
def _sc_repack(nv):
    mesh = plsc.VectorSubcoreMesh(core_axis_name="c", subcore_axis_name="s")
    return pl.kernel(
        functools.partial(_sc_repack_body, nv=nv),
        out_type=jax.ShapeDtypeStruct((nv, _W), jnp.int32),
        mesh=mesh,
        compiler_params=pltpu.CompilerParams(
            use_tc_tiling_on_sc=False, needs_layout_passes=False),
        scratch_types=[
            pltpu.VMEM((_RCH, _D), jnp.int8),
            pltpu.VMEM((_RCH, _W), jnp.int32),
        ],
    )


def _sc_gather_body(idx_hbm, w_hbm, s_hbm, rows_out, sc_out,
                    idx_v, rows_v, sc_v, sem, *, n_per_w):
    w32_hbm = w_hbm
    wid = lax.axis_index("s") * 2 + lax.axis_index("c")
    for k in range(n_per_w // _CHUNK):
        base = wid * n_per_w + k * _CHUNK
        pltpu.sync_copy(idx_hbm.at[pl.ds(base, _CHUNK)], idx_v)
        rows_dma = pltpu.async_copy(w32_hbm.at[idx_v], rows_v, sem)
        sc_dma = pltpu.async_copy(s_hbm.at[idx_v], sc_v, sem)
        rows_dma.wait()
        sc_dma.wait()
        pltpu.sync_copy(rows_v, rows_out.at[pl.ds(base, _CHUNK)])
        pltpu.sync_copy(sc_v, sc_out.at[pl.ds(base, _CHUNK)])


@functools.cache
def _sc_gather(n):
    n_per_w = n // _NW
    mesh = plsc.VectorSubcoreMesh(core_axis_name="c", subcore_axis_name="s")
    return pl.kernel(
        functools.partial(_sc_gather_body, n_per_w=n_per_w),
        out_type=[
            jax.ShapeDtypeStruct((n, _W), jnp.int32),
            jax.ShapeDtypeStruct((n,), jnp.float32),
        ],
        mesh=mesh,
        compiler_params=pltpu.CompilerParams(use_tc_tiling_on_sc=False),
        scratch_types=[
            pltpu.VMEM((_CHUNK,), jnp.int32),
            pltpu.VMEM((_CHUNK, _W), jnp.int32),
            pltpu.VMEM((_CHUNK,), jnp.float32),
            pltpu.SemaphoreType.DMA,
        ],
    )


def _dequant_body(rows_ref, sc_ref, out_ref):
    w = rows_ref[...]
    s = sc_ref[...]
    blk = w.shape[0]
    lane = lax.broadcasted_iota(jnp.int32, (blk, 512), 1)
    wrep = jnp.take_along_axis(w, lane // 4, axis=1)
    srep = jnp.take_along_axis(s, lane // _D, axis=1)
    k = lax.broadcasted_iota(jnp.int32, (blk, 512), 1) % 4
    b = (wrep << (24 - 8 * k)) >> 24
    out_ref[...] = b.astype(jnp.float32) * srep


@functools.cache
def _dequant(n, blk):
    return pl.pallas_call(
        _dequant_body,
        out_shape=jax.ShapeDtypeStruct((n // 8, 512), jnp.float32),
        grid=(n // 8 // blk,),
        in_specs=[
            pl.BlockSpec((blk, 128), lambda i: (i, 0)),
            pl.BlockSpec((blk, 8), lambda i: (i, 0)),
        ],
        out_specs=pl.BlockSpec((blk, 512), lambda i: (i, 0)),
    )


def kernel(x, weight, scales):
    b, f = x.shape
    n = b * f
    nv = weight.shape[0]
    idx = x.reshape(n).astype(jnp.int32)
    scales_f32 = scales.astype(jnp.float32)
    w32 = _sc_repack(nv)(weight)
    rows_g, sc_g = _sc_gather(n)(idx, w32, scales_f32)
    out = _dequant(n, 512)(rows_g.reshape(n // 8, 128), sc_g.reshape(n // 8, 8))
    return out.astype(jnp.float16).reshape(b, f, _D)

# --- scband reference (transcript-rebuilt; emitter-appended) ---
"""Pipeline reference for scband-w8-o16-embedding-40243843564271 (READ-ONLY COPY).

The authoritative reference and input builder live on the scoring server;
editing this copy changes nothing except your own understanding.
"""

import jax, jax.numpy as jnp
import numpy as np

NUM_EMBEDDINGS = 1000000
EMBEDDING_DIM = 64
BATCH = 16384
FIELDS = 26


def setup_inputs(seed: int = 0) -> dict:
    key = jax.random.key(seed)
    k1, k2, k3 = jax.random.split(key, 3)
    # forward arg: indices
    x = jax.random.randint(k1, (BATCH, FIELDS), 0, NUM_EMBEDDINGS)
    # learned parameters per init_kwargs: int8 quantized table + per-row fp16 scales
    weight = jax.random.randint(k2, (NUM_EMBEDDINGS, EMBEDDING_DIM), -128, 128, dtype=jnp.int8)
    scales = (jax.random.uniform(k3, (NUM_EMBEDDINGS,), dtype=jnp.float32) * 0.01 + 1e-4).astype(jnp.float16)
    return {"x": x, "weight": weight, "scales": scales}


def reference(x, weight, scales):
    # w8a16 embedding lookup: gather int8 rows, dequantize with per-row fp16 scale,
    # output fp16 (matching quant_embedding_cuda.w8a16_embedding_lookup semantics).
    rows = jnp.take(weight, x, axis=0).astype(jnp.float16)   # [B, F, D]
    s = jnp.take(scales, x, axis=0)                          # [B, F] fp16
    return rows * s[..., None]

if __name__ == "__main__":
    import jax
    _d = setup_inputs()
    print(jax.jit(kernel)(*tuple(_d.values())))

</pallas_src>

<mosaic_0001>
#map = affine_map<(d0, d1) -> (0, 0)>
module attributes {stable_mosaic.version = 14 : i64} {
  func.func @_sc_repack_body(%arg0: i32, %arg1: i32, %arg2: memref<1000000x64xi8, #tpu.memory_space<hbm>>, %arg3: memref<1000000x16xi32, #tpu.memory_space<hbm>>, %arg4: memref<1250x64xi8, #tpu.memory_space<vmem>>, %arg5: memref<1250x16xi32, #tpu.memory_space<vmem>>) attributes {dimension_semantics = [#tpu.dimension_semantics<core_parallel>, #tpu.dimension_semantics<subcore_parallel>], iteration_bounds = array<i64: 2, 16>, scalar_prefetch = 0 : i64, scratch_operands = 2 : i64, tpu.core_type = #tpu.core_type<sc_vector_subcore>, window_params = [{transform_indices = #map}, {transform_indices = #map}]} {
    %mul3A = arith.constant 2 : i32
    %mul3A_0 = arith.muli %arg1, %mul3A : i32
    %add3A = arith.addi %mul3A_0, %arg0 : i32
    %scan3A = arith.constant 0 : i32
    %scan3A_1 = arith.constant 0 : i32
    %scan3A_2 = arith.constant 25 : i32
    %scan3A_3 = arith.addi %scan3A_1, %scan3A_2 : i32
    %scan3A_4 = arith.constant 1 : i32
    %scan3A_5 = scf.for %scan3A_7 = %scan3A_1 to %scan3A_3 step %scan3A_4 iter_args(%scan3A_8 = %scan3A) -> (i32)  : i32 {
      %mul3A_9 = arith.constant 31250 : i32
      %mul3A_10 = arith.muli %add3A, %mul3A_9 : i32
      %mul3A_11 = arith.constant 1250 : i32
      %mul3A_12 = arith.muli %scan3A_7, %mul3A_11 : i32
      %add3A_13 = arith.addi %mul3A_10, %mul3A_12 : i32
      "tpu.region"() ({
        %run_scoped3A = tpu.sem_alloc : memref<!tpu.dma_semaphore, #tpu.memory_space<semaphore_mem>>
        %dma_start3A = arith.constant 0 : i32
        %dma_start3A_22 = tpu.memref_slice %arg2[%add3A_13, %dma_start3A] : memref<1000000x64xi8, #tpu.memory_space<hbm>> -> memref<1250x64xi8, #tpu.memory_space<hbm>>
        %dma_start3A_23 = arith.constant 0 : i32
        %dma_start3A_24 = tpu.memref_slice %arg2[%add3A_13, %dma_start3A_23] : memref<1000000x64xi8, #tpu.memory_space<hbm>> -> memref<1250x64xi8, #tpu.memory_space<hbm>>
        tpu.enqueue_dma source(%dma_start3A_24 : memref<1250x64xi8, #tpu.memory_space<hbm>>) target(%arg4 : memref<1250x64xi8, #tpu.memory_space<vmem>>) target_semaphore(%run_scoped3A : memref<!tpu.dma_semaphore, #tpu.memory_space<semaphore_mem>>)
        %dma_wait3A = arith.constant 0 : i32
        %dma_wait3A_25 = tpu.memref_slice %arg2[%add3A_13, %dma_wait3A] : memref<1000000x64xi8, #tpu.memory_space<hbm>> -> memref<1250x64xi8, #tpu.memory_space<hbm>>
        %dma_wait3A_26 = arith.constant 0 : i32
        %dma_wait3A_27 = tpu.memref_slice %arg2[%add3A_13, %dma_wait3A_26] : memref<1000000x64xi8, #tpu.memory_space<hbm>> -> memref<1250x64xi8, #tpu.memory_space<hbm>>
        tpu.wait_dma2 semaphore(%run_scoped3A : memref<!tpu.dma_semaphore, #tpu.memory_space<semaphore_mem>>) src(%dma_wait3A_27 : memref<1250x64xi8, #tpu.memory_space<hbm>>) dst(%arg4 : memref<1250x64xi8, #tpu.memory_space<vmem>>)
        tpu.yield
      }) : () -> ()
      %scan3A_14 = arith.constant 0 : i32
      %scan3A_15 = arith.constant 0 : i32
      %scan3A_16 = arith.constant 125 : i32
      %scan3A_17 = arith.addi %scan3A_15, %scan3A_16 : i32
      %scan3A_18 = arith.constant 1 : i32
      %scan3A_19 = scf.for %scan3A_22 = %scan3A_15 to %scan3A_17 step %scan3A_18 iter_args(%scan3A_23 = %scan3A_14) -> (i32)  : i32 {
        %mul3A_24 = arith.constant 10 : i32
        %mul3A_25 = arith.muli %scan3A_22, %mul3A_24 : i32
        %add3A_26 = arith.constant 0 : i32
        %add3A_27 = arith.addi %mul3A_25, %add3A_26 : i32
        %get3A = arith.index_cast %add3A_27 : i32 to index
        %get3A_28 = arith.constant 0 : index
        %get3A_29 = tpu.vector_load %arg4[%get3A, %get3A_28] {strides = array<i32>} : memref<1250x64xi8, #tpu.memory_space<vmem>>, vector<64xi8>,
        %bitcast3A = vector.bitcast %get3A_29 : vector<64xi8> to vector<16xi32>
        %swap3A = arith.index_cast %add3A_27 : i32 to index
        %swap3A_30 = arith.constant 0 : index
        %swap3A_31 = tpu.vector_load %arg5[%swap3A, %swap3A_30] {strides = array<i32>} : memref<1250x16xi32, #tpu.memory_space<vmem>>, vector<16xi32>,
        tpu.vector_store %arg5[%swap3A, %swap3A_30], %bitcast3A {strides = array<i32>} : memref<1250x16xi32, #tpu.memory_space<vmem>>, vector<16xi32>,
        %mul3A_32 = arith.constant 10 : i32
        %mul3A_33 = arith.muli %scan3A_22, %mul3A_32 : i32
        %add3A_34 = arith.constant 1 : i32
        %add3A_35 = arith.addi %mul3A_33, %add3A_34 : i32
        %get3A_36 = arith.index_cast %add3A_35 : i32 to index
        %get3A_37 = arith.constant 0 : index
        %get3A_38 = tpu.vector_load %arg4[%get3A_36, %get3A_37] {strides = array<i32>} : memref<1250x64xi8, #tpu.memory_space<vmem>>, vector<64xi8>,
        %bitcast3A_39 = vector.bitcast %get3A_38 : vector<64xi8> to vector<16xi32>
        %swap3A_40 = arith.index_cast %add3A_35 : i32 to index
        %swap3A_41 = arith.constant 0 : index
        %swap3A_42 = tpu.vector_load %arg5[%swap3A_40, %swap3A_41] {strides = array<i32>} : memref<1250x16xi32, #tpu.memory_space<vmem>>, vector<16xi32>,
        tpu.vector_store %arg5[%swap3A_40, %swap3A_41], %bitcast3A_39 {strides = array<i32>} : memref<1250x16xi32, #tpu.memory_space<vmem>>, vector<16xi32>,
        %mul3A_43 = arith.constant 10 : i32
        %mul3A_44 = arith.muli %scan3A_22, %mul3A_43 : i32
        %add3A_45 = arith.constant 2 : i32
        %add3A_46 = arith.addi %mul3A_44, %add3A_45 : i32
        %get3A_47 = arith.index_cast %add3A_46 : i32 to index
        %get3A_48 = arith.constant 0 : index
        %get3A_49 = tpu.vector_load %arg4[%get3A_47, %get3A_48] {strides = array<i32>} : memref<1250x64xi8, #tpu.memory_space<vmem>>, vector<64xi8>,
        %bitcast3A_50 = vector.bitcast %get3A_49 : vector<64xi8> to vector<16xi32>
        %swap3A_51 = arith.index_cast %add3A_46 : i32 to index
        %swap3A_52 = arith.constant 0 : index
        %swap3A_53 = tpu.vector_load %arg5[%swap3A_51, %swap3A_52] {strides = array<i32>} : memref<1250x16xi32, #tpu.memory_space<vmem>>, vector<16xi32>,
        tpu.vector_store %arg5[%swap3A_51, %swap3A_52], %bitcast3A_50 {strides = array<i32>} : memref<1250x16xi32, #tpu.memory_space<vmem>>, vector<16xi32>,
        %mul3A_54 = arith.constant 10 : i32
        %mul3A_55 = arith.muli %scan3A_22, %mul3A_54 : i32
        %add3A_56 = arith.constant 3 : i32
        %add3A_57 = arith.addi %mul3A_55, %add3A_56 : i32
        %get3A_58 = arith.index_cast %add3A_57 : i32 to index
        %get3A_59 = arith.constant 0 : index
        %get3A_60 = tpu.vector_load %arg4[%get3A_58, %get3A_59] {strides = array<i32>} : memref<1250x64xi8, #tpu.memory_space<vmem>>, vector<64xi8>,
        %bitcast3A_61 = vector.bitcast %get3A_60 : vector<64xi8> to vector<16xi32>
        %swap3A_62 = arith.index_cast %add3A_57 : i32 to index
        %swap3A_63 = arith.constant 0 : index
        %swap3A_64 = tpu.vector_load %arg5[%swap3A_62, %swap3A_63] {strides = array<i32>} : memref<1250x16xi32, #tpu.memory_space<vmem>>, vector<16xi32>,
        tpu.vector_store %arg5[%swap3A_62, %swap3A_63], %bitcast3A_61 {strides = array<i32>} : memref<1250x16xi32, #tpu.memory_space<vmem>>, vector<16xi32>,
        %mul3A_65 = arith.constant 10 : i32
        %mul3A_66 = arith.muli %scan3A_22, %mul3A_65 : i32
        %add3A_67 = arith.constant 4 : i32
        %add3A_68 = arith.addi %mul3A_66, %add3A_67 : i32
        %get3A_69 = arith.index_cast %add3A_68 : i32 to index
        %get3A_70 = arith.constant 0 : index
        %get3A_71 = tpu.vector_load %arg4[%get3A_69, %get3A_70] {strides = array<i32>} : memref<1250x64xi8, #tpu.memory_space<vmem>>, vector<64xi8>,
        %bitcast3A_72 = vector.bitcast %get3A_71 : vector<64xi8> to vector<16xi32>
        %swap3A_73 = arith.index_cast %add3A_68 : i32 to index
        %swap3A_74 = arith.constant 0 : index
        %swap3A_75 = tpu.vector_load %arg5[%swap3A_73, %swap3A_74] {strides = array<i32>} : memref<1250x16xi32, #tpu.memory_space<vmem>>, vector<16xi32>,
        tpu.vector_store %arg5[%swap3A_73, %swap3A_74], %bitcast3A_72 {strides = array<i32>} : memref<1250x16xi32, #tpu.memory_space<vmem>>, vector<16xi32>,
        %mul3A_76 = arith.constant 10 : i32
        %mul3A_77 = arith.muli %scan3A_22, %mul3A_76 : i32
        %add3A_78 = arith.constant 5 : i32
        %add3A_79 = arith.addi %mul3A_77, %add3A_78 : i32
        %get3A_80 = arith.index_cast %add3A_79 : i32 to index
        %get3A_81 = arith.constant 0 : index
        %get3A_82 = tpu.vector_load %arg4[%get3A_80, %get3A_81] {strides = array<i32>} : memref<1250x64xi8, #tpu.memory_space<vmem>>, vector<64xi8>,
        %bitcast3A_83 = vector.bitcast %get3A_82 : vector<64xi8> to vector<16xi32>
        %swap3A_84 = arith.index_cast %add3A_79 : i32 to index
        %swap3A_85 = arith.constant 0 : index
        %swap3A_86 = tpu.vector_load %arg5[%swap3A_84, %swap3A_85] {strides = array<i32>} : memref<1250x16xi32, #tpu.memory_space<vmem>>, vector<16xi32>,
        tpu.vector_store %arg5[%swap3A_84, %swap3A_85], %bitcast3A_83 {strides = array<i32>} : memref<1250x16xi32, #tpu.memory_space<vmem>>, vector<16xi32>,
        %mul3A_87 = arith.constant 10 : i32
        %mul3A_88 = arith.muli %scan3A_22, %mul3A_87 : i32
        %add3A_89 = arith.constant 6 : i32
        %add3A_90 = arith.addi %mul3A_88, %add3A_89 : i32
        %get3A_91 = arith.index_cast %add3A_90 : i32 to index
        %get3A_92 = arith.constant 0 : index
        %get3A_93 = tpu.vector_load %arg4[%get3A_91, %get3A_92] {strides = array<i32>} : memref<1250x64xi8, #tpu.memory_space<vmem>>, vector<64xi8>,
        %bitcast3A_94 = vector.bitcast %get3A_93 : vector<64xi8> to vector<16xi32>
        %swap3A_95 = arith.index_cast %add3A_90 : i32 to index
        %swap3A_96 = arith.constant 0 : index
        %swap3A_97 = tpu.vector_load %arg5[%swap3A_95, %swap3A_96] {strides = array<i32>} : memref<1250x16xi32, #tpu.memory_space<vmem>>, vector<16xi32>,
        tpu.vector_store %arg5[%swap3A_95, %swap3A_96], %bitcast3A_94 {strides = array<i32>} : memref<1250x16xi32, #tpu.memory_space<vmem>>, vector<16xi32>,
        %mul3A_98 = arith.constant 10 : i32
        %mul3A_99 = arith.muli %scan3A_22, %mul3A_98 : i32
        %add3A_100 = arith.constant 7 : i32
        %add3A_101 = arith.addi %mul3A_99, %add3A_100 : i32
        %get3A_102 = arith.index_cast %add3A_101 : i32 to index
        %get3A_103 = arith.constant 0 : index
        %get3A_104 = tpu.vector_load %arg4[%get3A_102, %get3A_103] {strides = array<i32>} : memref<1250x64xi8, #tpu.memory_space<vmem>>, vector<64xi8>,
        %bitcast3A_105 = vector.bitcast %get3A_104 : vector<64xi8> to vector<16xi32>
        %swap3A_106 = arith.index_cast %add3A_101 : i32 to index
        %swap3A_107 = arith.constant 0 : index
        %swap3A_108 = tpu.vector_load %arg5[%swap3A_106, %swap3A_107] {strides = array<i32>} : memref<1250x16xi32, #tpu.memory_space<vmem>>, vector<16xi32>,
        tpu.vector_store %arg5[%swap3A_106, %swap3A_107], %bitcast3A_105 {strides = array<i32>} : memref<1250x16xi32, #tpu.memory_space<vmem>>, vector<16xi32>,
        %mul3A_109 = arith.constant 10 : i32
        %mul3A_110 = arith.muli %scan3A_22, %mul3A_109 : i32
        %add3A_111 = arith.constant 8 : i32
        %add3A_112 = arith.addi %mul3A_110, %add3A_111 : i32
        %get3A_113 = arith.index_cast %add3A_112 : i32 to index
        %get3A_114 = arith.constant 0 : index
        %get3A_115 = tpu.vector_load %arg4[%get3A_113, %get3A_114] {strides = array<i32>} : memref<1250x64xi8, #tpu.memory_space<vmem>>, vector<64xi8>,
        %bitcast3A_116 = vector.bitcast %get3A_115 : vector<64xi8> to vector<16xi32>
        %swap3A_117 = arith.index_cast %add3A_112 : i32 to index
        %swap3A_118 = arith.constant 0 : index
        %swap3A_119 = tpu.vector_load %arg5[%swap3A_117, %swap3A_118] {strides = array<i32>} : memref<1250x16xi32, #tpu.memory_space<vmem>>, vector<16xi32>,
        tpu.vector_store %arg5[%swap3A_117, %swap3A_118], %bitcast3A_116 {strides = array<i32>} : memref<1250x16xi32, #tpu.memory_space<vmem>>, vector<16xi32>,
        %mul3A_120 = arith.constant 10 : i32
        %mul3A_121 = arith.muli %scan3A_22, %mul3A_120 : i32
        %add3A_122 = arith.constant 9 : i32
        %add3A_123 = arith.addi %mul3A_121, %add3A_122 : i32
        %get3A_124 = arith.index_cast %add3A_123 : i32 to index
        %get3A_125 = arith.constant 0 : index
        %get3A_126 = tpu.vector_load %arg4[%get3A_124, %get3A_125] {strides = array<i32>} : memref<1250x64xi8, #tpu.memory_space<vmem>>, vector<64xi8>,
        %bitcast3A_127 = vector.bitcast %get3A_126 : vector<64xi8> to vector<16xi32>
        %swap3A_128 = arith.index_cast %add3A_123 : i32 to index
        %swap3A_129 = arith.constant 0 : index
        %swap3A_130 = tpu.vector_load %arg5[%swap3A_128, %swap3A_129] {strides = array<i32>} : memref<1250x16xi32, #tpu.memory_space<vmem>>, vector<16xi32>,
        tpu.vector_store %arg5[%swap3A_128, %swap3A_129], %bitcast3A_127 {strides = array<i32>} : memref<1250x16xi32, #tpu.memory_space<vmem>>, vector<16xi32>,
        %scan3A_131 = arith.constant 0 : i32
        scf.yield %scan3A_131 : i32
      }
      %scan3A_20 = arith.constant 125 : i32
      "tpu.region"() ({
        %run_scoped3A = tpu.sem_alloc : memref<!tpu.dma_semaphore, #tpu.memory_space<semaphore_mem>>
        %dma_start3A = arith.constant 0 : i32
        %dma_start3A_22 = tpu.memref_slice %arg3[%add3A_13, %dma_start3A] : memref<1000000x16xi32, #tpu.memory_space<hbm>> -> memref<1250x16xi32, #tpu.memory_space<hbm>>
        %dma_start3A_23 = arith.constant 0 : i32
        %dma_start3A_24 = tpu.memref_slice %arg3[%add3A_13, %dma_start3A_23] : memref<1000000x16xi32, #tpu.memory_space<hbm>> -> memref<1250x16xi32, #tpu.memory_space<hbm>>
        tpu.enqueue_dma source(%arg5 : memref<1250x16xi32, #tpu.memory_space<vmem>>) target(%dma_start3A_24 : memref<1250x16xi32, #tpu.memory_space<hbm>>) target_semaphore(%run_scoped3A : memref<!tpu.dma_semaphore, #tpu.memory_space<semaphore_mem>>)
        %dma_wait3A = arith.constant 0 : i32
        %dma_wait3A_25 = tpu.memref_slice %arg3[%add3A_13, %dma_wait3A] : memref<1000000x16xi32, #tpu.memory_space<hbm>> -> memref<1250x16xi32, #tpu.memory_space<hbm>>
        %dma_wait3A_26 = arith.constant 0 : i32
        %dma_wait3A_27 = tpu.memref_slice %arg3[%add3A_13, %dma_wait3A_26] : memref<1000000x16xi32, #tpu.memory_space<hbm>> -> memref<1250x16xi32, #tpu.memory_space<hbm>>
        tpu.wait_dma2 semaphore(%run_scoped3A : memref<!tpu.dma_semaphore, #tpu.memory_space<semaphore_mem>>) src(%arg5 : memref<1250x16xi32, #tpu.memory_space<vmem>>) dst(%dma_wait3A_27 : memref<1250x16xi32, #tpu.memory_space<hbm>>)
        tpu.yield
      }) : () -> ()
      %scan3A_21 = arith.constant 0 : i32
      scf.yield %scan3A_21 : i32
    }
    %scan3A_6 = arith.constant 25 : i32
    return
  }
}

#map = affine_map<(d0, d1) -> (0)>
#map1 = affine_map<(d0, d1) -> (0, 0)>
module attributes {stable_mosaic.version = 14 : i64} {
  func.func @_sc_gather_body(%arg0: i32, %arg1: i32, %arg2: memref<425984xi32, #tpu.memory_space<hbm>>, %arg3: memref<1000000x16xi32, #tpu.memory_space<hbm>>, %arg4: memref<1000000xf32, #tpu.memory_space<hbm>>, %arg5: memref<425984x16xi32, #tpu.memory_space<hbm>>, %arg6: memref<425984xf32, #tpu.memory_space<hbm>>, %arg7: memref<1024xi32, #tpu.memory_space<vmem>>, %arg8: memref<1024x16xi32, #tpu.memory_space<vmem>>, %arg9: memref<1024xf32, #tpu.memory_space<vmem>>, %arg10: memref<!tpu.dma_semaphore, #tpu.memory_space<semaphore_mem>>) attributes {dimension_semantics = [#tpu.dimension_semantics<core_parallel>, #tpu.dimension_semantics<subcore_parallel>], iteration_bounds = array<i64: 2, 16>, scalar_prefetch = 0 : i64, scratch_operands = 4 : i64, tpu.core_type = #tpu.core_type<sc_vector_subcore>, window_params = [{transform_indices = #map}, {transform_indices = #map1}, {transform_indices = #map}, {transform_indices = #map1}, {transform_indices = #map}]} {
    %mul3A = arith.constant 2 : i32
    %mul3A_0 = arith.muli %arg1, %mul3A : i32
    %add3A = arith.addi %mul3A_0, %arg0 : i32
    %mul3A_1 = arith.constant 13312 : i32
    %mul3A_2 = arith.muli %add3A, %mul3A_1 : i32
    %add3A_3 = arith.constant 0 : i32
    %add3A_4 = arith.addi %mul3A_2, %add3A_3 : i32
    "tpu.region"() ({
      %run_scoped3A = tpu.sem_alloc : memref<!tpu.dma_semaphore, #tpu.memory_space<semaphore_mem>>
      %dma_start3A_181 = tpu.memref_slice %arg2[%add3A_4] : memref<425984xi32, #tpu.memory_space<hbm>> -> memref<1024xi32, #tpu.memory_space<hbm>>
      %dma_start3A_182 = tpu.memref_slice %arg2[%add3A_4] : memref<425984xi32, #tpu.memory_space<hbm>> -> memref<1024xi32, #tpu.memory_space<hbm>>
      tpu.enqueue_dma source(%dma_start3A_182 : memref<1024xi32, #tpu.memory_space<hbm>>) target(%arg7 : memref<1024xi32, #tpu.memory_space<vmem>>) target_semaphore(%run_scoped3A : memref<!tpu.dma_semaphore, #tpu.memory_space<semaphore_mem>>)
      %dma_wait3A_183 = tpu.memref_slice %arg2[%add3A_4] : memref<425984xi32, #tpu.memory_space<hbm>> -> memref<1024xi32, #tpu.memory_space<hbm>>
      %dma_wait3A_184 = tpu.memref_slice %arg2[%add3A_4] : memref<425984xi32, #tpu.memory_space<hbm>> -> memref<1024xi32, #tpu.memory_space<hbm>>
      tpu.wait_dma2 semaphore(%run_scoped3A : memref<!tpu.dma_semaphore, #tpu.memory_space<semaphore_mem>>) src(%dma_wait3A_184 : memref<1024xi32, #tpu.memory_space<hbm>>) dst(%arg7 : memref<1024xi32, #tpu.memory_space<vmem>>)
      tpu.yield
    }) : () -> ()
    %dma_start3A = arith.constant 0 : i32
    %dma_start3A_5 = arith.constant 0 : i32
    %dma_start3A_6 = tpu.memref_slice %arg3[%dma_start3A, %dma_start3A_5] : memref<1000000x16xi32, #tpu.memory_space<hbm>> -> memref<1000000x16xi32, #tpu.memory_space<hbm>>
    tpu.enqueue_indirect_dma source(%dma_start3A_6 : memref<1000000x16xi32, #tpu.memory_space<hbm>>) target(%arg8 : memref<1024x16xi32, #tpu.memory_space<vmem>>) offsets(%arg7 : memref<1024xi32, #tpu.memory_space<vmem>>) semaphore(%arg10 : memref<!tpu.dma_semaphore, #tpu.memory_space<semaphore_mem>>)
    %dma_start3A_7 = arith.constant 0 : i32
    %dma_start3A_8 = tpu.memref_slice %arg4[%dma_start3A_7] : memref<1000000xf32, #tpu.memory_space<hbm>> -> memref<1000000xf32, #tpu.memory_space<hbm>>
    tpu.enqueue_indirect_dma source(%dma_start3A_8 : memref<1000000xf32, #tpu.memory_space<hbm>>) target(%arg9 : memref<1024xf32, #tpu.memory_space<vmem>>) offsets(%arg7 : memref<1024xi32, #tpu.memory_space<vmem>>) semaphore(%arg10 : memref<!tpu.dma_semaphore, #tpu.memory_space<semaphore_mem>>)
    %dma_wait3A = arith.constant 0 : i32
    %dma_wait3A_9 = arith.constant 0 : i32
    %dma_wait3A_10 = tpu.memref_slice %arg3[%dma_wait3A, %dma_wait3A_9] : memref<1000000x16xi32, #tpu.memory_space<hbm>> -> memref<1000000x16xi32, #tpu.memory_space<hbm>>
    tpu.wait_indirect_dma semaphore(%arg10 : memref<!tpu.dma_semaphore, #tpu.memory_space<semaphore_mem>>) src(%dma_wait3A_10 : memref<1000000x16xi32, #tpu.memory_space<hbm>>) dst(%arg8 : memref<1024x16xi32, #tpu.memory_space<vmem>>)
    %dma_wait3A_11 = arith.constant 0 : i32
    %dma_wait3A_12 = tpu.memref_slice %arg4[%dma_wait3A_11] : memref<1000000xf32, #tpu.memory_space<hbm>> -> memref<1000000xf32, #tpu.memory_space<hbm>>
    tpu.wait_indirect_dma semaphore(%arg10 : memref<!tpu.dma_semaphore, #tpu.memory_space<semaphore_mem>>) src(%dma_wait3A_12 : memref<1000000xf32, #tpu.memory_space<hbm>>) dst(%arg9 : memref<1024xf32, #tpu.memory_space<vmem>>)
    "tpu.region"() ({
      %run_scoped3A = tpu.sem_alloc : memref<!tpu.dma_semaphore, #tpu.memory_space<semaphore_mem>>
      %dma_start3A_181 = arith.constant 0 : i32
      %dma_start3A_182 = tpu.memref_slice %arg5[%add3A_4, %dma_start3A_181] : memref<425984x16xi32, #tpu.memory_space<hbm>> -> memref<1024x16xi32, #tpu.memory_space<hbm>>
      %dma_start3A_183 = arith.constant 0 : i32
      %dma_start3A_184 = tpu.memref_slice %arg5[%add3A_4, %dma_start3A_183] : memref<425984x16xi32, #tpu.memory_space<hbm>> -> memref<1024x16xi32, #tpu.memory_space<hbm>>
      tpu.enqueue_dma source(%arg8 : memref<1024x16xi32, #tpu.memory_space<vmem>>) target(%dma_start3A_184 : memref<1024x16xi32, #tpu.memory_space<hbm>>) target_semaphore(%run_scoped3A : memref<!tpu.dma_semaphore, #tpu.memory_space<semaphore_mem>>)
      %dma_wait3A_185 = arith.constant 0 : i32
      %dma_wait3A_186 = tpu.memref_slice %arg5[%add3A_4, %dma_wait3A_185] : memref<425984x16xi32, #tpu.memory_space<hbm>> -> memref<1024x16xi32, #tpu.memory_space<hbm>>
      %dma_wait3A_187 = arith.constant 0 : i32
      %dma_wait3A_188 = tpu.memref_slice %arg5[%add3A_4, %dma_wait3A_187] : memref<425984x16xi32, #tpu.memory_space<hbm>> -> memref<1024x16xi32, #tpu.memory_space<hbm>>
      tpu.wait_dma2 semaphore(%run_scoped3A : memref<!tpu.dma_semaphore, #tpu.memory_space<semaphore_mem>>) src(%arg8 : memref<1024x16xi32, #tpu.memory_space<vmem>>) dst(%dma_wait3A_188 : memref<1024x16xi32, #tpu.memory_space<hbm>>)
      tpu.yield
    }) : () -> ()
    "tpu.region"() ({
      %run_scoped3A = tpu.sem_alloc : memref<!tpu.dma_semaphore, #tpu.memory_space<semaphore_mem>>
      %dma_start3A_181 = tpu.memref_slice %arg6[%add3A_4] : memref<425984xf32, #tpu.memory_space<hbm>> -> memref<1024xf32, #tpu.memory_space<hbm>>
      %dma_start3A_182 = tpu.memref_slice %arg6[%add3A_4] : memref<425984xf32, #tpu.memory_space<hbm>> -> memref<1024xf32, #tpu.memory_space<hbm>>
      tpu.enqueue_dma source(%arg9 : memref<1024xf32, #tpu.memory_space<vmem>>) target(%dma_start3A_182 : memref<1024xf32, #tpu.memory_space<hbm>>) target_semaphore(%run_scoped3A : memref<!tpu.dma_semaphore, #tpu.memory_space<semaphore_mem>>)
      %dma_wait3A_183 = tpu.memref_slice %arg6[%add3A_4] : memref<425984xf32, #tpu.memory_space<hbm>> -> memref<1024xf32, #tpu.memory_space<hbm>>
      %dma_wait3A_184 = tpu.memref_slice %arg6[%add3A_4] : memref<425984xf32, #tpu.memory_space<hbm>> -> memref<1024xf32, #tpu.memory_space<hbm>>
      tpu.wait_dma2 semaphore(%run_scoped3A : memref<!tpu.dma_semaphore, #tpu.memory_space<semaphore_mem>>) src(%arg9 : memref<1024xf32, #tpu.memory_space<vmem>>) dst(%dma_wait3A_184 : memref<1024xf32, #tpu.memory_space<hbm>>)
      tpu.yield
    }) : () -> ()
    %mul3A_13 = arith.constant 13312 : i32
    %mul3A_14 = arith.muli %add3A, %mul3A_13 : i32
    %add3A_15 = arith.constant 1024 : i32
    %add3A_16 = arith.addi %mul3A_14, %add3A_15 : i32
    "tpu.region"() ({
      %run_scoped3A = tpu.sem_alloc : memref<!tpu.dma_semaphore, #tpu.memory_space<semaphore_mem>>
      %dma_start3A_181 = tpu.memref_slice %arg2[%add3A_16] : memref<425984xi32, #tpu.memory_space<hbm>> -> memref<1024xi32, #tpu.memory_space<hbm>>
      %dma_start3A_182 = tpu.memref_slice %arg2[%add3A_16] : memref<425984xi32, #tpu.memory_space<hbm>> -> memref<1024xi32, #tpu.memory_space<hbm>>
      tpu.enqueue_dma source(%dma_start3A_182 : memref<1024xi32, #tpu.memory_space<hbm>>) target(%arg7 : memref<1024xi32, #tpu.memory_space<vmem>>) target_semaphore(%run_scoped3A : memref<!tpu.dma_semaphore, #tpu.memory_space<semaphore_mem>>)
      %dma_wait3A_183 = tpu.memref_slice %arg2[%add3A_16] : memref<425984xi32, #tpu.memory_space<hbm>> -> memref<1024xi32, #tpu.memory_space<hbm>>
      %dma_wait3A_184 = tpu.memref_slice %arg2[%add3A_16] : memref<425984xi32, #tpu.memory_space<hbm>> -> memref<1024xi32, #tpu.memory_space<hbm>>
      tpu.wait_dma2 semaphore(%run_scoped3A : memref<!tpu.dma_semaphore, #tpu.memory_space<semaphore_mem>>) src(%dma_wait3A_184 : memref<1024xi32, #tpu.memory_space<hbm>>) dst(%arg7 : memref<1024xi32, #tpu.memory_space<vmem>>)
      tpu.yield
    }) : () -> ()
    %dma_start3A_17 = arith.constant 0 : i32
    %dma_start3A_18 = arith.constant 0 : i32
    %dma_start3A_19 = tpu.memref_slice %arg3[%dma_start3A_17, %dma_start3A_18] : memref<1000000x16xi32, #tpu.memory_space<hbm>> -> memref<1000000x16xi32, #tpu.memory_space<hbm>>
    tpu.enqueue_indirect_dma source(%dma_start3A_19 : memref<1000000x16xi32, #tpu.memory_space<hbm>>) target(%arg8 : memref<1024x16xi32, #tpu.memory_space<vmem>>) offsets(%arg7 : memref<1024xi32, #tpu.memory_space<vmem>>) semaphore(%arg10 : memref<!tpu.dma_semaphore, #tpu.memory_space<semaphore_mem>>)
    %dma_start3A_20 = arith.constant 0 : i32
    %dma_start3A_21 = tpu.memref_slice %arg4[%dma_start3A_20] : memref<1000000xf32, #tpu.memory_space<hbm>> -> memref<1000000xf32, #tpu.memory_space<hbm>>
    tpu.enqueue_indirect_dma source(%dma_start3A_21 : memref<1000000xf32, #tpu.memory_space<hbm>>) target(%arg9 : memref<1024xf32, #tpu.memory_space<vmem>>) offsets(%arg7 : memref<1024xi32, #tpu.memory_space<vmem>>) semaphore(%arg10 : memref<!tpu.dma_semaphore, #tpu.memory_space<semaphore_mem>>)
    %dma_wait3A_22 = arith.constant 0 : i32
    %dma_wait3A_23 = arith.constant 0 : i32
    %dma_wait3A_24 = tpu.memref_slice %arg3[%dma_wait3A_22, %dma_wait3A_23] : memref<1000000x16xi32, #tpu.memory_space<hbm>> -> memref<1000000x16xi32, #tpu.memory_space<hbm>>
    tpu.wait_indirect_dma semaphore(%arg10 : memref<!tpu.dma_semaphore, #tpu.memory_space<semaphore_mem>>) src(%dma_wait3A_24 : memref<1000000x16xi32, #tpu.memory_space<hbm>>) dst(%arg8 : memref<1024x16xi32, #tpu.memory_space<vmem>>)
    %dma_wait3A_25 = arith.constant 0 : i32
    %dma_wait3A_26 = tpu.memref_slice %arg4[%dma_wait3A_25] : memref<1000000xf32, #tpu.memory_space<hbm>> -> memref<1000000xf32, #tpu.memory_space<hbm>>
    tpu.wait_indirect_dma semaphore(%arg10 : memref<!tpu.dma_semaphore, #tpu.memory_space<semaphore_mem>>) src(%dma_wait3A_26 : memref<1000000xf32, #tpu.memory_space<hbm>>) dst(%arg9 : memref<1024xf32, #tpu.memory_space<vmem>>)
    "tpu.region"() ({
      %run_scoped3A = tpu.sem_alloc : memref<!tpu.dma_semaphore, #tpu.memory_space<semaphore_mem>>
      %dma_start3A_181 = arith.constant 0 : i32
      %dma_start3A_182 = tpu.memref_slice %arg5[%add3A_16, %dma_start3A_181] : memref<425984x16xi32, #tpu.memory_space<hbm>> -> memref<1024x16xi32, #tpu.memory_space<hbm>>
      %dma_start3A_183 = arith.constant 0 : i32
      %dma_start3A_184 = tpu.memref_slice %arg5[%add3A_16, %dma_start3A_183] : memref<425984x16xi32, #tpu.memory_space<hbm>> -> memref<1024x16xi32, #tpu.memory_space<hbm>>
      tpu.enqueue_dma source(%arg8 : memref<1024x16xi32, #tpu.memory_space<vmem>>) target(%dma_start3A_184 : memref<1024x16xi32, #tpu.memory_space<hbm>>) target_semaphore(%run_scoped3A : memref<!tpu.dma_semaphore, #tpu.memory_space<semaphore_mem>>)
      %dma_wait3A_185 = arith.constant 0 : i32
      %dma_wait3A_186 = tpu.memref_slice %arg5[%add3A_16, %dma_wait3A_185] : memref<425984x16xi32, #tpu.memory_space<hbm>> -> memref<1024x16xi32, #tpu.memory_space<hbm>>
      %dma_wait3A_187 = arith.constant 0 : i32
      %dma_wait3A_188 = tpu.memref_slice %arg5[%add3A_16, %dma_wait3A_187] : memref<425984x16xi32, #tpu.memory_space<hbm>> -> memref<1024x16xi32, #tpu.memory_space<hbm>>
      tpu.wait_dma2 semaphore(%run_scoped3A : memref<!tpu.dma_semaphore, #tpu.memory_space<semaphore_mem>>) src(%arg8 : memref<1024x16xi32, #tpu.memory_space<vmem>>) dst(%dma_wait3A_188 : memref<1024x16xi32, #tpu.memory_space<hbm>>)
      tpu.yield
    }) : () -> ()
    "tpu.region"() ({
      %run_scoped3A = tpu.sem_alloc : memref<!tpu.dma_semaphore, #tpu.memory_space<semaphore_mem>>
      %dma_start3A_181 = tpu.memref_slice %arg6[%add3A_16] : memref<425984xf32, #tpu.memory_space<hbm>> -> memref<1024xf32, #tpu.memory_space<hbm>>
      %dma_start3A_182 = tpu.memref_slice %arg6[%add3A_16] : memref<425984xf32, #tpu.memory_space<hbm>> -> memref<1024xf32, #tpu.memory_space<hbm>>
      tpu.enqueue_dma source(%arg9 : memref<1024xf32, #tpu.memory_space<vmem>>) target(%dma_start3A_182 : memref<1024xf32, #tpu.memory_space<hbm>>) target_semaphore(%run_scoped3A : memref<!tpu.dma_semaphore, #tpu.memory_space<semaphore_mem>>)
      %dma_wait3A_183 = tpu.memref_slice %arg6[%add3A_16] : memref<425984xf32, #tpu.memory_space<hbm>> -> memref<1024xf32, #tpu.memory_space<hbm>>
      %dma_wait3A_184 = tpu.memref_slice %arg6[%add3A_16] : memref<425984xf32, #tpu.memory_space<hbm>> -> memref<1024xf32, #tpu.memory_space<hbm>>
      tpu.wait_dma2 semaphore(%run_scoped3A : memref<!tpu.dma_semaphore, #tpu.memory_space<semaphore_mem>>) src(%arg9 : memref<1024xf32, #tpu.memory_space<vmem>>) dst(%dma_wait3A_184 : memref<1024xf32, #tpu.memory_space<hbm>>)
      tpu.yield
    }) : () -> ()
    %mul3A_27 = arith.constant 13312 : i32
    %mul3A_28 = arith.muli %add3A, %mul3A_27 : i32
    %add3A_29 = arith.constant 2048 : i32
    %add3A_30 = arith.addi %mul3A_28, %add3A_29 : i32
    "tpu.region"() ({
      %run_scoped3A = tpu.sem_alloc : memref<!tpu.dma_semaphore, #tpu.memory_space<semaphore_mem>>
      %dma_start3A_181 = tpu.memref_slice %arg2[%add3A_30] : memref<425984xi32, #tpu.memory_space<hbm>> -> memref<1024xi32, #tpu.memory_space<hbm>>
      %dma_start3A_182 = tpu.memref_slice %arg2[%add3A_30] : memref<425984xi32, #tpu.memory_space<hbm>> -> memref<1024xi32, #tpu.memory_space<hbm>>
      tpu.enqueue_dma source(%dma_start3A_182 : memref<1024xi32, #tpu.memory_space<hbm>>) target(%arg7 : memref<1024xi32, #tpu.memory_space<vmem>>) target_semaphore(%run_scoped3A : memref<!tpu.dma_semaphore, #tpu.memory_space<semaphore_mem>>)
      %dma_wait3A_183 = tpu.memref_slice %arg2[%add3A_30] : memref<425984xi32, #tpu.memory_space<hbm>> -> memref<1024xi32, #tpu.memory_space<hbm>>
      %dma_wait3A_184 = tpu.memref_slice %arg2[%add3A_30] : memref<425984xi32, #tpu.memory_space<hbm>> -> memref<1024xi32, #tpu.memory_space<hbm>>
      tpu.wait_dma2 semaphore(%run_scoped3A : memref<!tpu.dma_semaphore, #tpu.memory_space<semaphore_mem>>) src(%dma_wait3A_184 : memref<1024xi32, #tpu.memory_space<hbm>>) dst(%arg7 : memref<1024xi32, #tpu.memory_space<vmem>>)
      tpu.yield
    }) : () -> ()
    %dma_start3A_31 = arith.constant 0 : i32
    %dma_start3A_32 = arith.constant 0 : i32
    %dma_start3A_33 = tpu.memref_slice %arg3[%dma_start3A_31, %dma_start3A_32] : memref<1000000x16xi32, #tpu.memory_space<hbm>> -> memref<1000000x16xi32, #tpu.memory_space<hbm>>
    tpu.enqueue_indirect_dma source(%dma_start3A_33 : memref<1000000x16xi32, #tpu.memory_space<hbm>>) target(%arg8 : memref<1024x16xi32, #tpu.memory_space<vmem>>) offsets(%arg7 : memref<1024xi32, #tpu.memory_space<vmem>>) semaphore(%arg10 : memref<!tpu.dma_semaphore, #tpu.memory_space<semaphore_mem>>)
    %dma_start3A_34 = arith.constant 0 : i32
    %dma_start3A_35 = tpu.memref_slice %arg4[%dma_start3A_34] : memref<1000000xf32, #tpu.memory_space<hbm>> -> memref<1000000xf32, #tpu.memory_space<hbm>>
    tpu.enqueue_indirect_dma source(%dma_start3A_35 : memref<1000000xf32, #tpu.memory_space<hbm>>) target(%arg9 : memref<1024xf32, #tpu.memory_space<vmem>>) offsets(%arg7 : memref<1024xi32, #tpu.memory_space<vmem>>) semaphore(%arg10 : memref<!tpu.dma_semaphore, #tpu.memory_space<semaphore_mem>>)
    %dma_wait3A_36 = arith.constant 0 : i32
    %dma_wait3A_37 = arith.constant 0 : i32
    %dma_wait3A_38 = tpu.memref_slice %arg3[%dma_wait3A_36, %dma_wait3A_37] : memref<1000000x16xi32, #tpu.memory_space<hbm>> -> memref<1000000x16xi32, #tpu.memory_space<hbm>>
    tpu.wait_indirect_dma semaphore(%arg10 : memref<!tpu.dma_semaphore, #tpu.memory_space<semaphore_mem>>) src(%dma_wait3A_38 : memref<1000000x16xi32, #tpu.memory_space<hbm>>) dst(%arg8 : memref<1024x16xi32, #tpu.memory_space<vmem>>)
    %dma_wait3A_39 = arith.constant 0 : i32
    %dma_wait3A_40 = tpu.memref_slice %arg4[%dma_wait3A_39] : memref<1000000xf32, #tpu.memory_space<hbm>> -> memref<1000000xf32, #tpu.memory_space<hbm>>
    tpu.wait_indirect_dma semaphore(%arg10 : memref<!tpu.dma_semaphore, #tpu.memory_space<semaphore_mem>>) src(%dma_wait3A_40 : memref<1000000xf32, #tpu.memory_space<hbm>>) dst(%arg9 : memref<1024xf32, #tpu.memory_space<vmem>>)
    "tpu.region"() ({
      %run_scoped3A = tpu.sem_alloc : memref<!tpu.dma_semaphore, #tpu.memory_space<semaphore_mem>>
      %dma_start3A_181 = arith.constant 0 : i32
      %dma_start3A_182 = tpu.memref_slice %arg5[%add3A_30, %dma_start3A_181] : memref<425984x16xi32, #tpu.memory_space<hbm>> -> memref<1024x16xi32, #tpu.memory_space<hbm>>
      %dma_start3A_183 = arith.constant 0 : i32
      %dma_start3A_184 = tpu.memref_slice %arg5[%add3A_30, %dma_start3A_183] : memref<425984x16xi32, #tpu.memory_space<hbm>> -> memref<1024x16xi32, #tpu.memory_space<hbm>>
      tpu.enqueue_dma source(%arg8 : memref<1024x16xi32, #tpu.memory_space<vmem>>) target(%dma_start3A_184 : memref<1024x16xi32, #tpu.memory_space<hbm>>) target_semaphore(%run_scoped3A : memref<!tpu.dma_semaphore, #tpu.memory_space<semaphore_mem>>)
      %dma_wait3A_185 = arith.constant 0 : i32
      %dma_wait3A_186 = tpu.memref_slice %arg5[%add3A_30, %dma_wait3A_185] : memref<425984x16xi32, #tpu.memory_space<hbm>> -> memref<1024x16xi32, #tpu.memory_space<hbm>>
      %dma_wait3A_187 = arith.constant 0 : i32
      %dma_wait3A_188 = tpu.memref_slice %arg5[%add3A_30, %dma_wait3A_187] : memref<425984x16xi32, #tpu.memory_space<hbm>> -> memref<1024x16xi32, #tpu.memory_space<hbm>>
      tpu.wait_dma2 semaphore(%run_scoped3A : memref<!tpu.dma_semaphore, #tpu.memory_space<semaphore_mem>>) src(%arg8 : memref<1024x16xi32, #tpu.memory_space<vmem>>) dst(%dma_wait3A_188 : memref<1024x16xi32, #tpu.memory_space<hbm>>)
      tpu.yield
    }) : () -> ()
    "tpu.region"() ({
      %run_scoped3A = tpu.sem_alloc : memref<!tpu.dma_semaphore, #tpu.memory_space<semaphore_mem>>
      %dma_start3A_181 = tpu.memref_slice %arg6[%add3A_30] : memref<425984xf32, #tpu.memory_space<hbm>> -> memref<1024xf32, #tpu.memory_space<hbm>>
      %dma_start3A_182 = tpu.memref_slice %arg6[%add3A_30] : memref<425984xf32, #tpu.memory_space<hbm>> -> memref<1024xf32, #tpu.memory_space<hbm>>
      tpu.enqueue_dma source(%arg9 : memref<1024xf32, #tpu.memory_space<vmem>>) target(%dma_start3A_182 : memref<1024xf32, #tpu.memory_space<hbm>>) target_semaphore(%run_scoped3A : memref<!tpu.dma_semaphore, #tpu.memory_space<semaphore_mem>>)
      %dma_wait3A_183 = tpu.memref_slice %arg6[%add3A_30] : memref<425984xf32, #tpu.memory_space<hbm>> -> memref<1024xf32, #tpu.memory_space<hbm>>
      %dma_wait3A_184 = tpu.memref_slice %arg6[%add3A_30] : memref<425984xf32, #tpu.memory_space<hbm>> -> memref<1024xf32, #tpu.memory_space<hbm>>
      tpu.wait_dma2 semaphore(%run_scoped3A : memref<!tpu.dma_semaphore, #tpu.memory_space<semaphore_mem>>) src(%arg9 : memref<1024xf32, #tpu.memory_space<vmem>>) dst(%dma_wait3A_184 : memref<1024xf32, #tpu.memory_space<hbm>>)
      tpu.yield
    }) : () -> ()
    %mul3A_41 = arith.constant 13312 : i32
    %mul3A_42 = arith.muli %add3A, %mul3A_41 : i32
    %add3A_43 = arith.constant 3072 : i32
    %add3A_44 = arith.addi %mul3A_42, %add3A_43 : i32
    "tpu.region"() ({
      %run_scoped3A = tpu.sem_alloc : memref<!tpu.dma_semaphore, #tpu.memory_space<semaphore_mem>>
      %dma_start3A_181 = tpu.memref_slice %arg2[%add3A_44] : memref<425984xi32, #tpu.memory_space<hbm>> -> memref<1024xi32, #tpu.memory_space<hbm>>
      %dma_start3A_182 = tpu.memref_slice %arg2[%add3A_44] : memref<425984xi32, #tpu.memory_space<hbm>> -> memref<1024xi32, #tpu.memory_space<hbm>>
      tpu.enqueue_dma source(%dma_start3A_182 : memref<1024xi32, #tpu.memory_space<hbm>>) target(%arg7 : memref<1024xi32, #tpu.memory_space<vmem>>) target_semaphore(%run_scoped3A : memref<!tpu.dma_semaphore, #tpu.memory_space<semaphore_mem>>)
      %dma_wait3A_183 = tpu.memref_slice %arg2[%add3A_44] : memref<425984xi32, #tpu.memory_space<hbm>> -> memref<1024xi32, #tpu.memory_space<hbm>>
      %dma_wait3A_184 = tpu.memref_slice %arg2[%add3A_44] : memref<425984xi32, #tpu.memory_space<hbm>> -> memref<1024xi32, #tpu.memory_space<hbm>>
      tpu.wait_dma2 semaphore(%run_scoped3A : memref<!tpu.dma_semaphore, #tpu.memory_space<semaphore_mem>>) src(%dma_wait3A_184 : memref<1024xi32, #tpu.memory_space<hbm>>) dst(%arg7 : memref<1024xi32, #tpu.memory_space<vmem>>)
      tpu.yield
    }) : () -> ()
    %dma_start3A_45 = arith.constant 0 : i32
    %dma_start3A_46 = arith.constant 0 : i32
    %dma_start3A_47 = tpu.memref_slice %arg3[%dma_start3A_45, %dma_start3A_46] : memref<1000000x16xi32, #tpu.memory_space<hbm>> -> memref<1000000x16xi32, #tpu.memory_space<hbm>>
    tpu.enqueue_indirect_dma source(%dma_start3A_47 : memref<1000000x16xi32, #tpu.memory_space<hbm>>) target(%arg8 : memref<1024x16xi32, #tpu.memory_space<vmem>>) offsets(%arg7 : memref<1024xi32, #tpu.memory_space<vmem>>) semaphore(%arg10 : memref<!tpu.dma_semaphore, #tpu.memory_space<semaphore_mem>>)
    %dma_start3A_48 = arith.constant 0 : i32
    %dma_start3A_49 = tpu.memref_slice %arg4[%dma_start3A_48] : memref<1000000xf32, #tpu.memory_space<hbm>> -> memref<1000000xf32, #tpu.memory_space<hbm>>
    tpu.enqueue_indirect_dma source(%dma_start3A_49 : memref<1000000xf32, #tpu.memory_space<hbm>>) target(%arg9 : memref<1024xf32, #tpu.memory_space<vmem>>) offsets(%arg7 : memref<1024xi32, #tpu.memory_space<vmem>>) semaphore(%arg10 : memref<!tpu.dma_semaphore, #tpu.memory_space<semaphore_mem>>)
    %dma_wait3A_50 = arith.constant 0 : i32
    %dma_wait3A_51 = arith.constant 0 : i32
    %dma_wait3A_52 = tpu.memref_slice %arg3[%dma_wait3A_50, %dma_wait3A_51] : memref<1000000x16xi32, #tpu.memory_space<hbm>> -> memref<1000000x16xi32, #tpu.memory_space<hbm>>
    tpu.wait_indirect_dma semaphore(%arg10 : memref<!tpu.dma_semaphore, #tpu.memory_space<semaphore_mem>>) src(%dma_wait3A_52 : memref<1000000x16xi32, #tpu.memory_space<hbm>>) dst(%arg8 : memref<1024x16xi32, #tpu.memory_space<vmem>>)
    %dma_wait3A_53 = arith.constant 0 : i32
    %dma_wait3A_54 = tpu.memref_slice %arg4[%dma_wait3A_53] : memref<1000000xf32, #tpu.memory_space<hbm>> -> memref<1000000xf32, #tpu.memory_space<hbm>>
    tpu.wait_indirect_dma semaphore(%arg10 : memref<!tpu.dma_semaphore, #tpu.memory_space<semaphore_mem>>) src(%dma_wait3A_54 : memref<1000000xf32, #tpu.memory_space<hbm>>) dst(%arg9 : memref<1024xf32, #tpu.memory_space<vmem>>)
    "tpu.region"() ({
      %run_scoped3A = tpu.sem_alloc : memref<!tpu.dma_semaphore, #tpu.memory_space<semaphore_mem>>
      %dma_start3A_181 = arith.constant 0 : i32
      %dma_start3A_182 = tpu.memref_slice %arg5[%add3A_44, %dma_start3A_181] : memref<425984x16xi32, #tpu.memory_space<hbm>> -> memref<1024x16xi32, #tpu.memory_space<hbm>>
      %dma_start3A_183 = arith.constant 0 : i32
      %dma_start3A_184 = tpu.memref_slice %arg5[%add3A_44, %dma_start3A_183] : memref<425984x16xi32, #tpu.memory_space<hbm>> -> memref<1024x16xi32, #tpu.memory_space<hbm>>
      tpu.enqueue_dma source(%arg8 : memref<1024x16xi32, #tpu.memory_space<vmem>>) target(%dma_start3A_184 : memref<1024x16xi32, #tpu.memory_space<hbm>>) target_semaphore(%run_scoped3A : memref<!tpu.dma_semaphore, #tpu.memory_space<semaphore_mem>>)
      %dma_wait3A_185 = arith.constant 0 : i32
      %dma_wait3A_186 = tpu.memref_slice %arg5[%add3A_44, %dma_wait3A_185] : memref<425984x16xi32, #tpu.memory_space<hbm>> -> memref<1024x16xi32, #tpu.memory_space<hbm>>
      %dma_wait3A_187 = arith.constant 0 : i32
      %dma_wait3A_188 = tpu.memref_slice %arg5[%add3A_44, %dma_wait3A_187] : memref<425984x16xi32, #tpu.memory_space<hbm>> -> memref<1024x16xi32, #tpu.memory_space<hbm>>
      tpu.wait_dma2 semaphore(%run_scoped3A : memref<!tpu.dma_semaphore, #tpu.memory_space<semaphore_mem>>) src(%arg8 : memref<1024x16xi32, #tpu.memory_space<vmem>>) dst(%dma_wait3A_188 : memref<1024x16xi32, #tpu.memory_space<hbm>>)
      tpu.yield
    }) : () -> ()
    "tpu.region"() ({
      %run_scoped3A = tpu.sem_alloc : memref<!tpu.dma_semaphore, #tpu.memory_space<semaphore_mem>>
      %dma_start3A_181 = tpu.memref_slice %arg6[%add3A_44] : memref<425984xf32, #tpu.memory_space<hbm>> -> memref<1024xf32, #tpu.memory_space<hbm>>
      %dma_start3A_182 = tpu.memref_slice %arg6[%add3A_44] : memref<425984xf32, #tpu.memory_space<hbm>> -> memref<1024xf32, #tpu.memory_space<hbm>>
      tpu.enqueue_dma source(%arg9 : memref<1024xf32, #tpu.memory_space<vmem>>) target(%dma_start3A_182 : memref<1024xf32, #tpu.memory_space<hbm>>) target_semaphore(%run_scoped3A : memref<!tpu.dma_semaphore, #tpu.memory_space<semaphore_mem>>)
      %dma_wait3A_183 = tpu.memref_slice %arg6[%add3A_44] : memref<425984xf32, #tpu.memory_space<hbm>> -> memref<1024xf32, #tpu.memory_space<hbm>>
      %dma_wait3A_184 = tpu.memref_slice %arg6[%add3A_44] : memref<425984xf32, #tpu.memory_space<hbm>> -> memref<1024xf32, #tpu.memory_space<hbm>>
      tpu.wait_dma2 semaphore(%run_scoped3A : memref<!tpu.dma_semaphore, #tpu.memory_space<semaphore_mem>>) src(%arg9 : memref<1024xf32, #tpu.memory_space<vmem>>) dst(%dma_wait3A_184 : memref<1024xf32, #tpu.memory_space<hbm>>)
      tpu.yield
    }) : () -> ()
    %mul3A_55 = arith.constant 13312 : i32
    %mul3A_56 = arith.muli %add3A, %mul3A_55 : i32
    %add3A_57 = arith.constant 4096 : i32
    %add3A_58 = arith.addi %mul3A_56, %add3A_57 : i32
    "tpu.region"() ({
      %run_scoped3A = tpu.sem_alloc : memref<!tpu.dma_semaphore, #tpu.memory_space<semaphore_mem>>
      %dma_start3A_181 = tpu.memref_slice %arg2[%add3A_58] : memref<425984xi32, #tpu.memory_space<hbm>> -> memref<1024xi32, #tpu.memory_space<hbm>>
      %dma_start3A_182 = tpu.memref_slice %arg2[%add3A_58] : memref<425984xi32, #tpu.memory_space<hbm>> -> memref<1024xi32, #tpu.memory_space<hbm>>
      tpu.enqueue_dma source(%dma_start3A_182 : memref<1024xi32, #tpu.memory_space<hbm>>) target(%arg7 : memref<1024xi32, #tpu.memory_space<vmem>>) target_semaphore(%run_scoped3A : memref<!tpu.dma_semaphore, #tpu.memory_space<semaphore_mem>>)
      %dma_wait3A_183 = tpu.memref_slice %arg2[%add3A_58] : memref<425984xi32, #tpu.memory_space<hbm>> -> memref<1024xi32, #tpu.memory_space<hbm>>
      %dma_wait3A_184 = tpu.memref_slice %arg2[%add3A_58] : memref<425984xi32, #tpu.memory_space<hbm>> -> memref<1024xi32, #tpu.memory_space<hbm>>
      tpu.wait_dma2 semaphore(%run_scoped3A : memref<!tpu.dma_semaphore, #tpu.memory_space<semaphore_mem>>) src(%dma_wait3A_184 : memref<1024xi32, #tpu.memory_space<hbm>>) dst(%arg7 : memref<1024xi32, #tpu.memory_space<vmem>>)
      tpu.yield
    }) : () -> ()
    %dma_start3A_59 = arith.constant 0 : i32
    %dma_start3A_60 = arith.constant 0 : i32
    %dma_start3A_61 = tpu.memref_slice %arg3[%dma_start3A_59, %dma_start3A_60] : memref<1000000x16xi32, #tpu.memory_space<hbm>> -> memref<1000000x16xi32, #tpu.memory_space<hbm>>
    tpu.enqueue_indirect_dma source(%dma_start3A_61 : memref<1000000x16xi32, #tpu.memory_space<hbm>>) target(%arg8 : memref<1024x16xi32, #tpu.memory_space<vmem>>) offsets(%arg7 : memref<1024xi32, #tpu.memory_space<vmem>>) semaphore(%arg10 : memref<!tpu.dma_semaphore, #tpu.memory_space<semaphore_mem>>)
    %dma_start3A_62 = arith.constant 0 : i32
    %dma_start3A_63 = tpu.memref_slice %arg4[%dma_start3A_62] : memref<1000000xf32, #tpu.memory_space<hbm>> -> memref<1000000xf32, #tpu.memory_space<hbm>>
    tpu.enqueue_indirect_dma source(%dma_start3A_63 : memref<1000000xf32, #tpu.memory_space<hbm>>) target(%arg9 : memref<1024xf32, #tpu.memory_space<vmem>>) offsets(%arg7 : memref<1024xi32, #tpu.memory_space<vmem>>) semaphore(%arg10 : memref<!tpu.dma_semaphore, #tpu.memory_space<semaphore_mem>>)
    %dma_wait3A_64 = arith.constant 0 : i32
    %dma_wait3A_65 = arith.constant 0 : i32
    %dma_wait3A_66 = tpu.memref_slice %arg3[%dma_wait3A_64, %dma_wait3A_65] : memref<1000000x16xi32, #tpu.memory_space<hbm>> -> memref<1000000x16xi32, #tpu.memory_space<hbm>>
    tpu.wait_indirect_dma semaphore(%arg10 : memref<!tpu.dma_semaphore, #tpu.memory_space<semaphore_mem>>) src(%dma_wait3A_66 : memref<1000000x16xi32, #tpu.memory_space<hbm>>) dst(%arg8 : memref<1024x16xi32, #tpu.memory_space<vmem>>)
    %dma_wait3A_67 = arith.constant 0 : i32
    %dma_wait3A_68 = tpu.memref_slice %arg4[%dma_wait3A_67] : memref<1000000xf32, #tpu.memory_space<hbm>> -> memref<1000000xf32, #tpu.memory_space<hbm>>
    tpu.wait_indirect_dma semaphore(%arg10 : memref<!tpu.dma_semaphore, #tpu.memory_space<semaphore_mem>>) src(%dma_wait3A_68 : memref<1000000xf32, #tpu.memory_space<hbm>>) dst(%arg9 : memref<1024xf32, #tpu.memory_space<vmem>>)
    "tpu.region"() ({
      %run_scoped3A = tpu.sem_alloc : memref<!tpu.dma_semaphore, #tpu.memory_space<semaphore_mem>>
      %dma_start3A_181 = arith.constant 0 : i32
      %dma_start3A_182 = tpu.memref_slice %arg5[%add3A_58, %dma_start3A_181] : memref<425984x16xi32, #tpu.memory_space<hbm>> -> memref<1024x16xi32, #tpu.memory_space<hbm>>
      %dma_start3A_183 = arith.constant 0 : i32
      %dma_start3A_184 = tpu.memref_slice %arg5[%add3A_58, %dma_start3A_183] : memref<425984x16xi32, #tpu.memory_space<hbm>> -> memref<1024x16xi32, #tpu.memory_space<hbm>>
      tpu.enqueue_dma source(%arg8 : memref<1024x16xi32, #tpu.memory_space<vmem>>) target(%dma_start3A_184 : memref<1024x16xi32, #tpu.memory_space<hbm>>) target_semaphore(%run_scoped3A : memref<!tpu.dma_semaphore, #tpu.memory_space<semaphore_mem>>)
      %dma_wait3A_185 = arith.constant 0 : i32
      %dma_wait3A_186 = tpu.memref_slice %arg5[%add3A_58, %dma_wait3A_185] : memref<425984x16xi32, #tpu.memory_space<hbm>> -> memref<1024x16xi32, #tpu.memory_space<hbm>>
      %dma_wait3A_187 = arith.constant 0 : i32
      %dma_wait3A_188 = tpu.memref_slice %arg5[%add3A_58, %dma_wait3A_187] : memref<425984x16xi32, #tpu.memory_space<hbm>> -> memref<1024x16xi32, #tpu.memory_space<hbm>>
      tpu.wait_dma2 semaphore(%run_scoped3A : memref<!tpu.dma_semaphore, #tpu.memory_space<semaphore_mem>>) src(%arg8 : memref<1024x16xi32, #tpu.memory_space<vmem>>) dst(%dma_wait3A_188 : memref<1024x16xi32, #tpu.memory_space<hbm>>)
      tpu.yield
    }) : () -> ()
    "tpu.region"() ({
      %run_scoped3A = tpu.sem_alloc : memref<!tpu.dma_semaphore, #tpu.memory_space<semaphore_mem>>
      %dma_start3A_181 = tpu.memref_slice %arg6[%add3A_58] : memref<425984xf32, #tpu.memory_space<hbm>> -> memref<1024xf32, #tpu.memory_space<hbm>>
      %dma_start3A_182 = tpu.memref_slice %arg6[%add3A_58] : memref<425984xf32, #tpu.memory_space<hbm>> -> memref<1024xf32, #tpu.memory_space<hbm>>
      tpu.enqueue_dma source(%arg9 : memref<1024xf32, #tpu.memory_space<vmem>>) target(%dma_start3A_182 : memref<1024xf32, #tpu.memory_space<hbm>>) target_semaphore(%run_scoped3A : memref<!tpu.dma_semaphore, #tpu.memory_space<semaphore_mem>>)
      %dma_wait3A_183 = tpu.memref_slice %arg6[%add3A_58] : memref<425984xf32, #tpu.memory_space<hbm>> -> memref<1024xf32, #tpu.memory_space<hbm>>
      %dma_wait3A_184 = tpu.memref_slice %arg6[%add3A_58] : memref<425984xf32, #tpu.memory_space<hbm>> -> memref<1024xf32, #tpu.memory_space<hbm>>
      tpu.wait_dma2 semaphore(%run_scoped3A : memref<!tpu.dma_semaphore, #tpu.memory_space<semaphore_mem>>) src(%arg9 : memref<1024xf32, #tpu.memory_space<vmem>>) dst(%dma_wait3A_184 : memref<1024xf32, #tpu.memory_space<hbm>>)
      tpu.yield
    }) : () -> ()
    %mul3A_69 = arith.constant 13312 : i32
    %mul3A_70 = arith.muli %add3A, %mul3A_69 : i32
    %add3A_71 = arith.constant 5120 : i32
    %add3A_72 = arith.addi %mul3A_70, %add3A_71 : i32
    "tpu.region"() ({
      %run_scoped3A = tpu.sem_alloc : memref<!tpu.dma_semaphore, #tpu.memory_space<semaphore_mem>>
      %dma_start3A_181 = tpu.memref_slice %arg2[%add3A_72] : memref<425984xi32, #tpu.memory_space<hbm>> -> memref<1024xi32, #tpu.memory_space<hbm>>
      %dma_start3A_182 = tpu.memref_slice %arg2[%add3A_72] : memref<425984xi32, #tpu.memory_space<hbm>> -> memref<1024xi32, #tpu.memory_space<hbm>>
      tpu.enqueue_dma source(%dma_start3A_182 : memref<1024xi32, #tpu.memory_space<hbm>>) target(%arg7 : memref<1024xi32, #tpu.memory_space<vmem>>) target_semaphore(%run_scoped3A : memref<!tpu.dma_semaphore, #tpu.memory_space<semaphore_mem>>)
      %dma_wait3A_183 = tpu.memref_slice %arg2[%add3A_72] : memref<425984xi32, #tpu.memory_space<hbm>> -> memref<1024xi32, #tpu.memory_space<hbm>>
      %dma_wait3A_184 = tpu.memref_slice %arg2[%add3A_72] : memref<425984xi32, #tpu.memory_space<hbm>> -> memref<1024xi32, #tpu.memory_space<hbm>>
      tpu.wait_dma2 semaphore(%run_scoped3A : memref<!tpu.dma_semaphore, #tpu.memory_space<semaphore_mem>>) src(%dma_wait3A_184 : memref<1024xi32, #tpu.memory_space<hbm>>) dst(%arg7 : memref<1024xi32, #tpu.memory_space<vmem>>)
      tpu.yield
    }) : () -> ()
    %dma_start3A_73 = arith.constant 0 : i32
    %dma_start3A_74 = arith.constant 0 : i32
    %dma_start3A_75 = tpu.memref_slice %arg3[%dma_start3A_73, %dma_start3A_74] : memref<1000000x16xi32, #tpu.memory_space<hbm>> -> memref<1000000x16xi32, #tpu.memory_space<hbm>>
    tpu.enqueue_indirect_dma source(%dma_start3A_75 : memref<1000000x16xi32, #tpu.memory_space<hbm>>) target(%arg8 : memref<1024x16xi32, #tpu.memory_space<vmem>>) offsets(%arg7 : memref<1024xi32, #tpu.memory_space<vmem>>) semaphore(%arg10 : memref<!tpu.dma_semaphore, #tpu.memory_space<semaphore_mem>>)
    %dma_start3A_76 = arith.constant 0 : i32
    %dma_start3A_77 = tpu.memref_slice %arg4[%dma_start3A_76] : memref<1000000xf32, #tpu.memory_space<hbm>> -> memref<1000000xf32, #tpu.memory_space<hbm>>
    tpu.enqueue_indirect_dma source(%dma_start3A_77 : memref<1000000xf32, #tpu.memory_space<hbm>>) target(%arg9 : memref<1024xf32, #tpu.memory_space<vmem>>) offsets(%arg7 : memref<1024xi32, #tpu.memory_space<vmem>>) semaphore(%arg10 : memref<!tpu.dma_semaphore, #tpu.memory_space<semaphore_mem>>)
    %dma_wait3A_78 = arith.constant 0 : i32
    %dma_wait3A_79 = arith.constant 0 : i32
    %dma_wait3A_80 = tpu.memref_slice %arg3[%dma_wait3A_78, %dma_wait3A_79] : memref<1000000x16xi32, #tpu.memory_space<hbm>> -> memref<1000000x16xi32, #tpu.memory_space<hbm>>
    tpu.wait_indirect_dma semaphore(%arg10 : memref<!tpu.dma_semaphore, #tpu.memory_space<semaphore_mem>>) src(%dma_wait3A_80 : memref<1000000x16xi32, #tpu.memory_space<hbm>>) dst(%arg8 : memref<1024x16xi32, #tpu.memory_space<vmem>>)
    %dma_wait3A_81 = arith.constant 0 : i32
    %dma_wait3A_82 = tpu.memref_slice %arg4[%dma_wait3A_81] : memref<1000000xf32, #tpu.memory_space<hbm>> -> memref<1000000xf32, #tpu.memory_space<hbm>>
    tpu.wait_indirect_dma semaphore(%arg10 : memref<!tpu.dma_semaphore, #tpu.memory_space<semaphore_mem>>) src(%dma_wait3A_82 : memref<1000000xf32, #tpu.memory_space<hbm>>) dst(%arg9 : memref<1024xf32, #tpu.memory_space<vmem>>)
    "tpu.region"() ({
      %run_scoped3A = tpu.sem_alloc : memref<!tpu.dma_semaphore, #tpu.memory_space<semaphore_mem>>
      %dma_start3A_181 = arith.constant 0 : i32
      %dma_start3A_182 = tpu.memref_slice %arg5[%add3A_72, %dma_start3A_181] : memref<425984x16xi32, #tpu.memory_space<hbm>> -> memref<1024x16xi32, #tpu.memory_space<hbm>>
      %dma_start3A_183 = arith.constant 0 : i32
      %dma_start3A_184 = tpu.memref_slice %arg5[%add3A_72, %dma_start3A_183] : memref<425984x16xi32, #tpu.memory_space<hbm>> -> memref<1024x16xi32, #tpu.memory_space<hbm>>
      tpu.enqueue_dma source(%arg8 : memref<1024x16xi32, #tpu.memory_space<vmem>>) target(%dma_start3A_184 : memref<1024x16xi32, #tpu.memory_space<hbm>>) target_semaphore(%run_scoped3A : memref<!tpu.dma_semaphore, #tpu.memory_space<semaphore_mem>>)
      %dma_wait3A_185 = arith.constant 0 : i32
      %dma_wait3A_186 = tpu.memref_slice %arg5[%add3A_72, %dma_wait3A_185] : memref<425984x16xi32, #tpu.memory_space<hbm>> -> memref<1024x16xi32, #tpu.memory_space<hbm>>
      %dma_wait3A_187 = arith.constant 0 : i32
      %dma_wait3A_188 = tpu.memref_slice %arg5[%add3A_72, %dma_wait3A_187] : memref<425984x16xi32, #tpu.memory_space<hbm>> -> memref<1024x16xi32, #tpu.memory_space<hbm>>
      tpu.wait_dma2 semaphore(%run_scoped3A : memref<!tpu.dma_semaphore, #tpu.memory_space<semaphore_mem>>) src(%arg8 : memref<1024x16xi32, #tpu.memory_space<vmem>>) dst(%dma_wait3A_188 : memref<1024x16xi32, #tpu.memory_space<hbm>>)
      tpu.yield
    }) : () -> ()
    "tpu.region"() ({
      %run_scoped3A = tpu.sem_alloc : memref<!tpu.dma_semaphore, #tpu.memory_space<semaphore_mem>>
      %dma_start3A_181 = tpu.memref_slice %arg6[%add3A_72] : memref<425984xf32, #tpu.memory_space<hbm>> -> memref<1024xf32, #tpu.memory_space<hbm>>
      %dma_start3A_182 = tpu.memref_slice %arg6[%add3A_72] : memref<425984xf32, #tpu.memory_space<hbm>> -> memref<1024xf32, #tpu.memory_space<hbm>>
      tpu.enqueue_dma source(%arg9 : memref<1024xf32, #tpu.memory_space<vmem>>) target(%dma_start3A_182 : memref<1024xf32, #tpu.memory_space<hbm>>) target_semaphore(%run_scoped3A : memref<!tpu.dma_semaphore, #tpu.memory_space<semaphore_mem>>)
      %dma_wait3A_183 = tpu.memref_slice %arg6[%add3A_72] : memref<425984xf32, #tpu.memory_space<hbm>> -> memref<1024xf32, #tpu.memory_space<hbm>>
      %dma_wait3A_184 = tpu.memref_slice %arg6[%add3A_72] : memref<425984xf32, #tpu.memory_space<hbm>> -> memref<1024xf32, #tpu.memory_space<hbm>>
      tpu.wait_dma2 semaphore(%run_scoped3A : memref<!tpu.dma_semaphore, #tpu.memory_space<semaphore_mem>>) src(%arg9 : memref<1024xf32, #tpu.memory_space<vmem>>) dst(%dma_wait3A_184 : memref<1024xf32, #tpu.memory_space<hbm>>)
      tpu.yield
    }) : () -> ()
    %mul3A_83 = arith.constant 13312 : i32
    %mul3A_84 = arith.muli %add3A, %mul3A_83 : i32
    %add3A_85 = arith.constant 6144 : i32
    %add3A_86 = arith.addi %mul3A_84, %add3A_85 : i32
    "tpu.region"() ({
      %run_scoped3A = tpu.sem_alloc : memref<!tpu.dma_semaphore, #tpu.memory_space<semaphore_mem>>
      %dma_start3A_181 = tpu.memref_slice %arg2[%add3A_86] : memref<425984xi32, #tpu.memory_space<hbm>> -> memref<1024xi32, #tpu.memory_space<hbm>>
      %dma_start3A_182 = tpu.memref_slice %arg2[%add3A_86] : memref<425984xi32, #tpu.memory_space<hbm>> -> memref<1024xi32, #tpu.memory_space<hbm>>
      tpu.enqueue_dma source(%dma_start3A_182 : memref<1024xi32, #tpu.memory_space<hbm>>) target(%arg7 : memref<1024xi32, #tpu.memory_space<vmem>>) target_semaphore(%run_scoped3A : memref<!tpu.dma_semaphore, #tpu.memory_space<semaphore_mem>>)
      %dma_wait3A_183 = tpu.memref_slice %arg2[%add3A_86] : memref<425984xi32, #tpu.memory_space<hbm>> -> memref<1024xi32, #tpu.memory_space<hbm>>
      %dma_wait3A_184 = tpu.memref_slice %arg2[%add3A_86] : memref<425984xi32, #tpu.memory_space<hbm>> -> memref<1024xi32, #tpu.memory_space<hbm>>
      tpu.wait_dma2 semaphore(%run_scoped3A : memref<!tpu.dma_semaphore, #tpu.memory_space<semaphore_mem>>) src(%dma_wait3A_184 : memref<1024xi32, #tpu.memory_space<hbm>>) dst(%arg7 : memref<1024xi32, #tpu.memory_space<vmem>>)
      tpu.yield
    }) : () -> ()
    %dma_start3A_87 = arith.constant 0 : i32
    %dma_start3A_88 = arith.constant 0 : i32
    %dma_start3A_89 = tpu.memref_slice %arg3[%dma_start3A_87, %dma_start3A_88] : memref<1000000x16xi32, #tpu.memory_space<hbm>> -> memref<1000000x16xi32, #tpu.memory_space<hbm>>
    tpu.enqueue_indirect_dma source(%dma_start3A_89 : memref<1000000x16xi32, #tpu.memory_space<hbm>>) target(%arg8 : memref<1024x16xi32, #tpu.memory_space<vmem>>) offsets(%arg7 : memref<1024xi32, #tpu.memory_space<vmem>>) semaphore(%arg10 : memref<!tpu.dma_semaphore, #tpu.memory_space<semaphore_mem>>)
    %dma_start3A_90 = arith.constant 0 : i32
    %dma_start3A_91 = tpu.memref_slice %arg4[%dma_start3A_90] : memref<1000000xf32, #tpu.memory_space<hbm>> -> memref<1000000xf32, #tpu.memory_space<hbm>>
    tpu.enqueue_indirect_dma source(%dma_start3A_91 : memref<1000000xf32, #tpu.memory_space<hbm>>) target(%arg9 : memref<1024xf32, #tpu.memory_space<vmem>>) offsets(%arg7 : memref<1024xi32, #tpu.memory_space<vmem>>) semaphore(%arg10 : memref<!tpu.dma_semaphore, #tpu.memory_space<semaphore_mem>>)
    %dma_wait3A_92 = arith.constant 0 : i32
    %dma_wait3A_93 = arith.constant 0 : i32
    %dma_wait3A_94 = tpu.memref_slice %arg3[%dma_wait3A_92, %dma_wait3A_93] : memref<1000000x16xi32, #tpu.memory_space<hbm>> -> memref<1000000x16xi32, #tpu.memory_space<hbm>>
    tpu.wait_indirect_dma semaphore(%arg10 : memref<!tpu.dma_semaphore, #tpu.memory_space<semaphore_mem>>) src(%dma_wait3A_94 : memref<1000000x16xi32, #tpu.memory_space<hbm>>) dst(%arg8 : memref<1024x16xi32, #tpu.memory_space<vmem>>)
    %dma_wait3A_95 = arith.constant 0 : i32
    %dma_wait3A_96 = tpu.memref_slice %arg4[%dma_wait3A_95] : memref<1000000xf32, #tpu.memory_space<hbm>> -> memref<1000000xf32, #tpu.memory_space<hbm>>
    tpu.wait_indirect_dma semaphore(%arg10 : memref<!tpu.dma_semaphore, #tpu.memory_space<semaphore_mem>>) src(%dma_wait3A_96 : memref<1000000xf32, #tpu.memory_space<hbm>>) dst(%arg9 : memref<1024xf32, #tpu.memory_space<vmem>>)
    "tpu.region"() ({
      %run_scoped3A = tpu.sem_alloc : memref<!tpu.dma_semaphore, #tpu.memory_space<semaphore_mem>>
      %dma_start3A_181 = arith.constant 0 : i32
      %dma_start3A_182 = tpu.memref_slice %arg5[%add3A_86, %dma_start3A_181] : memref<425984x16xi32, #tpu.memory_space<hbm>> -> memref<1024x16xi32, #tpu.memory_space<hbm>>
      %dma_start3A_183 = arith.constant 0 : i32
      %dma_start3A_184 = tpu.memref_slice %arg5[%add3A_86, %dma_start3A_183] : memref<425984x16xi32, #tpu.memory_space<hbm>> -> memref<1024x16xi32, #tpu.memory_space<hbm>>
      tpu.enqueue_dma source(%arg8 : memref<1024x16xi32, #tpu.memory_space<vmem>>) target(%dma_start3A_184 : memref<1024x16xi32, #tpu.memory_space<hbm>>) target_semaphore(%run_scoped3A : memref<!tpu.dma_semaphore, #tpu.memory_space<semaphore_mem>>)
      %dma_wait3A_185 = arith.constant 0 : i32
      %dma_wait3A_186 = tpu.memref_slice %arg5[%add3A_86, %dma_wait3A_185] : memref<425984x16xi32, #tpu.memory_space<hbm>> -> memref<1024x16xi32, #tpu.memory_space<hbm>>
      %dma_wait3A_187 = arith.constant 0 : i32
      %dma_wait3A_188 = tpu.memref_slice %arg5[%add3A_86, %dma_wait3A_187] : memref<425984x16xi32, #tpu.memory_space<hbm>> -> memref<1024x16xi32, #tpu.memory_space<hbm>>
      tpu.wait_dma2 semaphore(%run_scoped3A : memref<!tpu.dma_semaphore, #tpu.memory_space<semaphore_mem>>) src(%arg8 : memref<1024x16xi32, #tpu.memory_space<vmem>>) dst(%dma_wait3A_188 : memref<1024x16xi32, #tpu.memory_space<hbm>>)
      tpu.yield
    }) : () -> ()
    "tpu.region"() ({
      %run_scoped3A = tpu.sem_alloc : memref<!tpu.dma_semaphore, #tpu.memory_space<semaphore_mem>>
      %dma_start3A_181 = tpu.memref_slice %arg6[%add3A_86] : memref<425984xf32, #tpu.memory_space<hbm>> -> memref<1024xf32, #tpu.memory_space<hbm>>
      %dma_start3A_182 = tpu.memref_slice %arg6[%add3A_86] : memref<425984xf32, #tpu.memory_space<hbm>> -> memref<1024xf32, #tpu.memory_space<hbm>>
      tpu.enqueue_dma source(%arg9 : memref<1024xf32, #tpu.memory_space<vmem>>) target(%dma_start3A_182 : memref<1024xf32, #tpu.memory_space<hbm>>) target_semaphore(%run_scoped3A : memref<!tpu.dma_semaphore, #tpu.memory_space<semaphore_mem>>)
      %dma_wait3A_183 = tpu.memref_slice %arg6[%add3A_86] : memref<425984xf32, #tpu.memory_space<hbm>> -> memref<1024xf32, #tpu.memory_space<hbm>>
      %dma_wait3A_184 = tpu.memref_slice %arg6[%add3A_86] : memref<425984xf32, #tpu.memory_space<hbm>> -> memref<1024xf32, #tpu.memory_space<hbm>>
      tpu.wait_dma2 semaphore(%run_scoped3A : memref<!tpu.dma_semaphore, #tpu.memory_space<semaphore_mem>>) src(%arg9 : memref<1024xf32, #tpu.memory_space<vmem>>) dst(%dma_wait3A_184 : memref<1024xf32, #tpu.memory_space<hbm>>)
      tpu.yield
    }) : () -> ()
    %mul3A_97 = arith.constant 13312 : i32
    %mul3A_98 = arith.muli %add3A, %mul3A_97 : i32
    %add3A_99 = arith.constant 7168 : i32
    %add3A_100 = arith.addi %mul3A_98, %add3A_99 : i32
    "tpu.region"() ({
      %run_scoped3A = tpu.sem_alloc : memref<!tpu.dma_semaphore, #tpu.memory_space<semaphore_mem>>
      %dma_start3A_181 = tpu.memref_slice %arg2[%add3A_100] : memref<425984xi32, #tpu.memory_space<hbm>> -> memref<1024xi32, #tpu.memory_space<hbm>>
      %dma_start3A_182 = tpu.memref_slice %arg2[%add3A_100] : memref<425984xi32, #tpu.memory_space<hbm>> -> memref<1024xi32, #tpu.memory_space<hbm>>
      tpu.enqueue_dma source(%dma_start3A_182 : memref<1024xi32, #tpu.memory_space<hbm>>) target(%arg7 : memref<1024xi32, #tpu.memory_space<vmem>>) target_semaphore(%run_scoped3A : memref<!tpu.dma_semaphore, #tpu.memory_space<semaphore_mem>>)
      %dma_wait3A_183 = tpu.memref_slice %arg2[%add3A_100] : memref<425984xi32, #tpu.memory_space<hbm>> -> memref<1024xi32, #tpu.memory_space<hbm>>
      %dma_wait3A_184 = tpu.memref_slice %arg2[%add3A_100] : memref<425984xi32, #tpu.memory_space<hbm>> -> memref<1024xi32, #tpu.memory_space<hbm>>
      tpu.wait_dma2 semaphore(%run_scoped3A : memref<!tpu.dma_semaphore, #tpu.memory_space<semaphore_mem>>) src(%dma_wait3A_184 : memref<1024xi32, #tpu.memory_space<hbm>>) dst(%arg7 : memref<1024xi32, #tpu.memory_space<vmem>>)
      tpu.yield
    }) : () -> ()
    %dma_start3A_101 = arith.constant 0 : i32
    %dma_start3A_102 = arith.constant 0 : i32
    %dma_start3A_103 = tpu.memref_slice %arg3[%dma_start3A_101, %dma_start3A_102] : memref<1000000x16xi32, #tpu.memory_space<hbm>> -> memref<1000000x16xi32, #tpu.memory_space<hbm>>
    tpu.enqueue_indirect_dma source(%dma_start3A_103 : memref<1000000x16xi32, #tpu.memory_space<hbm>>) target(%arg8 : memref<1024x16xi32, #tpu.memory_space<vmem>>) offsets(%arg7 : memref<1024xi32, #tpu.memory_space<vmem>>) semaphore(%arg10 : memref<!tpu.dma_semaphore, #tpu.memory_space<semaphore_mem>>)
    %dma_start3A_104 = arith.constant 0 : i32
    %dma_start3A_105 = tpu.memref_slice %arg4[%dma_start3A_104] : memref<1000000xf32, #tpu.memory_space<hbm>> -> memref<1000000xf32, #tpu.memory_space<hbm>>
    tpu.enqueue_indirect_dma source(%dma_start3A_105 : memref<1000000xf32, #tpu.memory_space<hbm>>) target(%arg9 : memref<1024xf32, #tpu.memory_space<vmem>>) offsets(%arg7 : memref<1024xi32, #tpu.memory_space<vmem>>) semaphore(%arg10 : memref<!tpu.dma_semaphore, #tpu.memory_space<semaphore_mem>>)
    %dma_wait3A_106 = arith.constant 0 : i32
    %dma_wait3A_107 = arith.constant 0 : i32
    %dma_wait3A_108 = tpu.memref_slice %arg3[%dma_wait3A_106, %dma_wait3A_107] : memref<1000000x16xi32, #tpu.memory_space<hbm>> -> memref<1000000x16xi32, #tpu.memory_space<hbm>>
    tpu.wait_indirect_dma semaphore(%arg10 : memref<!tpu.dma_semaphore, #tpu.memory_space<semaphore_mem>>) src(%dma_wait3A_108 : memref<1000000x16xi32, #tpu.memory_space<hbm>>) dst(%arg8 : memref<1024x16xi32, #tpu.memory_space<vmem>>)
    %dma_wait3A_109 = arith.constant 0 : i32
    %dma_wait3A_110 = tpu.memref_slice %arg4[%dma_wait3A_109] : memref<1000000xf32, #tpu.memory_space<hbm>> -> memref<1000000xf32, #tpu.memory_space<hbm>>
    tpu.wait_indirect_dma semaphore(%arg10 : memref<!tpu.dma_semaphore, #tpu.memory_space<semaphore_mem>>) src(%dma_wait3A_110 : memref<1000000xf32, #tpu.memory_space<hbm>>) dst(%arg9 : memref<1024xf32, #tpu.memory_space<vmem>>)
    "tpu.region"() ({
      %run_scoped3A = tpu.sem_alloc : memref<!tpu.dma_semaphore, #tpu.memory_space<semaphore_mem>>
      %dma_start3A_181 = arith.constant 0 : i32
      %dma_start3A_182 = tpu.memref_slice %arg5[%add3A_100, %dma_start3A_181] : memref<425984x16xi32, #tpu.memory_space<hbm>> -> memref<1024x16xi32, #tpu.memory_space<hbm>>
      %dma_start3A_183 = arith.constant 0 : i32
      %dma_start3A_184 = tpu.memref_slice %arg5[%add3A_100, %dma_start3A_183] : memref<425984x16xi32, #tpu.memory_space<hbm>> -> memref<1024x16xi32, #tpu.memory_space<hbm>>
      tpu.enqueue_dma source(%arg8 : memref<1024x16xi32, #tpu.memory_space<vmem>>) target(%dma_start3A_184 : memref<1024x16xi32, #tpu.memory_space<hbm>>) target_semaphore(%run_scoped3A : memref<!tpu.dma_semaphore, #tpu.memory_space<semaphore_mem>>)
      %dma_wait3A_185 = arith.constant 0 : i32
      %dma_wait3A_186 = tpu.memref_slice %arg5[%add3A_100, %dma_wait3A_185] : memref<425984x16xi32, #tpu.memory_space<hbm>> -> memref<1024x16xi32, #tpu.memory_space<hbm>>
      %dma_wait3A_187 = arith.constant 0 : i32
      %dma_wait3A_188 = tpu.memref_slice %arg5[%add3A_100, %dma_wait3A_187] : memref<425984x16xi32, #tpu.memory_space<hbm>> -> memref<1024x16xi32, #tpu.memory_space<hbm>>
      tpu.wait_dma2 semaphore(%run_scoped3A : memref<!tpu.dma_semaphore, #tpu.memory_space<semaphore_mem>>) src(%arg8 : memref<1024x16xi32, #tpu.memory_space<vmem>>) dst(%dma_wait3A_188 : memref<1024x16xi32, #tpu.memory_space<hbm>>)
      tpu.yield
    }) : () -> ()
    "tpu.region"() ({
      %run_scoped3A = tpu.sem_alloc : memref<!tpu.dma_semaphore, #tpu.memory_space<semaphore_mem>>
      %dma_start3A_181 = tpu.memref_slice %arg6[%add3A_100] : memref<425984xf32, #tpu.memory_space<hbm>> -> memref<1024xf32, #tpu.memory_space<hbm>>
      %dma_start3A_182 = tpu.memref_slice %arg6[%add3A_100] : memref<425984xf32, #tpu.memory_space<hbm>> -> memref<1024xf32, #tpu.memory_space<hbm>>
      tpu.enqueue_dma source(%arg9 : memref<1024xf32, #tpu.memory_space<vmem>>) target(%dma_start3A_182 : memref<1024xf32, #tpu.memory_space<hbm>>) target_semaphore(%run_scoped3A : memref<!tpu.dma_semaphore, #tpu.memory_space<semaphore_mem>>)
      %dma_wait3A_183 = tpu.memref_slice %arg6[%add3A_100] : memref<425984xf32, #tpu.memory_space<hbm>> -> memref<1024xf32, #tpu.memory_space<hbm>>
      %dma_wait3A_184 = tpu.memref_slice %arg6[%add3A_100] : memref<425984xf32, #tpu.memory_space<hbm>> -> memref<1024xf32, #tpu.memory_space<hbm>>
      tpu.wait_dma2 semaphore(%run_scoped3A : memref<!tpu.dma_semaphore, #tpu.memory_space<semaphore_mem>>) src(%arg9 : memref<1024xf32, #tpu.memory_space<vmem>>) dst(%dma_wait3A_184 : memref<1024xf32, #tpu.memory_space<hbm>>)
      tpu.yield
    }) : () -> ()
    %mul3A_111 = arith.constant 13312 : i32
    %mul3A_112 = arith.muli %add3A, %mul3A_111 : i32
    %add3A_113 = arith.constant 8192 : i32
    %add3A_114 = arith.addi %mul3A_112, %add3A_113 : i32
    "tpu.region"() ({
      %run_scoped3A = tpu.sem_alloc : memref<!tpu.dma_semaphore, #tpu.memory_space<semaphore_mem>>
      %dma_start3A_181 = tpu.memref_slice %arg2[%add3A_114] : memref<425984xi32, #tpu.memory_space<hbm>> -> memref<1024xi32, #tpu.memory_space<hbm>>
      %dma_start3A_182 = tpu.memref_slice %arg2[%add3A_114] : memref<425984xi32, #tpu.memory_space<hbm>> -> memref<1024xi32, #tpu.memory_space<hbm>>
      tpu.enqueue_dma source(%dma_start3A_182 : memref<1024xi32, #tpu.memory_space<hbm>>) target(%arg7 : memref<1024xi32, #tpu.memory_space<vmem>>) target_semaphore(%run_scoped3A : memref<!tpu.dma_semaphore, #tpu.memory_space<semaphore_mem>>)
      %dma_wait3A_183 = tpu.memref_slice %arg2[%add3A_114] : memref<425984xi32, #tpu.memory_space<hbm>> -> memref<1024xi32, #tpu.memory_space<hbm>>
      %dma_wait3A_184 = tpu.memref_slice %arg2[%add3A_114] : memref<425984xi32, #tpu.memory_space<hbm>> -> memref<1024xi32, #tpu.memory_space<hbm>>
      tpu.wait_dma2 semaphore(%run_scoped3A : memref<!tpu.dma_semaphore, #tpu.memory_space<semaphore_mem>>) src(%dma_wait3A_184 : memref<1024xi32, #tpu.memory_space<hbm>>) dst(%arg7 : memref<1024xi32, #tpu.memory_space<vmem>>)
      tpu.yield
    }) : () -> ()
    %dma_start3A_115 = arith.constant 0 : i32
    %dma_start3A_116 = arith.constant 0 : i32
    %dma_start3A_117 = tpu.memref_slice %arg3[%dma_start3A_115, %dma_start3A_116] : memref<1000000x16xi32, #tpu.memory_space<hbm>> -> memref<1000000x16xi32, #tpu.memory_space<hbm>>
    tpu.enqueue_indirect_dma source(%dma_start3A_117 : memref<1000000x16xi32, #tpu.memory_space<hbm>>) target(%arg8 : memref<1024x16xi32, #tpu.memory_space<vmem>>) offsets(%arg7 : memref<1024xi32, #tpu.memory_space<vmem>>) semaphore(%arg10 : memref<!tpu.dma_semaphore, #tpu.memory_space<semaphore_mem>>)
    %dma_start3A_118 = arith.constant 0 : i32
    %dma_start3A_119 = tpu.memref_slice %arg4[%dma_start3A_118] : memref<1000000xf32, #tpu.memory_space<hbm>> -> memref<1000000xf32, #tpu.memory_space<hbm>>
    tpu.enqueue_indirect_dma source(%dma_start3A_119 : memref<1000000xf32, #tpu.memory_space<hbm>>) target(%arg9 : memref<1024xf32, #tpu.memory_space<vmem>>) offsets(%arg7 : memref<1024xi32, #tpu.memory_space<vmem>>) semaphore(%arg10 : memref<!tpu.dma_semaphore, #tpu.memory_space<semaphore_mem>>)
    %dma_wait3A_120 = arith.constant 0 : i32
    %dma_wait3A_121 = arith.constant 0 : i32
    %dma_wait3A_122 = tpu.memref_slice %arg3[%dma_wait3A_120, %dma_wait3A_121] : memref<1000000x16xi32, #tpu.memory_space<hbm>> -> memref<1000000x16xi32, #tpu.memory_space<hbm>>
    tpu.wait_indirect_dma semaphore(%arg10 : memref<!tpu.dma_semaphore, #tpu.memory_space<semaphore_mem>>) src(%dma_wait3A_122 : memref<1000000x16xi32, #tpu.memory_space<hbm>>) dst(%arg8 : memref<1024x16xi32, #tpu.memory_space<vmem>>)
    %dma_wait3A_123 = arith.constant 0 : i32
    %dma_wait3A_124 = tpu.memref_slice %arg4[%dma_wait3A_123] : memref<1000000xf32, #tpu.memory_space<hbm>> -> memref<1000000xf32, #tpu.memory_space<hbm>>
    tpu.wait_indirect_dma semaphore(%arg10 : memref<!tpu.dma_semaphore, #tpu.memory_space<semaphore_mem>>) src(%dma_wait3A_124 : memref<1000000xf32, #tpu.memory_space<hbm>>) dst(%arg9 : memref<1024xf32, #tpu.memory_space<vmem>>)
    "tpu.region"() ({
      %run_scoped3A = tpu.sem_alloc : memref<!tpu.dma_semaphore, #tpu.memory_space<semaphore_mem>>
      %dma_start3A_181 = arith.constant 0 : i32
      %dma_start3A_182 = tpu.memref_slice %arg5[%add3A_114, %dma_start3A_181] : memref<425984x16xi32, #tpu.memory_space<hbm>> -> memref<1024x16xi32, #tpu.memory_space<hbm>>
      %dma_start3A_183 = arith.constant 0 : i32
      %dma_start3A_184 = tpu.memref_slice %arg5[%add3A_114, %dma_start3A_183] : memref<425984x16xi32, #tpu.memory_space<hbm>> -> memref<1024x16xi32, #tpu.memory_space<hbm>>
      tpu.enqueue_dma source(%arg8 : memref<1024x16xi32, #tpu.memory_space<vmem>>) target(%dma_start3A_184 : memref<1024x16xi32, #tpu.memory_space<hbm>>) target_semaphore(%run_scoped3A : memref<!tpu.dma_semaphore, #tpu.memory_space<semaphore_mem>>)
      %dma_wait3A_185 = arith.constant 0 : i32
      %dma_wait3A_186 = tpu.memref_slice %arg5[%add3A_114, %dma_wait3A_185] : memref<425984x16xi32, #tpu.memory_space<hbm>> -> memref<1024x16xi32, #tpu.memory_space<hbm>>
      %dma_wait3A_187 = arith.constant 0 : i32
      %dma_wait3A_188 = tpu.memref_slice %arg5[%add3A_114, %dma_wait3A_187] : memref<425984x16xi32, #tpu.memory_space<hbm>> -> memref<1024x16xi32, #tpu.memory_space<hbm>>
      tpu.wait_dma2 semaphore(%run_scoped3A : memref<!tpu.dma_semaphore, #tpu.memory_space<semaphore_mem>>) src(%arg8 : memref<1024x16xi32, #tpu.memory_space<vmem>>) dst(%dma_wait3A_188 : memref<1024x16xi32, #tpu.memory_space<hbm>>)
      tpu.yield
    }) : () -> ()
    "tpu.region"() ({
      %run_scoped3A = tpu.sem_alloc : memref<!tpu.dma_semaphore, #tpu.memory_space<semaphore_mem>>
      %dma_start3A_181 = tpu.memref_slice %arg6[%add3A_114] : memref<425984xf32, #tpu.memory_space<hbm>> -> memref<1024xf32, #tpu.memory_space<hbm>>
      %dma_start3A_182 = tpu.memref_slice %arg6[%add3A_114] : memref<425984xf32, #tpu.memory_space<hbm>> -> memref<1024xf32, #tpu.memory_space<hbm>>
      tpu.enqueue_dma source(%arg9 : memref<1024xf32, #tpu.memory_space<vmem>>) target(%dma_start3A_182 : memref<1024xf32, #tpu.memory_space<hbm>>) target_semaphore(%run_scoped3A : memref<!tpu.dma_semaphore, #tpu.memory_space<semaphore_mem>>)
      %dma_wait3A_183 = tpu.memref_slice %arg6[%add3A_114] : memref<425984xf32, #tpu.memory_space<hbm>> -> memref<1024xf32, #tpu.memory_space<hbm>>
      %dma_wait3A_184 = tpu.memref_slice %arg6[%add3A_114] : memref<425984xf32, #tpu.memory_space<hbm>> -> memref<1024xf32, #tpu.memory_space<hbm>>
      tpu.wait_dma2 semaphore(%run_scoped3A : memref<!tpu.dma_semaphore, #tpu.memory_space<semaphore_mem>>) src(%arg9 : memref<1024xf32, #tpu.memory_space<vmem>>) dst(%dma_wait3A_184 : memref<1024xf32, #tpu.memory_space<hbm>>)
      tpu.yield
    }) : () -> ()
    %mul3A_125 = arith.constant 13312 : i32
    %mul3A_126 = arith.muli %add3A, %mul3A_125 : i32
    %add3A_127 = arith.constant 9216 : i32
    %add3A_128 = arith.addi %mul3A_126, %add3A_127 : i32
    "tpu.region"() ({
      %run_scoped3A = tpu.sem_alloc : memref<!tpu.dma_semaphore, #tpu.memory_space<semaphore_mem>>
      %dma_start3A_181 = tpu.memref_slice %arg2[%add3A_128] : memref<425984xi32, #tpu.memory_space<hbm>> -> memref<1024xi32, #tpu.memory_space<hbm>>
      %dma_start3A_182 = tpu.memref_slice %arg2[%add3A_128] : memref<425984xi32, #tpu.memory_space<hbm>> -> memref<1024xi32, #tpu.memory_space<hbm>>
      tpu.enqueue_dma source(%dma_start3A_182 : memref<1024xi32, #tpu.memory_space<hbm>>) target(%arg7 : memref<1024xi32, #tpu.memory_space<vmem>>) target_semaphore(%run_scoped3A : memref<!tpu.dma_semaphore, #tpu.memory_space<semaphore_mem>>)
      %dma_wait3A_183 = tpu.memref_slice %arg2[%add3A_128] : memref<425984xi32, #tpu.memory_space<hbm>> -> memref<1024xi32, #tpu.memory_space<hbm>>
      %dma_wait3A_184 = tpu.memref_slice %arg2[%add3A_128] : memref<425984xi32, #tpu.memory_space<hbm>> -> memref<1024xi32, #tpu.memory_space<hbm>>
      tpu.wait_dma2 semaphore(%run_scoped3A : memref<!tpu.dma_semaphore, #tpu.memory_space<semaphore_mem>>) src(%dma_wait3A_184 : memref<1024xi32, #tpu.memory_space<hbm>>) dst(%arg7 : memref<1024xi32, #tpu.memory_space<vmem>>)
      tpu.yield
    }) : () -> ()
    %dma_start3A_129 = arith.constant 0 : i32
    %dma_start3A_130 = arith.constant 0 : i32
    %dma_start3A_131 = tpu.memref_slice %arg3[%dma_start3A_129, %dma_start3A_130] : memref<1000000x16xi32, #tpu.memory_space<hbm>> -> memref<1000000x16xi32, #tpu.memory_space<hbm>>
    tpu.enqueue_indirect_dma source(%dma_start3A_131 : memref<1000000x16xi32, #tpu.memory_space<hbm>>) target(%arg8 : memref<1024x16xi32, #tpu.memory_space<vmem>>) offsets(%arg7 : memref<1024xi32, #tpu.memory_space<vmem>>) semaphore(%arg10 : memref<!tpu.dma_semaphore, #tpu.memory_space<semaphore_mem>>)
    %dma_start3A_132 = arith.constant 0 : i32
    %dma_start3A_133 = tpu.memref_slice %arg4[%dma_start3A_132] : memref<1000000xf32, #tpu.memory_space<hbm>> -> memref<1000000xf32, #tpu.memory_space<hbm>>
    tpu.enqueue_indirect_dma source(%dma_start3A_133 : memref<1000000xf32, #tpu.memory_space<hbm>>) target(%arg9 : memref<1024xf32, #tpu.memory_space<vmem>>) offsets(%arg7 : memref<1024xi32, #tpu.memory_space<vmem>>) semaphore(%arg10 : memref<!tpu.dma_semaphore, #tpu.memory_space<semaphore_mem>>)
    %dma_wait3A_134 = arith.constant 0 : i32
    %dma_wait3A_135 = arith.constant 0 : i32
    %dma_wait3A_136 = tpu.memref_slice %arg3[%dma_wait3A_134, %dma_wait3A_135] : memref<1000000x16xi32, #tpu.memory_space<hbm>> -> memref<1000000x16xi32, #tpu.memory_space<hbm>>
    tpu.wait_indirect_dma semaphore(%arg10 : memref<!tpu.dma_semaphore, #tpu.memory_space<semaphore_mem>>) src(%dma_wait3A_136 : memref<1000000x16xi32, #tpu.memory_space<hbm>>) dst(%arg8 : memref<1024x16xi32, #tpu.memory_space<vmem>>)
    %dma_wait3A_137 = arith.constant 0 : i32
    %dma_wait3A_138 = tpu.memref_slice %arg4[%dma_wait3A_137] : memref<1000000xf32, #tpu.memory_space<hbm>> -> memref<1000000xf32, #tpu.memory_space<hbm>>
    tpu.wait_indirect_dma semaphore(%arg10 : memref<!tpu.dma_semaphore, #tpu.memory_space<semaphore_mem>>) src(%dma_wait3A_138 : memref<1000000xf32, #tpu.memory_space<hbm>>) dst(%arg9 : memref<1024xf32, #tpu.memory_space<vmem>>)
    "tpu.region"() ({
      %run_scoped3A = tpu.sem_alloc : memref<!tpu.dma_semaphore, #tpu.memory_space<semaphore_mem>>
      %dma_start3A_181 = arith.constant 0 : i32
      %dma_start3A_182 = tpu.memref_slice %arg5[%add3A_128, %dma_start3A_181] : memref<425984x16xi32, #tpu.memory_space<hbm>> -> memref<1024x16xi32, #tpu.memory_space<hbm>>
      %dma_start3A_183 = arith.constant 0 : i32
      %dma_start3A_184 = tpu.memref_slice %arg5[%add3A_128, %dma_start3A_183] : memref<425984x16xi32, #tpu.memory_space<hbm>> -> memref<1024x16xi32, #tpu.memory_space<hbm>>
      tpu.enqueue_dma source(%arg8 : memref<1024x16xi32, #tpu.memory_space<vmem>>) target(%dma_start3A_184 : memref<1024x16xi32, #tpu.memory_space<hbm>>) target_semaphore(%run_scoped3A : memref<!tpu.dma_semaphore, #tpu.memory_space<semaphore_mem>>)
      %dma_wait3A_185 = arith.constant 0 : i32
      %dma_wait3A_186 = tpu.memref_slice %arg5[%add3A_128, %dma_wait3A_185] : memref<425984x16xi32, #tpu.memory_space<hbm>> -> memref<1024x16xi32, #tpu.memory_space<hbm>>
      %dma_wait3A_187 = arith.constant 0 : i32
      %dma_wait3A_188 = tpu.memref_slice %arg5[%add3A_128, %dma_wait3A_187] : memref<425984x16xi32, #tpu.memory_space<hbm>> -> memref<1024x16xi32, #tpu.memory_space<hbm>>
      tpu.wait_dma2 semaphore(%run_scoped3A : memref<!tpu.dma_semaphore, #tpu.memory_space<semaphore_mem>>) src(%arg8 : memref<1024x16xi32, #tpu.memory_space<vmem>>) dst(%dma_wait3A_188 : memref<1024x16xi32, #tpu.memory_space<hbm>>)
      tpu.yield
    }) : () -> ()
    "tpu.region"() ({
      %run_scoped3A = tpu.sem_alloc : memref<!tpu.dma_semaphore, #tpu.memory_space<semaphore_mem>>
      %dma_start3A_181 = tpu.memref_slice %arg6[%add3A_128] : memref<425984xf32, #tpu.memory_space<hbm>> -> memref<1024xf32, #tpu.memory_space<hbm>>
      %dma_start3A_182 = tpu.memref_slice %arg6[%add3A_128] : memref<425984xf32, #tpu.memory_space<hbm>> -> memref<1024xf32, #tpu.memory_space<hbm>>
      tpu.enqueue_dma source(%arg9 : memref<1024xf32, #tpu.memory_space<vmem>>) target(%dma_start3A_182 : memref<1024xf32, #tpu.memory_space<hbm>>) target_semaphore(%run_scoped3A : memref<!tpu.dma_semaphore, #tpu.memory_space<semaphore_mem>>)
      %dma_wait3A_183 = tpu.memref_slice %arg6[%add3A_128] : memref<425984xf32, #tpu.memory_space<hbm>> -> memref<1024xf32, #tpu.memory_space<hbm>>
      %dma_wait3A_184 = tpu.memref_slice %arg6[%add3A_128] : memref<425984xf32, #tpu.memory_space<hbm>> -> memref<1024xf32, #tpu.memory_space<hbm>>
      tpu.wait_dma2 semaphore(%run_scoped3A : memref<!tpu.dma_semaphore, #tpu.memory_space<semaphore_mem>>) src(%arg9 : memref<1024xf32, #tpu.memory_space<vmem>>) dst(%dma_wait3A_184 : memref<1024xf32, #tpu.memory_space<hbm>>)
      tpu.yield
    }) : () -> ()
    %mul3A_139 = arith.constant 13312 : i32
    %mul3A_140 = arith.muli %add3A, %mul3A_139 : i32
    %add3A_141 = arith.constant 10240 : i32
    %add3A_142 = arith.addi %mul3A_140, %add3A_141 : i32
    "tpu.region"() ({
      %run_scoped3A = tpu.sem_alloc : memref<!tpu.dma_semaphore, #tpu.memory_space<semaphore_mem>>
      %dma_start3A_181 = tpu.memref_slice %arg2[%add3A_142] : memref<425984xi32, #tpu.memory_space<hbm>> -> memref<1024xi32, #tpu.memory_space<hbm>>
      %dma_start3A_182 = tpu.memref_slice %arg2[%add3A_142] : memref<425984xi32, #tpu.memory_space<hbm>> -> memref<1024xi32, #tpu.memory_space<hbm>>
      tpu.enqueue_dma source(%dma_start3A_182 : memref<1024xi32, #tpu.memory_space<hbm>>) target(%arg7 : memref<1024xi32, #tpu.memory_space<vmem>>) target_semaphore(%run_scoped3A : memref<!tpu.dma_semaphore, #tpu.memory_space<semaphore_mem>>)
      %dma_wait3A_183 = tpu.memref_slice %arg2[%add3A_142] : memref<425984xi32, #tpu.memory_space<hbm>> -> memref<1024xi32, #tpu.memory_space<hbm>>
      %dma_wait3A_184 = tpu.memref_slice %arg2[%add3A_142] : memref<425984xi32, #tpu.memory_space<hbm>> -> memref<1024xi32, #tpu.memory_space<hbm>>
      tpu.wait_dma2 semaphore(%run_scoped3A : memref<!tpu.dma_semaphore, #tpu.memory_space<semaphore_mem>>) src(%dma_wait3A_184 : memref<1024xi32, #tpu.memory_space<hbm>>) dst(%arg7 : memref<1024xi32, #tpu.memory_space<vmem>>)
      tpu.yield
    }) : () -> ()
    %dma_start3A_143 = arith.constant 0 : i32
    %dma_start3A_144 = arith.constant 0 : i32
    %dma_start3A_145 = tpu.memref_slice %arg3[%dma_start3A_143, %dma_start3A_144] : memref<1000000x16xi32, #tpu.memory_space<hbm>> -> memref<1000000x16xi32, #tpu.memory_space<hbm>>
    tpu.enqueue_indirect_dma source(%dma_start3A_145 : memref<1000000x16xi32, #tpu.memory_space<hbm>>) target(%arg8 : memref<1024x16xi32, #tpu.memory_space<vmem>>) offsets(%arg7 : memref<1024xi32, #tpu.memory_space<vmem>>) semaphore(%arg10 : memref<!tpu.dma_semaphore, #tpu.memory_space<semaphore_mem>>)
    %dma_start3A_146 = arith.constant 0 : i32
    %dma_start3A_147 = tpu.memref_slice %arg4[%dma_start3A_146] : memref<1000000xf32, #tpu.memory_space<hbm>> -> memref<1000000xf32, #tpu.memory_space<hbm>>
    tpu.enqueue_indirect_dma source(%dma_start3A_147 : memref<1000000xf32, #tpu.memory_space<hbm>>) target(%arg9 : memref<1024xf32, #tpu.memory_space<vmem>>) offsets(%arg7 : memref<1024xi32, #tpu.memory_space<vmem>>) semaphore(%arg10 : memref<!tpu.dma_semaphore, #tpu.memory_space<semaphore_mem>>)
    %dma_wait3A_148 = arith.constant 0 : i32
    %dma_wait3A_149 = arith.constant 0 : i32
    %dma_wait3A_150 = tpu.memref_slice %arg3[%dma_wait3A_148, %dma_wait3A_149] : memref<1000000x16xi32, #tpu.memory_space<hbm>> -> memref<1000000x16xi32, #tpu.memory_space<hbm>>
    tpu.wait_indirect_dma semaphore(%arg10 : memref<!tpu.dma_semaphore, #tpu.memory_space<semaphore_mem>>) src(%dma_wait3A_150 : memref<1000000x16xi32, #tpu.memory_space<hbm>>) dst(%arg8 : memref<1024x16xi32, #tpu.memory_space<vmem>>)
    %dma_wait3A_151 = arith.constant 0 : i32
    %dma_wait3A_152 = tpu.memref_slice %arg4[%dma_wait3A_151] : memref<1000000xf32, #tpu.memory_space<hbm>> -> memref<1000000xf32, #tpu.memory_space<hbm>>
    tpu.wait_indirect_dma semaphore(%arg10 : memref<!tpu.dma_semaphore, #tpu.memory_space<semaphore_mem>>) src(%dma_wait3A_152 : memref<1000000xf32, #tpu.memory_space<hbm>>) dst(%arg9 : memref<1024xf32, #tpu.memory_space<vmem>>)
    "tpu.region"() ({
      %run_scoped3A = tpu.sem_alloc : memref<!tpu.dma_semaphore, #tpu.memory_space<semaphore_mem>>
      %dma_start3A_181 = arith.constant 0 : i32
      %dma_start3A_182 = tpu.memref_slice %arg5[%add3A_142, %dma_start3A_181] : memref<425984x16xi32, #tpu.memory_space<hbm>> -> memref<1024x16xi32, #tpu.memory_space<hbm>>
      %dma_start3A_183 = arith.constant 0 : i32
      %dma_start3A_184 = tpu.memref_slice %arg5[%add3A_142, %dma_start3A_183] : memref<425984x16xi32, #tpu.memory_space<hbm>> -> memref<1024x16xi32, #tpu.memory_space<hbm>>
      tpu.enqueue_dma source(%arg8 : memref<1024x16xi32, #tpu.memory_space<vmem>>) target(%dma_start3A_184 : memref<1024x16xi32, #tpu.memory_space<hbm>>) target_semaphore(%run_scoped3A : memref<!tpu.dma_semaphore, #tpu.memory_space<semaphore_mem>>)
      %dma_wait3A_185 = arith.constant 0 : i32
      %dma_wait3A_186 = tpu.memref_slice %arg5[%add3A_142, %dma_wait3A_185] : memref<425984x16xi32, #tpu.memory_space<hbm>> -> memref<1024x16xi32, #tpu.memory_space<hbm>>
      %dma_wait3A_187 = arith.constant 0 : i32
      %dma_wait3A_188 = tpu.memref_slice %arg5[%add3A_142, %dma_wait3A_187] : memref<425984x16xi32, #tpu.memory_space<hbm>> -> memref<1024x16xi32, #tpu.memory_space<hbm>>
      tpu.wait_dma2 semaphore(%run_scoped3A : memref<!tpu.dma_semaphore, #tpu.memory_space<semaphore_mem>>) src(%arg8 : memref<1024x16xi32, #tpu.memory_space<vmem>>) dst(%dma_wait3A_188 : memref<1024x16xi32, #tpu.memory_space<hbm>>)
      tpu.yield
    }) : () -> ()
    "tpu.region"() ({
      %run_scoped3A = tpu.sem_alloc : memref<!tpu.dma_semaphore, #tpu.memory_space<semaphore_mem>>
      %dma_start3A_181 = tpu.memref_slice %arg6[%add3A_142] : memref<425984xf32, #tpu.memory_space<hbm>> -> memref<1024xf32, #tpu.memory_space<hbm>>
      %dma_start3A_182 = tpu.memref_slice %arg6[%add3A_142] : memref<425984xf32, #tpu.memory_space<hbm>> -> memref<1024xf32, #tpu.memory_space<hbm>>
      tpu.enqueue_dma source(%arg9 : memref<1024xf32, #tpu.memory_space<vmem>>) target(%dma_start3A_182 : memref<1024xf32, #tpu.memory_space<hbm>>) target_semaphore(%run_scoped3A : memref<!tpu.dma_semaphore, #tpu.memory_space<semaphore_mem>>)
      %dma_wait3A_183 = tpu.memref_slice %arg6[%add3A_142] : memref<425984xf32, #tpu.memory_space<hbm>> -> memref<1024xf32, #tpu.memory_space<hbm>>
      %dma_wait3A_184 = tpu.memref_slice %arg6[%add3A_142] : memref<425984xf32, #tpu.memory_space<hbm>> -> memref<1024xf32, #tpu.memory_space<hbm>>
      tpu.wait_dma2 semaphore(%run_scoped3A : memref<!tpu.dma_semaphore, #tpu.memory_space<semaphore_mem>>) src(%arg9 : memref<1024xf32, #tpu.memory_space<vmem>>) dst(%dma_wait3A_184 : memref<1024xf32, #tpu.memory_space<hbm>>)
      tpu.yield
    }) : () -> ()
    %mul3A_153 = arith.constant 13312 : i32
    %mul3A_154 = arith.muli %add3A, %mul3A_153 : i32
    %add3A_155 = arith.constant 11264 : i32
    %add3A_156 = arith.addi %mul3A_154, %add3A_155 : i32
    "tpu.region"() ({
      %run_scoped3A = tpu.sem_alloc : memref<!tpu.dma_semaphore, #tpu.memory_space<semaphore_mem>>
      %dma_start3A_181 = tpu.memref_slice %arg2[%add3A_156] : memref<425984xi32, #tpu.memory_space<hbm>> -> memref<1024xi32, #tpu.memory_space<hbm>>
      %dma_start3A_182 = tpu.memref_slice %arg2[%add3A_156] : memref<425984xi32, #tpu.memory_space<hbm>> -> memref<1024xi32, #tpu.memory_space<hbm>>
      tpu.enqueue_dma source(%dma_start3A_182 : memref<1024xi32, #tpu.memory_space<hbm>>) target(%arg7 : memref<1024xi32, #tpu.memory_space<vmem>>) target_semaphore(%run_scoped3A : memref<!tpu.dma_semaphore, #tpu.memory_space<semaphore_mem>>)
      %dma_wait3A_183 = tpu.memref_slice %arg2[%add3A_156] : memref<425984xi32, #tpu.memory_space<hbm>> -> memref<1024xi32, #tpu.memory_space<hbm>>
      %dma_wait3A_184 = tpu.memref_slice %arg2[%add3A_156] : memref<425984xi32, #tpu.memory_space<hbm>> -> memref<1024xi32, #tpu.memory_space<hbm>>
      tpu.wait_dma2 semaphore(%run_scoped3A : memref<!tpu.dma_semaphore, #tpu.memory_space<semaphore_mem>>) src(%dma_wait3A_184 : memref<1024xi32, #tpu.memory_space<hbm>>) dst(%arg7 : memref<1024xi32, #tpu.memory_space<vmem>>)
      tpu.yield
    }) : () -> ()
    %dma_start3A_157 = arith.constant 0 : i32
    %dma_start3A_158 = arith.constant 0 : i32
    %dma_start3A_159 = tpu.memref_slice %arg3[%dma_start3A_157, %dma_start3A_158] : memref<1000000x16xi32, #tpu.memory_space<hbm>> -> memref<1000000x16xi32, #tpu.memory_space<hbm>>
    tpu.enqueue_indirect_dma source(%dma_start3A_159 : memref<1000000x16xi32, #tpu.memory_space<hbm>>) target(%arg8 : memref<1024x16xi32, #tpu.memory_space<vmem>>) offsets(%arg7 : memref<1024xi32, #tpu.memory_space<vmem>>) semaphore(%arg10 : memref<!tpu.dma_semaphore, #tpu.memory_space<semaphore_mem>>)
    %dma_start3A_160 = arith.constant 0 : i32
    %dma_start3A_161 = tpu.memref_slice %arg4[%dma_start3A_160] : memref<1000000xf32, #tpu.memory_space<hbm>> -> memref<1000000xf32, #tpu.memory_space<hbm>>
    tpu.enqueue_indirect_dma source(%dma_start3A_161 : memref<1000000xf32, #tpu.memory_space<hbm>>) target(%arg9 : memref<1024xf32, #tpu.memory_space<vmem>>) offsets(%arg7 : memref<1024xi32, #tpu.memory_space<vmem>>) semaphore(%arg10 : memref<!tpu.dma_semaphore, #tpu.memory_space<semaphore_mem>>)
    %dma_wait3A_162 = arith.constant 0 : i32
    %dma_wait3A_163 = arith.constant 0 : i32
    %dma_wait3A_164 = tpu.memref_slice %arg3[%dma_wait3A_162, %dma_wait3A_163] : memref<1000000x16xi32, #tpu.memory_space<hbm>> -> memref<1000000x16xi32, #tpu.memory_space<hbm>>
    tpu.wait_indirect_dma semaphore(%arg10 : memref<!tpu.dma_semaphore, #tpu.memory_space<semaphore_mem>>) src(%dma_wait3A_164 : memref<1000000x16xi32, #tpu.memory_space<hbm>>) dst(%arg8 : memref<1024x16xi32, #tpu.memory_space<vmem>>)
    %dma_wait3A_165 = arith.constant 0 : i32
    %dma_wait3A_166 = tpu.memref_slice %arg4[%dma_wait3A_165] : memref<1000000xf32, #tpu.memory_space<hbm>> -> memref<1000000xf32, #tpu.memory_space<hbm>>
    tpu.wait_indirect_dma semaphore(%arg10 : memref<!tpu.dma_semaphore, #tpu.memory_space<semaphore_mem>>) src(%dma_wait3A_166 : memref<1000000xf32, #tpu.memory_space<hbm>>) dst(%arg9 : memref<1024xf32, #tpu.memory_space<vmem>>)
    "tpu.region"() ({
      %run_scoped3A = tpu.sem_alloc : memref<!tpu.dma_semaphore, #tpu.memory_space<semaphore_mem>>
      %dma_start3A_181 = arith.constant 0 : i32
      %dma_start3A_182 = tpu.memref_slice %arg5[%add3A_156, %dma_start3A_181] : memref<425984x16xi32, #tpu.memory_space<hbm>> -> memref<1024x16xi32, #tpu.memory_space<hbm>>
      %dma_start3A_183 = arith.constant 0 : i32
      %dma_start3A_184 = tpu.memref_slice %arg5[%add3A_156, %dma_start3A_183] : memref<425984x16xi32, #tpu.memory_space<hbm>> -> memref<1024x16xi32, #tpu.memory_space<hbm>>
      tpu.enqueue_dma source(%arg8 : memref<1024x16xi32, #tpu.memory_space<vmem>>) target(%dma_start3A_184 : memref<1024x16xi32, #tpu.memory_space<hbm>>) target_semaphore(%run_scoped3A : memref<!tpu.dma_semaphore, #tpu.memory_space<semaphore_mem>>)
      %dma_wait3A_185 = arith.constant 0 : i32
      %dma_wait3A_186 = tpu.memref_slice %arg5[%add3A_156, %dma_wait3A_185] : memref<425984x16xi32, #tpu.memory_space<hbm>> -> memref<1024x16xi32, #tpu.memory_space<hbm>>
      %dma_wait3A_187 = arith.constant 0 : i32
      %dma_wait3A_188 = tpu.memref_slice %arg5[%add3A_156, %dma_wait3A_187] : memref<425984x16xi32, #tpu.memory_space<hbm>> -> memref<1024x16xi32, #tpu.memory_space<hbm>>
      tpu.wait_dma2 semaphore(%run_scoped3A : memref<!tpu.dma_semaphore, #tpu.memory_space<semaphore_mem>>) src(%arg8 : memref<1024x16xi32, #tpu.memory_space<vmem>>) dst(%dma_wait3A_188 : memref<1024x16xi32, #tpu.memory_space<hbm>>)
      tpu.yield
    }) : () -> ()
    "tpu.region"() ({
      %run_scoped3A = tpu.sem_alloc : memref<!tpu.dma_semaphore, #tpu.memory_space<semaphore_mem>>
      %dma_start3A_181 = tpu.memref_slice %arg6[%add3A_156] : memref<425984xf32, #tpu.memory_space<hbm>> -> memref<1024xf32, #tpu.memory_space<hbm>>
      %dma_start3A_182 = tpu.memref_slice %arg6[%add3A_156] : memref<425984xf32, #tpu.memory_space<hbm>> -> memref<1024xf32, #tpu.memory_space<hbm>>
      tpu.enqueue_dma source(%arg9 : memref<1024xf32, #tpu.memory_space<vmem>>) target(%dma_start3A_182 : memref<1024xf32, #tpu.memory_space<hbm>>) target_semaphore(%run_scoped3A : memref<!tpu.dma_semaphore, #tpu.memory_space<semaphore_mem>>)
      %dma_wait3A_183 = tpu.memref_slice %arg6[%add3A_156] : memref<425984xf32, #tpu.memory_space<hbm>> -> memref<1024xf32, #tpu.memory_space<hbm>>
      %dma_wait3A_184 = tpu.memref_slice %arg6[%add3A_156] : memref<425984xf32, #tpu.memory_space<hbm>> -> memref<1024xf32, #tpu.memory_space<hbm>>
      tpu.wait_dma2 semaphore(%run_scoped3A : memref<!tpu.dma_semaphore, #tpu.memory_space<semaphore_mem>>) src(%arg9 : memref<1024xf32, #tpu.memory_space<vmem>>) dst(%dma_wait3A_184 : memref<1024xf32, #tpu.memory_space<hbm>>)
      tpu.yield
    }) : () -> ()
    %mul3A_167 = arith.constant 13312 : i32
    %mul3A_168 = arith.muli %add3A, %mul3A_167 : i32
    %add3A_169 = arith.constant 12288 : i32
    %add3A_170 = arith.addi %mul3A_168, %add3A_169 : i32
    "tpu.region"() ({
      %run_scoped3A = tpu.sem_alloc : memref<!tpu.dma_semaphore, #tpu.memory_space<semaphore_mem>>
      %dma_start3A_181 = tpu.memref_slice %arg2[%add3A_170] : memref<425984xi32, #tpu.memory_space<hbm>> -> memref<1024xi32, #tpu.memory_space<hbm>>
      %dma_start3A_182 = tpu.memref_slice %arg2[%add3A_170] : memref<425984xi32, #tpu.memory_space<hbm>> -> memref<1024xi32, #tpu.memory_space<hbm>>
      tpu.enqueue_dma source(%dma_start3A_182 : memref<1024xi32, #tpu.memory_space<hbm>>) target(%arg7 : memref<1024xi32, #tpu.memory_space<vmem>>) target_semaphore(%run_scoped3A : memref<!tpu.dma_semaphore, #tpu.memory_space<semaphore_mem>>)
      %dma_wait3A_183 = tpu.memref_slice %arg2[%add3A_170] : memref<425984xi32, #tpu.memory_space<hbm>> -> memref<1024xi32, #tpu.memory_space<hbm>>
      %dma_wait3A_184 = tpu.memref_slice %arg2[%add3A_170] : memref<425984xi32, #tpu.memory_space<hbm>> -> memref<1024xi32, #tpu.memory_space<hbm>>
      tpu.wait_dma2 semaphore(%run_scoped3A : memref<!tpu.dma_semaphore, #tpu.memory_space<semaphore_mem>>) src(%dma_wait3A_184 : memref<1024xi32, #tpu.memory_space<hbm>>) dst(%arg7 : memref<1024xi32, #tpu.memory_space<vmem>>)
      tpu.yield
    }) : () -> ()
    %dma_start3A_171 = arith.constant 0 : i32
    %dma_start3A_172 = arith.constant 0 : i32
    %dma_start3A_173 = tpu.memref_slice %arg3[%dma_start3A_171, %dma_start3A_172] : memref<1000000x16xi32, #tpu.memory_space<hbm>> -> memref<1000000x16xi32, #tpu.memory_space<hbm>>
    tpu.enqueue_indirect_dma source(%dma_start3A_173 : memref<1000000x16xi32, #tpu.memory_space<hbm>>) target(%arg8 : memref<1024x16xi32, #tpu.memory_space<vmem>>) offsets(%arg7 : memref<1024xi32, #tpu.memory_space<vmem>>) semaphore(%arg10 : memref<!tpu.dma_semaphore, #tpu.memory_space<semaphore_mem>>)
    %dma_start3A_174 = arith.constant 0 : i32
    %dma_start3A_175 = tpu.memref_slice %arg4[%dma_start3A_174] : memref<1000000xf32, #tpu.memory_space<hbm>> -> memref<1000000xf32, #tpu.memory_space<hbm>>
    tpu.enqueue_indirect_dma source(%dma_start3A_175 : memref<1000000xf32, #tpu.memory_space<hbm>>) target(%arg9 : memref<1024xf32, #tpu.memory_space<vmem>>) offsets(%arg7 : memref<1024xi32, #tpu.memory_space<vmem>>) semaphore(%arg10 : memref<!tpu.dma_semaphore, #tpu.memory_space<semaphore_mem>>)
    %dma_wait3A_176 = arith.constant 0 : i32
    %dma_wait3A_177 = arith.constant 0 : i32
    %dma_wait3A_178 = tpu.memref_slice %arg3[%dma_wait3A_176, %dma_wait3A_177] : memref<1000000x16xi32, #tpu.memory_space<hbm>> -> memref<1000000x16xi32, #tpu.memory_space<hbm>>
    tpu.wait_indirect_dma semaphore(%arg10 : memref<!tpu.dma_semaphore, #tpu.memory_space<semaphore_mem>>) src(%dma_wait3A_178 : memref<1000000x16xi32, #tpu.memory_space<hbm>>) dst(%arg8 : memref<1024x16xi32, #tpu.memory_space<vmem>>)
    %dma_wait3A_179 = arith.constant 0 : i32
    %dma_wait3A_180 = tpu.memref_slice %arg4[%dma_wait3A_179] : memref<1000000xf32, #tpu.memory_space<hbm>> -> memref<1000000xf32, #tpu.memory_space<hbm>>
    tpu.wait_indirect_dma semaphore(%arg10 : memref<!tpu.dma_semaphore, #tpu.memory_space<semaphore_mem>>) src(%dma_wait3A_180 : memref<1000000xf32, #tpu.memory_space<hbm>>) dst(%arg9 : memref<1024xf32, #tpu.memory_space<vmem>>)
    "tpu.region"() ({
      %run_scoped3A = tpu.sem_alloc : memref<!tpu.dma_semaphore, #tpu.memory_space<semaphore_mem>>
      %dma_start3A_181 = arith.constant 0 : i32
      %dma_start3A_182 = tpu.memref_slice %arg5[%add3A_170, %dma_start3A_181] : memref<425984x16xi32, #tpu.memory_space<hbm>> -> memref<1024x16xi32, #tpu.memory_space<hbm>>
      %dma_start3A_183 = arith.constant 0 : i32
      %dma_start3A_184 = tpu.memref_slice %arg5[%add3A_170, %dma_start3A_183] : memref<425984x16xi32, #tpu.memory_space<hbm>> -> memref<1024x16xi32, #tpu.memory_space<hbm>>
      tpu.enqueue_dma source(%arg8 : memref<1024x16xi32, #tpu.memory_space<vmem>>) target(%dma_start3A_184 : memref<1024x16xi32, #tpu.memory_space<hbm>>) target_semaphore(%run_scoped3A : memref<!tpu.dma_semaphore, #tpu.memory_space<semaphore_mem>>)
      %dma_wait3A_185 = arith.constant 0 : i32
      %dma_wait3A_186 = tpu.memref_slice %arg5[%add3A_170, %dma_wait3A_185] : memref<425984x16xi32, #tpu.memory_space<hbm>> -> memref<1024x16xi32, #tpu.memory_space<hbm>>
      %dma_wait3A_187 = arith.constant 0 : i32
      %dma_wait3A_188 = tpu.memref_slice %arg5[%add3A_170, %dma_wait3A_187] : memref<425984x16xi32, #tpu.memory_space<hbm>> -> memref<1024x16xi32, #tpu.memory_space<hbm>>
      tpu.wait_dma2 semaphore(%run_scoped3A : memref<!tpu.dma_semaphore, #tpu.memory_space<semaphore_mem>>) src(%arg8 : memref<1024x16xi32, #tpu.memory_space<vmem>>) dst(%dma_wait3A_188 : memref<1024x16xi32, #tpu.memory_space<hbm>>)
      tpu.yield
    }) : () -> ()
    "tpu.region"() ({
      %run_scoped3A = tpu.sem_alloc : memref<!tpu.dma_semaphore, #tpu.memory_space<semaphore_mem>>
      %dma_start3A_181 = tpu.memref_slice %arg6[%add3A_170] : memref<425984xf32, #tpu.memory_space<hbm>> -> memref<1024xf32, #tpu.memory_space<hbm>>
      %dma_start3A_182 = tpu.memref_slice %arg6[%add3A_170] : memref<425984xf32, #tpu.memory_space<hbm>> -> memref<1024xf32, #tpu.memory_space<hbm>>
      tpu.enqueue_dma source(%arg9 : memref<1024xf32, #tpu.memory_space<vmem>>) target(%dma_start3A_182 : memref<1024xf32, #tpu.memory_space<hbm>>) target_semaphore(%run_scoped3A : memref<!tpu.dma_semaphore, #tpu.memory_space<semaphore_mem>>)
      %dma_wait3A_183 = tpu.memref_slice %arg6[%add3A_170] : memref<425984xf32, #tpu.memory_space<hbm>> -> memref<1024xf32, #tpu.memory_space<hbm>>
      %dma_wait3A_184 = tpu.memref_slice %arg6[%add3A_170] : memref<425984xf32, #tpu.memory_space<hbm>> -> memref<1024xf32, #tpu.memory_space<hbm>>
      tpu.wait_dma2 semaphore(%run_scoped3A : memref<!tpu.dma_semaphore, #tpu.memory_space<semaphore_mem>>) src(%arg9 : memref<1024xf32, #tpu.memory_space<vmem>>) dst(%dma_wait3A_184 : memref<1024xf32, #tpu.memory_space<hbm>>)
      tpu.yield
    }) : () -> ()
    return
  }
}

module attributes {stable_mosaic.version = 14 : i64} {
  func.func @_dequant_body(%arg0: i32, %arg1: memref<512x128xi32, #tpu.memory_space<vmem>>, %arg2: memref<512x8xf32, #tpu.memory_space<vmem>>, %arg3: memref<512x512xf32, #tpu.memory_space<vmem>>) attributes {dimension_semantics = [#tpu.dimension_semantics<arbitrary>], iteration_bounds = array<i64: 104>, scalar_prefetch = 0 : i64, scratch_operands = 0 : i64, tpu.core_type = #tpu.core_type<tc>, window_params = [{transform_indices = @transform_0, window_bounds = array<i64: 512, 128>}, {transform_indices = @transform_1, window_bounds = array<i64: 512, 8>}, {transform_indices = @transform_2, window_bounds = array<i64: 512, 512>}]} {
    %get3A = arith.constant 0 : index
    %get3A_0 = arith.constant 0 : index
    %get3A_1 = vector.load %arg1[%get3A, %get3A_0] : memref<512x128xi32, #tpu.memory_space<vmem>>, vector<512x128xi32>
    %get3A_2 = arith.constant 0 : index
    %get3A_3 = arith.constant 0 : index
    %get3A_4 = vector.load %arg2[%get3A_2, %get3A_3] : memref<512x8xf32, #tpu.memory_space<vmem>>, vector<512x8xf32>
    %iota3A = tpu.iota {dimensions = array<i32: 1>} : vector<512x512xi32>
    %jit3A = arith.constant 4 : i32
    %div3A = vector.broadcast %jit3A : i32 to vector<512x512xi32>
    %div3A_5 = arith.divsi %iota3A, %div3A : vector<512x512xi32>
    %sign3A = arith.constant 0 : i32
    %sign3A_6 = vector.broadcast %sign3A : i32 to vector<512x512xi32>
    %sign3A_7 = arith.cmpi sgt, %iota3A, %sign3A_6 : vector<512x512xi32>
    %sign3A_8 = arith.extui %sign3A_7 : vector<512x512xi1> to vector<512x512xi32>
    %sign3A_9 = arith.constant 0 : i32
    %sign3A_10 = vector.broadcast %sign3A_9 : i32 to vector<512x512xi32>
    %sign3A_11 = arith.cmpi slt, %iota3A, %sign3A_10 : vector<512x512xi32>
    %sign3A_12 = arith.extui %sign3A_11 : vector<512x512xi1> to vector<512x512xi32>
    %sign3A_13 = arith.subi %sign3A_8, %sign3A_12 : vector<512x512xi32>
    %sign3A_14 = arith.constant 0 : i32
    %sign3A_15 = arith.cmpi sgt, %jit3A, %sign3A_14 : i32
    %sign3A_16 = arith.extui %sign3A_15 : i1 to i32
    %sign3A_17 = arith.constant 0 : i32
    %sign3A_18 = arith.cmpi slt, %jit3A, %sign3A_17 : i32
    %sign3A_19 = arith.extui %sign3A_18 : i1 to i32
    %sign3A_20 = arith.subi %sign3A_16, %sign3A_19 : i32
    %ne3A = vector.broadcast %sign3A_20 : i32 to vector<512x512xi32>
    %ne3A_21 = arith.cmpi ne, %sign3A_13, %ne3A : vector<512x512xi32>
    %rem3A = vector.broadcast %jit3A : i32 to vector<512x512xi32>
    %rem3A_22 = arith.remsi %iota3A, %rem3A : vector<512x512xi32>
    %ne3A_23 = arith.constant 0 : i32
    %ne3A_24 = vector.broadcast %ne3A_23 : i32 to vector<512x512xi32>
    %ne3A_25 = arith.cmpi ne, %rem3A_22, %ne3A_24 : vector<512x512xi32>
    %and3A = arith.andi %ne3A_21, %ne3A_25 : vector<512x512xi1>
    %sub3A = arith.constant 1 : i32
    %sub3A_26 = vector.broadcast %sub3A : i32 to vector<512x512xi32>
    %sub3A_27 = arith.subi %div3A_5, %sub3A_26 : vector<512x512xi32>
    %select_n3A = arith.select %and3A, %sub3A_27, %div3A_5 : vector<512x512xi1>, vector<512x512xi32>
    %lt3A = arith.constant 0 : i32
    %lt3A_28 = vector.broadcast %lt3A : i32 to vector<512x512xi32>
    %lt3A_29 = arith.cmpi slt, %select_n3A, %lt3A_28 : vector<512x512xi32>
    %add3A = arith.constant 128 : i32
    %add3A_30 = vector.broadcast %add3A : i32 to vector<512x512xi32>
    %add3A_31 = arith.addi %select_n3A, %add3A_30 : vector<512x512xi32>
    %select_n3A_32 = arith.select %lt3A_29, %add3A_31, %select_n3A : vector<512x512xi1>, vector<512x512xi32>
    %reshape3A = vector.shape_cast %select_n3A_32 : vector<512x512xi32> to vector<512x512x1xi32>
    %gather3A = vector.shape_cast %reshape3A : vector<512x512x1xi32> to vector<512x512xi32>
    %gather3A_33 = tpu.dynamic_gather %get3A_1[%gather3A] in [1] : vector<512x128xi32>, vector<512x512xi32> -> vector<512x512xi32>
    %jit3A_34 = arith.constant 64 : i32
    %div3A_35 = vector.broadcast %jit3A_34 : i32 to vector<512x512xi32>
    %div3A_36 = arith.divsi %iota3A, %div3A_35 : vector<512x512xi32>
    %sign3A_37 = arith.constant 0 : i32
    %sign3A_38 = vector.broadcast %sign3A_37 : i32 to vector<512x512xi32>
    %sign3A_39 = arith.cmpi sgt, %iota3A, %sign3A_38 : vector<512x512xi32>
    %sign3A_40 = arith.extui %sign3A_39 : vector<512x512xi1> to vector<512x512xi32>
    %sign3A_41 = arith.constant 0 : i32
    %sign3A_42 = vector.broadcast %sign3A_41 : i32 to vector<512x512xi32>
    %sign3A_43 = arith.cmpi slt, %iota3A, %sign3A_42 : vector<512x512xi32>
    %sign3A_44 = arith.extui %sign3A_43 : vector<512x512xi1> to vector<512x512xi32>
    %sign3A_45 = arith.subi %sign3A_40, %sign3A_44 : vector<512x512xi32>
    %sign3A_46 = arith.constant 0 : i32
    %sign3A_47 = arith.cmpi sgt, %jit3A_34, %sign3A_46 : i32
    %sign3A_48 = arith.extui %sign3A_47 : i1 to i32
    %sign3A_49 = arith.constant 0 : i32
    %sign3A_50 = arith.cmpi slt, %jit3A_34, %sign3A_49 : i32
    %sign3A_51 = arith.extui %sign3A_50 : i1 to i32
    %sign3A_52 = arith.subi %sign3A_48, %sign3A_51 : i32
    %ne3A_53 = vector.broadcast %sign3A_52 : i32 to vector<512x512xi32>
    %ne3A_54 = arith.cmpi ne, %sign3A_45, %ne3A_53 : vector<512x512xi32>
    %rem3A_55 = vector.broadcast %jit3A_34 : i32 to vector<512x512xi32>
    %rem3A_56 = arith.remsi %iota3A, %rem3A_55 : vector<512x512xi32>
    %ne3A_57 = arith.constant 0 : i32
    %ne3A_58 = vector.broadcast %ne3A_57 : i32 to vector<512x512xi32>
    %ne3A_59 = arith.cmpi ne, %rem3A_56, %ne3A_58 : vector<512x512xi32>
    %and3A_60 = arith.andi %ne3A_54, %ne3A_59 : vector<512x512xi1>
    %sub3A_61 = arith.constant 1 : i32
    %sub3A_62 = vector.broadcast %sub3A_61 : i32 to vector<512x512xi32>
    %sub3A_63 = arith.subi %div3A_36, %sub3A_62 : vector<512x512xi32>
    %select_n3A_64 = arith.select %and3A_60, %sub3A_63, %div3A_36 : vector<512x512xi1>, vector<512x512xi32>
    %lt3A_65 = arith.constant 0 : i32
    %lt3A_66 = vector.broadcast %lt3A_65 : i32 to vector<512x512xi32>
    %lt3A_67 = arith.cmpi slt, %select_n3A_64, %lt3A_66 : vector<512x512xi32>
    %add3A_68 = arith.constant 8 : i32
    %add3A_69 = vector.broadcast %add3A_68 : i32 to vector<512x512xi32>
    %add3A_70 = arith.addi %select_n3A_64, %add3A_69 : vector<512x512xi32>
    %select_n3A_71 = arith.select %lt3A_67, %add3A_70, %select_n3A_64 : vector<512x512xi1>, vector<512x512xi32>
    %reshape3A_72 = vector.shape_cast %select_n3A_71 : vector<512x512xi32> to vector<512x512x1xi32>
    %gather3A_73 = vector.shape_cast %reshape3A_72 : vector<512x512x1xi32> to vector<512x512xi32>
    %gather3A_74 = tpu.dynamic_gather %get3A_4[%gather3A_73] in [1] : vector<512x8xf32>, vector<512x512xi32> -> vector<512x512xf32>
    %iota3A_75 = tpu.iota {dimensions = array<i32: 1>} : vector<512x512xi32>
    %jit3A_76 = arith.constant 4 : i32
    %eq3A = arith.constant 0 : i32
    %eq3A_77 = arith.cmpi eq, %jit3A_76, %eq3A : i32
    %jit3A_78 = arith.constant 1 : i32
    %select_n3A_79 = arith.select %eq3A_77, %jit3A_78, %jit3A_76 : i32
    %rem3A_80 = vector.broadcast %select_n3A_79 : i32 to vector<512x512xi32>
    %rem3A_81 = arith.remsi %iota3A_75, %rem3A_80 : vector<512x512xi32>
    %ne3A_82 = arith.constant 0 : i32
    %ne3A_83 = vector.broadcast %ne3A_82 : i32 to vector<512x512xi32>
    %ne3A_84 = arith.cmpi ne, %rem3A_81, %ne3A_83 : vector<512x512xi32>
    %lt3A_85 = arith.constant 0 : i32
    %lt3A_86 = vector.broadcast %lt3A_85 : i32 to vector<512x512xi32>
    %lt3A_87 = arith.cmpi slt, %rem3A_81, %lt3A_86 : vector<512x512xi32>
    %lt3A_88 = arith.constant 0 : i32
    %lt3A_89 = arith.cmpi slt, %select_n3A_79, %lt3A_88 : i32
    %ne3A_90 = vector.broadcast %lt3A_89 : i1 to vector<512x512xi1>
    %ne3A_91 = vector.broadcast %ne3A_90 : vector<512x512xi1> to vector<512x512xi1>
    %ne3A_92 = arith.xori %lt3A_87, %ne3A_91 : vector<512x512xi1>
    %and3A_93 = arith.andi %ne3A_92, %ne3A_84 : vector<512x512xi1>
    %add3A_94 = vector.broadcast %select_n3A_79 : i32 to vector<512x512xi32>
    %add3A_95 = arith.addi %rem3A_81, %add3A_94 : vector<512x512xi32>
    %select_n3A_96 = arith.select %and3A_93, %add3A_95, %rem3A_81 : vector<512x512xi1>, vector<512x512xi32>
    %mul3A = arith.constant 8 : i32
    %mul3A_97 = vector.broadcast %mul3A : i32 to vector<512x512xi32>
    %mul3A_98 = arith.muli %mul3A_97, %select_n3A_96 : vector<512x512xi32>
    %sub3A_99 = arith.constant 24 : i32
    %sub3A_100 = vector.broadcast %sub3A_99 : i32 to vector<512x512xi32>
    %sub3A_101 = arith.subi %sub3A_100, %mul3A_98 : vector<512x512xi32>
    %shift_left3A = arith.shli %gather3A_33, %sub3A_101 : vector<512x512xi32>
    %shift_right_arithmetic3A = arith.constant 24 : i32
    %shift_right_arithmetic3A_102 = vector.broadcast %shift_right_arithmetic3A : i32 to vector<512x512xi32>
    %shift_right_arithmetic3A_103 = arith.shrsi %shift_left3A, %shift_right_arithmetic3A_102 : vector<512x512xi32>
    %convert_element_type3A = arith.sitofp %shift_right_arithmetic3A_103 : vector<512x512xi32> to vector<512x512xf32>
    %mul3A_104 = arith.mulf %convert_element_type3A, %gather3A_74 : vector<512x512xf32>
    %swap3A = arith.constant 0 : index
    %swap3A_105 = arith.constant 0 : index
    %swap3A_106 = vector.load %arg3[%swap3A, %swap3A_105] : memref<512x512xf32, #tpu.memory_space<vmem>>, vector<512x512xf32>
    tpu.vector_store %arg3[%swap3A, %swap3A_105], %mul3A_104 {strides = array<i32>} : memref<512x512xf32, #tpu.memory_space<vmem>>, vector<512x512xf32>,
    return
  }
  func.func @transform_0(%arg0: i32) -> (i32, i32) {
    %c0_i32 = arith.constant 0 : i32
    %c0_i32_0 = arith.constant 0 : i32
    return %arg0, %c0_i32 : i32, i32
  }
  func.func @transform_1(%arg0: i32) -> (i32, i32) {
    %c0_i32 = arith.constant 0 : i32
    %c0_i32_0 = arith.constant 0 : i32
    return %arg0, %c0_i32 : i32, i32
  }
  func.func @transform_2(%arg0: i32) -> (i32, i32) {
    %c0_i32 = arith.constant 0 : i32
    %c0_i32_0 = arith.constant 0 : i32
    return %arg0, %c0_i32 : i32, i32
  }
}

</mosaic_0001>

<sc_bundles>
// kernel: kernel.5.cloned.1.call-start
scs
__scs_entry_jumppad:
0x0: {  	(pc) =	sbr.rel $0x88, $3  }
0x1: {  	(tag) =	ssettag $0x0;
	lr =	simm.s32 $0x1  }
0x2: {  	[smem:$0x3F9E] =	sst lr;
	_ =	strace $0xD0000000  }
0x3: {  	_ = 	snop  }
0x4: {  	_ = 	snop  }
0x5: {  	_ = 	snop  }
0x6: {  	_ = 	snop  }
0x7: {  	_ = 	snop  }
__scs_overlays_trampoline_lowered:
0x8: {  	[smem:$0x3FAD] =	sst s0  }
0x9: {  	[smem:$0x3FAE] =	sst s1  }
0xa: {  	[smem:$0x3FAF] =	sst s2  }
0xb: {  	[smem:$0x3FB0] =	sst s3  }
0xc: {  	[smem:$0x3FB1] =	sst s4  }
0xd: {  	[smem:$0x3FB2] =	sst s5  }
0xe: {  	[smem:$0x3FB3] =	sst s6  }
0xf: {  	[smem:$0x3FB4] =	sst s7  }
0x10: {  	[smem:$0x3FB5] =	sst s8  }
0x11: {  	[smem:$0x3FB6] =	sst s9;
	s0 =	simm.s32 @!p0 $0x0  }
0x12: {  	s1 =	sld [smem:$0x3F9C];
	s0 =	simm.s32 @p0 $0x1  }
0x13: {  	[smem:$0x3FB7] =	sst s0;
	s0 =	simm.s32 @!p1 $0x0  }
0x14: {  	s2 =	sld [smem:$0x3F9B];
	s0 =	simm.s32 @p1 $0x1  }
0x15: {  	[smem:$0x3FB8] =	sst s0;
	s0 =	simm.s32 @!p2 $0x0  }
0x16: {  	s3 =	sld [smem:$0x3FDB];
	s0 =	simm.s32 @p2 $0x1  }
0x17: {  	s4 =	simm.s32 $0x1BF5;
	[smem:$0x3FBA] =	sst s0  }
0x18: {  	s0 =	sld [smem:$0x3F9D];
	_ =	swait.ge [sflag:s4], $0x0  }
0x19: {  	s7 =	sld [smem:$0x3F9E]  }
0x1a: {  	s8 =	sadd.s32 $0xFFFFE003, lr  }
0x1b: {  	s9 =	sadd.s32 $0xFFFFFEF7, lr;
	s5 =	simm.s32 $0xFFFFFFFF;
	p2 =	slt.u32 s8, $0xFFFFF086  }
0x1c: {  	p1 =	slt.u32 s9, $0xF7A;
	s5 =	simm.s32 @!p2 $0x0  }
0x1d: {  	s5 =	simm.s32 @p1 $0x1;
	p0 =	seq.s32 s7, s2  }
0x1e: {  	s7 =	smul.u32 @!p0 $0xF7A, s2;
	p2 =	seq.s32 @!p0 s5, $0x0  }
0x1f: {  	s9 =	smul.u32 $0xF7A, s1;
	s8 =	simm.s32 @!p0 $0x1BF5;
	p2 =	por !p2, p0  }
0x20: {  	[sflag:s8] =	ssyncset.s32 @!p0 $0xFFFFF086;
	s6 =	sadd.s32 @!p0 s3, s7;
	s7 =	simm.s32 @!p0 $0x108  }
0x21: {  	s3 =	sadd.s32 s3, s9;
	s6 =	sadd.s32 @!p0 $0x88, s6;
	s7 =	simm.s32 @p2 $0x1082  }
0x22: {  	[simem:s7], [sflag:s8] =	dma.local @!p0 [hbm:s6], $0xF7A  }
0x23: {  	s9 =	sor.u32 $0xD0000000, s2;
	s6 =	simm.s32 $0x108;
	_ =	swait.ge @!p0 [sflag:s8], $0x0  }
0x24: {  	s3 =	sadd.s32 $0x88, s3;
	s6 =	simm.s32 @!p1 $0x1082;
	[sflag:s4] =	ssyncset.s32 $0xFFFFF086  }
0x25: {  	[simem:s6], [sflag:s4] =	dma.local [hbm:s3], $0xF7A  }
0x26: {  	[smem:$0x3F9E] =	sst s1;
	(tag) =	ssettag s2;
	_ =	strace s9  }
0x27: {  	s1 =	sld [smem:$0x3FAE]  }
0x28: {  	s2 =	sld [smem:$0x3FAF]  }
0x29: {  	s4 =	sld [smem:$0x3FB1]  }
0x2a: {  	p0 =	seq.s32 s5, $0x0;
	s5 =	sld [smem:$0x3FB2]  }
0x2b: {  	s6 =	sld [smem:$0x3FB3]  }
0x2c: {  	s7 =	sld [smem:$0x3FB4]  }
0x2d: {  	s3 =	simm.s32 $0x108;
	s8 =	sld [smem:$0x3FB5]  }
0x2e: {  	s3 =	simm.s32 @!p0 $0x1082;
	s9 =	sld [smem:$0x3FB6]  }
0x2f: {  	lr =	sadd.s32 s0, s3;
	s0 =	sld [smem:$0x3FAD]  }
0x30: {  	s3 =	sld [smem:$0x3FB0]  }
0x31: {  	[smem:$0x3FB9] =	sst s10  }
0x32: {  	s10 =	sld [smem:$0x3FB7];
	_ =	sdelay $0x3  }
0x33: {  	p0 =	seq.s32 s10, $0x1;
	s10 =	sld [smem:$0x3FB9];
	_ =	sdelay $0x3  }
0x34: {  	[smem:$0x3FB9] =	sst s10  }
0x35: {  	s10 =	sld [smem:$0x3FB8];
	_ =	sdelay $0x3  }
0x36: {  	p1 =	seq.s32 s10, $0x1;
	s10 =	sld [smem:$0x3FB9];
	_ =	sdelay $0x3  }
0x37: {  	[smem:$0x3FB9] =	sst s10  }
0x38: {  	s10 =	sld [smem:$0x3FBA]  }
0x39: {  	_ = 	snop;
	(pc) =	sbr.ind lr, $3  }
0x3a: {  	_ = 	snop  }
0x3b: {  	_ = 	snop  }
0x3c: {  	p2 =	seq.s32 s10, $0x1;
	s10 =	sld [smem:$0x3FB9]  }
0x3d: {  	_ =	shalt  }
0x3e: {  	_ =	shalt  }
0x3f: {  	_ =	shalt  }
0x40: {  	_ =	shalt  }
0x41: {  	_ =	shalt  }
0x42: {  	_ =	shalt  }
0x43: {  	_ =	shalt  }
0x44: {  	_ =	shalt  }
0x45: {  	_ =	shalt  }
0x46: {  	_ =	shalt  }
0x47: {  	_ =	shalt  }
0x48: {  	_ =	shalt  }
0x49: {  	_ =	shalt  }
0x4a: {  	_ =	shalt  }
0x4b: {  	_ =	shalt  }
0x4c: {  	_ =	shalt  }
0x4d: {  	_ =	shalt  }
0x4e: {  	_ =	shalt  }
0x4f: {  	_ =	shalt  }
0x50: {  	_ =	shalt  }
0x51: {  	_ =	shalt  }
0x52: {  	_ =	shalt  }
0x53: {  	_ =	shalt  }
0x54: {  	_ =	shalt  }
0x55: {  	_ =	shalt  }
0x56: {  	_ =	shalt  }
0x57: {  	_ =	shalt  }
0x58: {  	_ =	shalt  }
0x59: {  	_ =	shalt  }
0x5a: {  	_ =	shalt  }
0x5b: {  	_ =	shalt  }
0x5c: {  	_ =	shalt  }
0x5d: {  	_ =	shalt  }
0x5e: {  	_ =	shalt  }
0x5f: {  	_ =	shalt  }
0x60: {  	_ =	shalt  }
0x61: {  	_ =	shalt  }
0x62: {  	_ =	shalt  }
0x63: {  	_ =	shalt  }
0x64: {  	_ =	shalt  }
0x65: {  	_ =	shalt  }
0x66: {  	_ =	shalt  }
0x67: {  	_ =	shalt  }
0x68: {  	_ =	shalt  }
0x69: {  	_ =	shalt  }
0x6a: {  	_ =	shalt  }
0x6b: {  	_ =	shalt  }
0x6c: {  	_ =	shalt  }
0x6d: {  	_ =	shalt  }
0x6e: {  	_ =	shalt  }
0x6f: {  	_ =	shalt  }
0x70: {  	_ =	shalt  }
0x71: {  	_ =	shalt  }
0x72: {  	_ =	shalt  }
0x73: {  	_ =	shalt  }
0x74: {  	_ =	shalt  }
0x75: {  	_ =	shalt  }
0x76: {  	_ =	shalt  }
0x77: {  	_ =	shalt  }
0x78: {  	_ =	shalt  }
0x79: {  	_ =	shalt  }
0x7a: {  	_ =	shalt  }
0x7b: {  	_ =	shalt  }
0x7c: {  	_ =	shalt  }
0x7d: {  	_ =	shalt  }
0x7e: {  	_ =	shalt  }
0x7f: {  	_ =	shalt  }
0x80: {  	_ =	shalt  }
0x81: {  	_ =	shalt  }
0x82: {  	_ =	shalt  }
0x83: {  	_ =	shalt  }
0x84: {  	_ =	shalt  }
0x85: {  	_ =	shalt  }
0x86: {  	_ =	shalt  }
0x87: {  	_ =	shalt  }
.Lfunc_end0:
.L_simem_size_0:
called_computation.2_lowered:
.L_overlay_start_0:
0x88: {  	s2 =	sld [smem:$0x3FD9]  }
0x89: {  	s3 =	sld [smem:$0x3FFE];
	_ =	sdelay $0x1  }
0x8a: {  	s1 =	srdreg.scid  }
0x8b: {  	s0 =	sand.u32 $0x1, s1  }
0x8c: {  	s16 =	sshll.u32 s0, $0xA;
	s2 =	sadd.s32 s3, s2  }
0x8d: {  	s2 =	sadd.s32 s2, s16  }
0x8e: {  	[smem:$0x3FC5] =	sst s2  }
0x8f: {  	_ = 	snop  }
0x90: {  	(tm) =	ssettm $0x1  }
0x91: {  	s17 =	sld [smem:$0x3FFB];
	_ =	sdelay $0x3  }
0x92: {  	_ =	strace s17  }
0x93: {  	s2 =	sld [smem:$0x3FFC];
	_ =	sdelay $0x3  }
0x94: {  	_ =	strace s2  }
0x95: {  	s2 =	sld [smem:$0x3FFD];
	_ =	sdelay $0x3  }
0x96: {  	_ =	strace s2  }
0x97: {  	_ =	strace $0x8FFFFFFF  }
0x98: {  	s18 =	sld [smem:$0x3FDB];
	_ =	sdelay $0x1  }
0x99: {  	s19 =	simm.s32 $_scs_section_size  }
0x9a: {  	s4 =	simm.s32 $_size__tile_overlayer_lowered;
	s5 =	simm.s32 $_tile_overlayer_lowered  }
0x9b: {  	s22 =	simm.s32 $0x1BFF;
	s21 =	sshll.u32 s5, $0x1;
	s2 =	sadd.s32 s19, s18  }
0x9c: {  	s6 =	simm.s32 $0x0;
	s20 =	sshll.u32 s4, $0x1;
	s4 =	sadd.s32 s21, s2  }
0x9d: {  	[timem:s6], [sflag:s22] =	dma.local [hbm:s4], s20  }
0x9e: {  	_ =	swait.ge [sflag:s22], s20  }
0x9f: {  	s3 =	ssub.s32 $0x0, s20;
	[sflag:s22] =	ssyncset.done $0x0  }
0xa0: {  	[sflag:s22] =	ssyncadd.s32 s3;
	_ =	sdelay $0x1  }
0xa1: {  	s23 =	simm.s32 $0x1B8B  }
0xa2: {  	_ =	swait.ge [sflag:s23], $0x1  }
0xa3: {  	[sflag:s23] =	ssyncset.done $0x0  }
0xa4: {  	s25 =	simm.s32 $0x1B8E;
	s24 =	sld [smem:$0x3FFE];
	[sflag:s23] =	ssyncadd.s32 $0xFFFFFFFF  }
0xa5: {  	s26 =	simm.s32 $execute0_lowered;
	[smem:$0x3FD2] =	sst s25  }
0xa6: {  	s4 =	sshll.u32 s26, $0x1;
	_ =	strace $0x80000049;
	[dreg:$0x1] =	wrdreg $0xFFFFFFFF  }
0xa7: {  	s28 =	simm.s32 $_size_execute0_lowered;
	s2 =	sadd.s32 s2, s4;
	[dreg:$0x0] =	wrdreg $0x0  }
0xa8: {  	s4 =	sshll.u32 s28, $0x1;
	[dreg:$0x2] =	wrdreg s2  }
0xa9: {  	[dreg:$0x3] =	wrdreg s4  }
0xaa: {  	[dreg:$0x4] =	wrdreg $0xC0  }
0xab: {  	_ =	task [dreg:s6], $0x5FFFF  }
0xac: {  	[dreg:$0x1] =	wrdreg $0xFFFFFFFF  }
0xad: {  	[dreg:$0x0] =	wrdreg $0x60  }
0xae: {  	[dreg:$0x2] =	wrdreg s24  }
0xaf: {  	[dreg:$0x3] =	wrdreg $0x9  }
0xb0: {  	_ =	task.clear_ibuf [dreg:s6], $0x4FFFF;
	_ =	strace $0x90000049  }
0xb1: {  	s29 =	simm.s32 $0x9;
	_ =	strace $0x8000004B  }
0xb2: {  	_ =	swait.ge [sflag:s29], $0x1  }
0xb3: {  	[sflag:s29] =	ssyncadd.s32 $0xFFFFFFFF  }
0xb4: {  	_ =	strace $0x9000004B  }
0xb5: {  	_ =	sfence  }
0xb6: {  	s30 =	sld [smem:$0x0];
	_ =	sdelay $0x2  }
0xb7: {  	s31 =	sshll.u32 s1, $0xD;
	s1 =	sshrl.u32 s1, $0x2  }
0xb8: {  	s3 =	sand.u32 $0x4000, s31;
	s1 =	sadd.s32 s1, s30  }
0xb9: {  	s0 =	sor.u32 s3, s0;
	s1 =	sshll.u32 s1, $0x11  }
0xba: {  	s0 =	sor.u32 s1, s0  }
0xbb: {  	s0 =	sadd.s32 $0x8F2B, s0  }
0xbc: {  	[sflag:s0] =	ssyncadd.remote.s32 $0x1  }
0xbd: {  	_ =	sfence.sel $0xFFFF  }
0xbe: {  	[dreg:$0x0] =	wrdreg $0xFFFFFFFF;
	(pc) =	sbr.abs _section_cstart, $3  }
0xbf: {  	[dreg:$0x1] =	wrdreg $0xFFFFFFFF  }
0xc0: {  	_ =	task.clear_ibuf [dreg:s6], $0x2FFFF;
	_ =	strace $0x9FFFFFFF  }
0xc1: {  	(tm) =	ssettm $0x7FFFFFFF  }
tec
execute0_lowered:
.L_overlay_start_1:
0x0: {  	(tag) =	ssettag $0x1  }
0x1: {  	s4 =	rddreg [dreg:$0x0];
	s1 =	srdreg.scid  }
0x2: {  	s0 =	rddreg [dreg:$0x1];
	s2 =	simm.s32 $0x0;
	s9 =	simm.s32 $0x0  }
0x3: {  	s5 =	sand.u32 $0x1, s1;
	[smem:$0x7FF] =	sst s2;
	s1 =	stileid.u32  }
0x4: {  	s3 =	sadd.s32 $0x1E9E00, s4;
	s4 =	sadd.s32 $0x1800, s4;
	s6 =	ssub.s32 $0x2, s5  }
0x5: {  	_ =	strace $0x8000004A;
	s8 =	sshll.u32 s1, $0x1;
	s7 =	sshrl.u32 s6, $0x1  }
0x6: {  	s5 =	sor.u32 s5, s8;
	s8 =	simm.s32 $0x4E20;
	s6 =	ssub.s32 s6, s7  }
0x7: {  	s5 =	smul.u32 $0x7A12, s5;
	s7 =	simm.s32 $0x1;
	s6 =	smax.u32 s6, $0x1  }
.LBB2_1:
0x8: {  	s10 =	simm.s32 $0x0  }
.LBB2_2:
0x9: {  	s11 =	smul.u32 $0x4E2, s10;
	_ =	sdelay $0x1  }
0xa: {  	s11 =	sadd.s32 s5, s11  }
0xb: {  	s11 =	sshll.u32 s11, $0x1  }
0xc: {  	s13 =	simm.s32 $0x0;
	s12 =	sadd.s32 s3, s11  }
0xd: {  	[tilespmem:s13], [sflag:$0x1] =	stream.linear.gather [hbm4b:s12+s13], $0x4E20, $0x38;
	[tilespmem:$0x9C40] =	vst v63  }
0xe: {  	_ =	swait.ge [sflag:s7], $0x4E20  }
0xf: {  	[sflag:s7] =	ssyncset.done $0x0  }
0x10: {  	s12 =	simm.s32 $0x0;
	[sflag:s7] =	ssyncadd.s32 $0xFFFFB1E0  }
0x11: {  	v1 =	vld [tilespmem:s12+$0x90]  }
0x12: {  	v2 =	vld [tilespmem:s12+$0x0]  }
0x13: {  	v3 =	vld [tilespmem:s12+$0x10]  }
0x14: {  	v4 =	vld [tilespmem:s12+$0x20]  }
0x15: {  	v5 =	vld [tilespmem:s12+$0x30]  }
0x16: {  	v0 =	vld [tilespmem:s12+$0x40];
	[tilespmem:s12+$0x4EB0] =	vst v1  }
0x17: {  	[tilespmem:s12+$0x4E20] =	vst v2;
	v1 =	vld [tilespmem:s12+$0x50]  }
0x18: {  	[tilespmem:s12+$0x4E30] =	vst v3;
	v2 =	vld [tilespmem:s12+$0x60]  }
0x19: {  	[tilespmem:s12+$0x4E40] =	vst v4;
	v3 =	vld [tilespmem:s12+$0x70]  }
0x1a: {  	s14 =	simm.s32 $0x500;
	s13 =	simm.s32 $0xA0;
	[tilespmem:s12+$0x4E50] =	vst v5;
	v4 =	vld [tilespmem:s12+$0x80]  }
.LBB2_3:
0x1b: {  	p0 =	sne.s32 s14, $0x13600;
	v5 =	vld [tilespmem:s13+$0x90];
	[tilespmem:s12+$0x4E60] =	vst v0  }
0x1c: {  	v6 =	vld [tilespmem:s13+$0x0];
	[tilespmem:s12+$0x4E70] =	vst v1  }
0x1d: {  	v7 =	vld [tilespmem:s13+$0x10];
	[tilespmem:s12+$0x4E80] =	vst v2  }
0x1e: {  	v8 =	vld [tilespmem:s13+$0x20];
	[tilespmem:s12+$0x4E90] =	vst v3  }
0x1f: {  	v9 =	vld [tilespmem:s13+$0x30];
	[tilespmem:s12+$0x4EA0] =	vst v4;
	s12 =	smov.u32 s13  }
.Ltmp0:
0x20: {  	v0 =	vld [tilespmem:s12+$0x40];
	[tilespmem:s12+$0x4EB0] =	vst v5;
	(pc) =	sbr.rel @p0 .LBB2_3-.Ltmp0, $4  }
0x21: {  	[tilespmem:s12+$0x4E20] =	vst v6;
	v1 =	vld [tilespmem:s12+$0x50]  }
0x22: {  	[tilespmem:s12+$0x4E30] =	vst v7;
	v2 =	vld [tilespmem:s12+$0x60]  }
0x23: {  	[tilespmem:s12+$0x4E40] =	vst v8;
	v3 =	vld [tilespmem:s12+$0x70]  }
0x24: {  	s13 =	sshra.s32 s14, $0x2;
	s14 =	sadd.s32 $0x280, s14;
	[tilespmem:s12+$0x4E50] =	vst v9;
	v4 =	vld [tilespmem:s12+$0x80]  }
0x25: {  	v5 =	vld [tilespmem:s13+$0x90];
	[tilespmem:s12+$0x4E60] =	vst v0  }
0x26: {  	v0 =	vld [tilespmem:s13+$0x0];
	[tilespmem:s12+$0x4E70] =	vst v1  }
0x27: {  	v1 =	vld [tilespmem:s13+$0x10];
	[tilespmem:s12+$0x4E80] =	vst v2  }
0x28: {  	v2 =	vld [tilespmem:s13+$0x20];
	[tilespmem:s12+$0x4E90] =	vst v3  }
0x29: {  	v3 =	vld [tilespmem:s13+$0x30];
	[tilespmem:s12+$0x4EA0] =	vst v4  }
0x2a: {  	v4 =	vld [tilespmem:s13+$0x40];
	[tilespmem:s13+$0x4EB0] =	vst v5  }
0x2b: {  	v60 =	vld [tilespmem:s13+$0x50];
	[tilespmem:s13+$0x4E20] =	vst v0  }
0x2c: {  	v61 =	vld [tilespmem:s13+$0x60];
	[tilespmem:s13+$0x4E30] =	vst v1  }
0x2d: {  	v62 =	vld [tilespmem:s13+$0x70];
	[tilespmem:s13+$0x4E40] =	vst v2  }
0x2e: {  	v63 =	vld [tilespmem:s13+$0x80];
	[tilespmem:s13+$0x4E50] =	vst v3  }
0x2f: {  	[tilespmem:s13+$0x4E60] =	vst v4  }
0x30: {  	[tilespmem:s13+$0x4E70] =	vst v60  }
0x31: {  	s10 =	sadd.s32 $0x1, s10;
	[tilespmem:s13+$0x4E80] =	vst v61  }
0x32: {  	p0 =	sne.s32 s10, $0x19;
	[tilespmem:s13+$0x4E90] =	vst v62  }
.Ltmp1:
0x33: {  	s11 =	sadd.s32 s4, s11;
	[tilespmem:s13+$0x4EA0] =	vst v63;
	(pc) =	sbr.rel @p0 .LBB2_2-.Ltmp1, $4  }
0x34: {  	[hbm4b:s11+s2] =	stream.linear.scatter [tilespmem:s8], [sflag:$0x1], $0x4E20, $0x38;
	[tilespmem:$0x9C40] =	vst v63  }
0x35: {  	_ =	swait.ge [sflag:s7], $0x4E20  }
0x36: {  	[sflag:s7] =	ssyncset.done $0x0  }
0x37: {  	[sflag:s7] =	ssyncadd.s32 $0xFFFFB1E0  }
0x38: {  	s9 =	sadd.s32 $0x1, s9  }
0x39: {  	p0 =	sne.s32 s9, s6  }
.Ltmp2:
0x3a: {  	_ = 	snop;
	(pc) =	sbr.rel @p0 .LBB2_1-.Ltmp2, $1  }
0x3b: {  	_ =	sdelay $0x3  }
0x3c: {  	_ =	sfence.sel $0x180000  }
0x3d: {  	[bflag:$0x0] =	sbarrier.arrive $0xFFFF  }
0x3e: {  	p0 =	sne.s32 s1, $0x0;
	_ =	strace $0x9000004A  }
0x3f: {  	s0 =	sadd.s32 @!p0 $0x100000, s0;
	[bflag:$0x2] =	sbarrier.arrive $0xFFFF  }
0x40: {  	[sflag:s0] =	ssyncadd.tile.s32 @!p0 $0x1;
	_ =	shalt  }
.Lfunc_end2:
_tile_overlayer_lowered:
.L_overlay_start_2:
0x41: {  	(tag) =	ssettag $0x2  }
0x42: {  	s0 =	rddreg [dreg:$0x0];
	s2 =	stileid.u32  }
0x43: {  	s1 =	rddreg [dreg:$0x1];
	p0 =	sne.s32 s2, $0x0  }
0x44: {  	s3 =	rddreg [dreg:$0x2];
	[bflag:$0x3] =	sbarrier.arrive $0xFFFF;
	s2 =	simm.s32 @!p0 $0x1C01  }
0x45: {  	[timem:s3], [sflag:s2] =	dma.local @!p0 [hbm:s0], s1  }
0x46: {  	s0 =	simm.s32 @!p0 $0x1  }
0x47: {  	_ =	swait.ge @!p0 [sflag:s0], s1  }
0x48: {  	s1 =	ssub.s32 @!p0 $0x0, s1;
	[sflag:s0] =	ssyncset.done @!p0 $0x0  }
0x49: {  	[sflag:s0] =	ssyncadd.s32 @!p0 s1  }
0x4a: {  	[bflag:$0x3] =	sbarrier.arrive $0xFFFF  }
0x4b: {  	_ =	shalt  }

// kernel: kernel.8.cloned.1.call-start
scs
__scs_entry_jumppad:
0x0: {  	(pc) =	sbr.rel $0x88, $3  }
0x1: {  	(tag) =	ssettag $0x0;
	lr =	simm.s32 $0x1  }
0x2: {  	[smem:$0x3F9E] =	sst lr;
	_ =	strace $0xD0000000  }
0x3: {  	_ = 	snop  }
0x4: {  	_ = 	snop  }
0x5: {  	_ = 	snop  }
0x6: {  	_ = 	snop  }
0x7: {  	_ = 	snop  }
__scs_overlays_trampoline_lowered:
0x8: {  	[smem:$0x3FAD] =	sst s0  }
0x9: {  	[smem:$0x3FAE] =	sst s1  }
0xa: {  	[smem:$0x3FAF] =	sst s2  }
0xb: {  	[smem:$0x3FB0] =	sst s3  }
0xc: {  	[smem:$0x3FB1] =	sst s4  }
0xd: {  	[smem:$0x3FB2] =	sst s5  }
0xe: {  	[smem:$0x3FB3] =	sst s6  }
0xf: {  	[smem:$0x3FB4] =	sst s7  }
0x10: {  	[smem:$0x3FB5] =	sst s8  }
0x11: {  	[smem:$0x3FB6] =	sst s9;
	s0 =	simm.s32 @!p0 $0x0  }
0x12: {  	s1 =	sld [smem:$0x3F9C];
	s0 =	simm.s32 @p0 $0x1  }
0x13: {  	[smem:$0x3FB7] =	sst s0;
	s0 =	simm.s32 @!p1 $0x0  }
0x14: {  	s2 =	sld [smem:$0x3F9B];
	s0 =	simm.s32 @p1 $0x1  }
0x15: {  	[smem:$0x3FB8] =	sst s0;
	s0 =	simm.s32 @!p2 $0x0  }
0x16: {  	s3 =	sld [smem:$0x3FDB];
	s0 =	simm.s32 @p2 $0x1  }
0x17: {  	s4 =	simm.s32 $0x1BF5;
	[smem:$0x3FBA] =	sst s0  }
0x18: {  	s0 =	sld [smem:$0x3F9D];
	_ =	swait.ge [sflag:s4], $0x0  }
0x19: {  	s7 =	sld [smem:$0x3F9E]  }
0x1a: {  	s8 =	sadd.s32 $0xFFFFE003, lr  }
0x1b: {  	s9 =	sadd.s32 $0xFFFFFEF7, lr;
	s5 =	simm.s32 $0xFFFFFFFF;
	p2 =	slt.u32 s8, $0xFFFFF086  }
0x1c: {  	p1 =	slt.u32 s9, $0xF7A;
	s5 =	simm.s32 @!p2 $0x0  }
0x1d: {  	s5 =	simm.s32 @p1 $0x1;
	p0 =	seq.s32 s7, s2  }
0x1e: {  	s7 =	smul.u32 @!p0 $0xF7A, s2;
	p2 =	seq.s32 @!p0 s5, $0x0  }
0x1f: {  	s9 =	smul.u32 $0xF7A, s1;
	s8 =	simm.s32 @!p0 $0x1BF5;
	p2 =	por !p2, p0  }
0x20: {  	[sflag:s8] =	ssyncset.s32 @!p0 $0xFFFFF086;
	s6 =	sadd.s32 @!p0 s3, s7;
	s7 =	simm.s32 @!p0 $0x108  }
0x21: {  	s3 =	sadd.s32 s3, s9;
	s6 =	sadd.s32 @!p0 $0x88, s6;
	s7 =	simm.s32 @p2 $0x1082  }
0x22: {  	[simem:s7], [sflag:s8] =	dma.local @!p0 [hbm:s6], $0xF7A  }
0x23: {  	s9 =	sor.u32 $0xD0000000, s2;
	s6 =	simm.s32 $0x108;
	_ =	swait.ge @!p0 [sflag:s8], $0x0  }
0x24: {  	s3 =	sadd.s32 $0x88, s3;
	s6 =	simm.s32 @!p1 $0x1082;
	[sflag:s4] =	ssyncset.s32 $0xFFFFF086  }
0x25: {  	[simem:s6], [sflag:s4] =	dma.local [hbm:s3], $0xF7A  }
0x26: {  	[smem:$0x3F9E] =	sst s1;
	(tag) =	ssettag s2;
	_ =	strace s9  }
0x27: {  	s1 =	sld [smem:$0x3FAE]  }
0x28: {  	s2 =	sld [smem:$0x3FAF]  }
0x29: {  	s4 =	sld [smem:$0x3FB1]  }
0x2a: {  	p0 =	seq.s32 s5, $0x0;
	s5 =	sld [smem:$0x3FB2]  }
0x2b: {  	s6 =	sld [smem:$0x3FB3]  }
0x2c: {  	s7 =	sld [smem:$0x3FB4]  }
0x2d: {  	s3 =	simm.s32 $0x108;
	s8 =	sld [smem:$0x3FB5]  }
0x2e: {  	s3 =	simm.s32 @!p0 $0x1082;
	s9 =	sld [smem:$0x3FB6]  }
0x2f: {  	lr =	sadd.s32 s0, s3;
	s0 =	sld [smem:$0x3FAD]  }
0x30: {  	s3 =	sld [smem:$0x3FB0]  }
0x31: {  	[smem:$0x3FB9] =	sst s10  }
0x32: {  	s10 =	sld [smem:$0x3FB7];
	_ =	sdelay $0x3  }
0x33: {  	p0 =	seq.s32 s10, $0x1;
	s10 =	sld [smem:$0x3FB9];
	_ =	sdelay $0x3  }
0x34: {  	[smem:$0x3FB9] =	sst s10  }
0x35: {  	s10 =	sld [smem:$0x3FB8];
	_ =	sdelay $0x3  }
0x36: {  	p1 =	seq.s32 s10, $0x1;
	s10 =	sld [smem:$0x3FB9];
	_ =	sdelay $0x3  }
0x37: {  	[smem:$0x3FB9] =	sst s10  }
0x38: {  	s10 =	sld [smem:$0x3FBA]  }
0x39: {  	_ = 	snop;
	(pc) =	sbr.ind lr, $3  }
0x3a: {  	_ = 	snop  }
0x3b: {  	_ = 	snop  }
0x3c: {  	p2 =	seq.s32 s10, $0x1;
	s10 =	sld [smem:$0x3FB9]  }
0x3d: {  	_ =	shalt  }
0x3e: {  	_ =	shalt  }
0x3f: {  	_ =	shalt  }
0x40: {  	_ =	shalt  }
0x41: {  	_ =	shalt  }
0x42: {  	_ =	shalt  }
0x43: {  	_ =	shalt  }
0x44: {  	_ =	shalt  }
0x45: {  	_ =	shalt  }
0x46: {  	_ =	shalt  }
0x47: {  	_ =	shalt  }
0x48: {  	_ =	shalt  }
0x49: {  	_ =	shalt  }
0x4a: {  	_ =	shalt  }
0x4b: {  	_ =	shalt  }
0x4c: {  	_ =	shalt  }
0x4d: {  	_ =	shalt  }
0x4e: {  	_ =	shalt  }
0x4f: {  	_ =	shalt  }
0x50: {  	_ =	shalt  }
0x51: {  	_ =	shalt  }
0x52: {  	_ =	shalt  }
0x53: {  	_ =	shalt  }
0x54: {  	_ =	shalt  }
0x55: {  	_ =	shalt  }
0x56: {  	_ =	shalt  }
0x57: {  	_ =	shalt  }
0x58: {  	_ =	shalt  }
0x59: {  	_ =	shalt  }
0x5a: {  	_ =	shalt  }
0x5b: {  	_ =	shalt  }
0x5c: {  	_ =	shalt  }
0x5d: {  	_ =	shalt  }
0x5e: {  	_ =	shalt  }
0x5f: {  	_ =	shalt  }
0x60: {  	_ =	shalt  }
0x61: {  	_ =	shalt  }
0x62: {  	_ =	shalt  }
0x63: {  	_ =	shalt  }
0x64: {  	_ =	shalt  }
0x65: {  	_ =	shalt  }
0x66: {  	_ =	shalt  }
0x67: {  	_ =	shalt  }
0x68: {  	_ =	shalt  }
0x69: {  	_ =	shalt  }
0x6a: {  	_ =	shalt  }
0x6b: {  	_ =	shalt  }
0x6c: {  	_ =	shalt  }
0x6d: {  	_ =	shalt  }
0x6e: {  	_ =	shalt  }
0x6f: {  	_ =	shalt  }
0x70: {  	_ =	shalt  }
0x71: {  	_ =	shalt  }
0x72: {  	_ =	shalt  }
0x73: {  	_ =	shalt  }
0x74: {  	_ =	shalt  }
0x75: {  	_ =	shalt  }
0x76: {  	_ =	shalt  }
0x77: {  	_ =	shalt  }
0x78: {  	_ =	shalt  }
0x79: {  	_ =	shalt  }
0x7a: {  	_ =	shalt  }
0x7b: {  	_ =	shalt  }
0x7c: {  	_ =	shalt  }
0x7d: {  	_ =	shalt  }
0x7e: {  	_ =	shalt  }
0x7f: {  	_ =	shalt  }
0x80: {  	_ =	shalt  }
0x81: {  	_ =	shalt  }
0x82: {  	_ =	shalt  }
0x83: {  	_ =	shalt  }
0x84: {  	_ =	shalt  }
0x85: {  	_ =	shalt  }
0x86: {  	_ =	shalt  }
0x87: {  	_ =	shalt  }
.Lfunc_end0:
.L_simem_size_0:
called_computation.3_lowered:
.L_overlay_start_0:
0x88: {  	s2 =	sld [smem:$0x3FD9]  }
0x89: {  	s3 =	sld [smem:$0x3FFE];
	_ =	sdelay $0x1  }
0x8a: {  	s1 =	srdreg.scid  }
0x8b: {  	s0 =	sand.u32 $0x1, s1  }
0x8c: {  	s17 =	sshll.u32 s0, $0xA;
	s2 =	sadd.s32 s3, s2  }
0x8d: {  	s2 =	sadd.s32 s2, s17  }
0x8e: {  	[smem:$0x3FC5] =	sst s2  }
0x8f: {  	_ = 	snop  }
0x90: {  	s2 =	sld [smem:$0x3FD0];
	(tm) =	ssettm $0x1  }
0x91: {  	s18 =	sld [smem:$0x3FFB];
	_ =	sdelay $0x3  }
0x92: {  	_ =	strace s18  }
0x93: {  	s3 =	sld [smem:$0x3FFC];
	_ =	sdelay $0x3  }
0x94: {  	_ =	strace s3  }
0x95: {  	s3 =	sld [smem:$0x3FFD];
	_ =	sdelay $0x3  }
0x96: {  	_ =	strace s3  }
0x97: {  	_ =	strace $0x8FFFFFFF  }
0x98: {  	s19 =	sld [smem:$0x3FDB];
	_ =	sdelay $0x1  }
0x99: {  	s4 =	simm.s32 $_scs_section_size  }
0x9a: {  	s5 =	simm.s32 $_size__tile_overlayer_lowered;
	s6 =	simm.s32 $_tile_overlayer_lowered  }
0x9b: {  	s22 =	simm.s32 $0x1BFF;
	s21 =	sshll.u32 s6, $0x1;
	s3 =	sadd.s32 s4, s19  }
0x9c: {  	s7 =	simm.s32 $0x0;
	s20 =	sshll.u32 s5, $0x1;
	s5 =	sadd.s32 s21, s3  }
0x9d: {  	[timem:s7], [sflag:s22] =	dma.local [hbm:s5], s20  }
0x9e: {  	_ =	swait.ge [sflag:s22], s20  }
0x9f: {  	s4 =	ssub.s32 $0x0, s20;
	[sflag:s22] =	ssyncset.done $0x0  }
0xa0: {  	[sflag:s22] =	ssyncadd.s32 s4;
	_ =	sdelay $0x1  }
0xa1: {  	s23 =	simm.s32 $0x1B8B  }
0xa2: {  	_ =	swait.ge [sflag:s23], $0x1  }
0xa3: {  	[sflag:s23] =	ssyncset.done $0x0  }
0xa4: {  	s25 =	simm.s32 $0x1B8E;
	s24 =	sld [smem:$0x3FFE];
	[sflag:s23] =	ssyncadd.s32 $0xFFFFFFFF  }
0xa5: {  	s26 =	simm.s32 $execute0_lowered;
	[smem:$0x3FD2] =	sst s25  }
0xa6: {  	s5 =	sshll.u32 s26, $0x1;
	_ =	strace $0x8000004C;
	[dreg:$0x1] =	wrdreg $0xFFFFFFFF  }
0xa7: {  	s28 =	simm.s32 $_size_execute0_lowered;
	s3 =	sadd.s32 s3, s5;
	[dreg:$0x0] =	wrdreg $0x0  }
0xa8: {  	s5 =	sshll.u32 s28, $0x1;
	[dreg:$0x2] =	wrdreg s3  }
0xa9: {  	[dreg:$0x3] =	wrdreg s5  }
0xaa: {  	[dreg:$0x4] =	wrdreg $0xC0  }
0xab: {  	_ =	task [dreg:s7], $0x5FFFF  }
0xac: {  	[dreg:$0x1] =	wrdreg $0xFFFFFFFF  }
0xad: {  	[dreg:$0x0] =	wrdreg $0x60  }
0xae: {  	[dreg:$0x2] =	wrdreg s24  }
0xaf: {  	[dreg:$0x3] =	wrdreg s2  }
0xb0: {  	[dreg:$0x4] =	wrdreg $0x9  }
0xb1: {  	_ =	task.clear_ibuf [dreg:s7], $0x5FFFF;
	_ =	strace $0x9000004C  }
0xb2: {  	s29 =	simm.s32 $0x9;
	_ =	strace $0x8000004E  }
0xb3: {  	_ =	swait.ge [sflag:s29], $0x1  }
0xb4: {  	[sflag:s29] =	ssyncadd.s32 $0xFFFFFFFF  }
0xb5: {  	_ =	strace $0x9000004E  }
0xb6: {  	_ =	sfence  }
0xb7: {  	s30 =	sld [smem:$0x0];
	_ =	sdelay $0x2  }
0xb8: {  	s31 =	sshll.u32 s1, $0xD;
	s1 =	sshrl.u32 s1, $0x2  }
0xb9: {  	s3 =	sand.u32 $0x4000, s31;
	s1 =	sadd.s32 s1, s30  }
0xba: {  	s0 =	sor.u32 s3, s0;
	s1 =	sshll.u32 s1, $0x11  }
0xbb: {  	s0 =	sor.u32 s1, s0  }
0xbc: {  	s0 =	sadd.s32 $0x8F2B, s0  }
0xbd: {  	[sflag:s0] =	ssyncadd.remote.s32 $0x1  }
0xbe: {  	_ =	sfence.sel $0xFFFF  }
0xbf: {  	[dreg:$0x0] =	wrdreg $0xFFFFFFFF;
	(pc) =	sbr.abs _section_cstart, $3  }
0xc0: {  	[dreg:$0x1] =	wrdreg $0xFFFFFFFF  }
0xc1: {  	_ =	task.clear_ibuf [dreg:s7], $0x2FFFF;
	_ =	strace $0x9FFFFFFF  }
0xc2: {  	(tm) =	ssettm $0x7FFFFFFF  }
0xc3: {  	_ =	shalt  }
tec
execute0_lowered:
.L_overlay_start_1:
0x0: {  	(tag) =	ssettag $0x1  }
0x1: {  	s0 =	rddreg [dreg:$0x0]  }
0x2: {  	s3 =	rddreg [dreg:$0x1]  }
0x3: {  	s1 =	srdreg.scid;
	s4 =	stileid.u32;
	s2 =	simm.s32 $0x0  }
0x4: {  	p0 =	por $0x0, $0x0;
	s1 =	sand.u32 $0x1, s1;
	s4 =	sshll.u32 s4, $0x1  }
0x5: {  	[smem:$0x7FF] =	sst s2;
	s5 =	sadd.s32 $0x3D2400, s0;
	s6 =	sor.u32 s1, s4  }
0x6: {  	_ =	strace $0x8000004D;
	s1 =	ssub.s32 $0x2, s1;
	s7 =	smul.u32 $0x3400, s6  }
0x7: {  	s4 =	sadd.s32 $0x1F6E00, s0;
	s9 =	smul.u32 $0x6800, s6;
	s10 =	sshrl.u32 s1, $0x1  }
0x8: {  	s6 =	sadd.s32 $0x1E9E00, s0;
	s1 =	ssub.s32 s1, s10;
	s8 =	sshrl.u32 s7, $0x3  }
0x9: {  	s9 =	sadd.s32 s4, s9;
	s22 =	sadd.s32 $0x400, s7;
	s26 =	sadd.s32 $0x800, s7  }
0xa: {  	s16 =	sadd.s32 $0xC00, s7;
	s21 =	sadd.s32 $0x1000, s7;
	s1 =	smax.u32 s1, $0x1  }
0xb: {  	s11 =	sadd.s32 s5, s8;
	[dreg:$0x4] =	wrdreg s9;
	s8 =	sadd.s32 s6, s8  }
0xc: {  	s23 =	sshrl.u32 s22, $0x3;
	s13 =	sshrl.u32 s26, $0x3;
	[dreg:$0x3] =	wrdreg s11  }
0xd: {  	s18 =	sshrl.u32 s16, $0x3;
	[dreg:$0x5] =	wrdreg s8;
	s24 =	sadd.s32 s5, s23  }
0xe: {  	p1 =	sne.s32 s1, $0x1;
	s12 =	sadd.s32 s6, s23;
	[dreg:$0x6] =	wrdreg s24  }
0xf: {  	s11 =	sshll.u32 s22, $0x1;
	s14 =	sadd.s32 s5, s13;
	[dreg:$0x8] =	wrdreg s12  }
0x10: {  	s17 =	sadd.s32 s6, s13;
	s19 =	sadd.s32 s5, s18;
	[dreg:$0x9] =	wrdreg s14  }
0x11: {  	s22 =	sadd.s32 s6, s18;
	s23 =	sshrl.u32 s21, $0x3;
	[dreg:$0xb] =	wrdreg s17  }
0x12: {  	s25 =	sadd.s32 s4, s11;
	s11 =	sshll.u32 s26, $0x1;
	[dreg:$0xc] =	wrdreg s19  }
0x13: {  	[dreg:$0xe] =	wrdreg s22;
	s24 =	sadd.s32 s5, s23;
	s26 =	sadd.s32 $0x1400, s7  }
0x14: {  	s9 =	sadd.s32 s6, s23;
	s17 =	sadd.s32 $0x1C00, s7;
	[dreg:$0x7] =	wrdreg s25  }
0x15: {  	s15 =	sadd.s32 s4, s11;
	s11 =	sshll.u32 s16, $0x1;
	[dreg:$0xf] =	wrdreg s24  }
0x16: {  	s12 =	sshrl.u32 s26, $0x3;
	[dreg:$0x11] =	wrdreg s9;
	s18 =	sshrl.u32 s17, $0x3  }
0x17: {  	s19 =	sshll.u32 s17, $0x1;
	[dreg:$0xa] =	wrdreg s15;
	s20 =	sadd.s32 s4, s11  }
0x18: {  	s11 =	sshll.u32 s21, $0x1;
	s13 =	sadd.s32 s5, s12;
	s30 =	sadd.s32 s6, s12  }
0x19: {  	s15 =	sadd.s32 $0x1800, s7;
	s24 =	sadd.s32 s4, s19;
	s21 =	sadd.s32 $0x2400, s7  }
0x1a: {  	s23 =	sadd.s32 s6, s18;
	s12 =	sadd.s32 $0x2C00, s7;
	[dreg:$0xd] =	wrdreg s20  }
0x1b: {  	s25 =	sadd.s32 s4, s11;
	s11 =	sshll.u32 s26, $0x1;
	[dreg:$0x12] =	wrdreg s13  }
0x1c: {  	s16 =	sshrl.u32 s15, $0x3;
	s8 =	sshll.u32 s15, $0x1;
	s20 =	sadd.s32 $0x2000, s7  }
0x1d: {  	s17 =	sshll.u32 s21, $0x1;
	s13 =	sshll.u32 s12, $0x1;
	s10 =	sshrl.u32 s21, $0x3  }
0x1e: {  	[dreg:$0x10] =	wrdreg s25;
	s14 =	sadd.s32 s4, s11;
	s31 =	sadd.s32 s5, s16  }
0x1f: {  	s29 =	sadd.s32 s4, s8;
	s28 =	sadd.s32 s6, s16;
	s25 =	sadd.s32 s5, s18  }
0x20: {  	s16 =	sshll.u32 s20, $0x1;
	s9 =	sshrl.u32 s20, $0x3;
	s17 =	sadd.s32 s4, s17  }
0x21: {  	s18 =	sadd.s32 $0x2800, s7;
	s7 =	sadd.s32 $0x3000, s7;
	s8 =	sadd.s32 s4, s13  }
0x22: {  	s21 =	sadd.s32 s5, s10;
	s19 =	sadd.s32 s6, s10;
	s13 =	sshrl.u32 s12, $0x3  }
0x23: {  	s10 =	sadd.s32 $0x1800, s0;
	s0 =	sadd.s32 $0xFFFFFFFF, s1;
	s1 =	rddreg [dreg:$0x3]  }
0x24: {  	[dreg:$0x13] =	wrdreg s14;
	s20 =	sadd.s32 s4, s16;
	s26 =	sshll.u32 s18, $0x1  }
0x25: {  	s15 =	sshll.u32 s7, $0x1;
	s22 =	sadd.s32 s6, s9;
	s11 =	sshrl.u32 s18, $0x3  }
.Ltmp0:
0x26: {  	s7 =	sshrl.u32 s7, $0x3;
	s14 =	sadd.s32 s4, s26;
	(pc) =	sbr.rel @!p1 .LBB2_3-.Ltmp0, $4  }
0x27: {  	s4 =	sadd.s32 s4, s15;
	s26 =	sadd.s32 s5, s9;
	s18 =	sadd.s32 s5, s11  }
0x28: {  	s16 =	sadd.s32 s6, s11;
	s15 =	sadd.s32 s5, s13;
	s13 =	sadd.s32 s6, s13  }
0x29: {  	s12 =	sadd.s32 s5, s7;
	s5 =	sadd.s32 s6, s7;
	s6 =	simm.s32 $0x2  }
0x2a: {  	s9 =	simm.s32 $0x400;
	s7 =	simm.s32 $0x4400;
	s11 =	simm.s32 $0x1  }
0x2b: {  	[tilespmem:s2], [sflag:$0x2] =	stream.linear.gather [hbm4b:s1+s2], $0x400, $0x38;
	[tilespmem:$0x4800] =	vst v63  }
0x2c: {  	_ =	swait.ge [sflag:s6], $0x400  }
0x2d: {  	[sflag:s6] =	ssyncset.done $0x0  }
0x2e: {  	[sflag:s6] =	ssyncadd.s32 $0xFFFFFC00  }
0x2f: {  	[tilespmem:s9], [sflag:$0x1] =	stream.indirect.gather [hbm4b:s10+s9], $0x10, s2, s9, $0xb8;
	[tilespmem:$0x4800] =	vst v63  }
0x30: {  	_ = 	snop  }
0x31: {  	[tilespmem:s7], [sflag:$0x1] =	stream.indirect.gather [hbm4b:s3+s9], $0x1, s2, s9, $0xb8;
	[tilespmem:$0x4800] =	vst v63  }
0x32: {  	_ =	swait.ge [sflag:s11], $0x4000  }
0x33: {  	[sflag:s11] =	ssyncset.done $0x0  }
0x34: {  	[sflag:s11] =	ssyncadd.s32 $0xFFFFC000  }
0x35: {  	_ =	swait.ge [sflag:s11], $0x400  }
0x36: {  	[sflag:s11] =	ssyncset.done $0x0  }
0x37: {  	s1 =	rddreg [dreg:$0x4];
	[sflag:s11] =	ssyncadd.s32 $0xFFFFFC00  }
0x38: {  	[hbm4b:s1+s2] =	stream.linear.scatter [tilespmem:s9], [sflag:$0x2], $0x4000, $0x38;
	[tilespmem:$0x4800] =	vst v63  }
0x39: {  	_ =	swait.ge [sflag:s6], $0x4000  }
0x3a: {  	[sflag:s6] =	ssyncset.done $0x0  }
0x3b: {  	s1 =	rddreg [dreg:$0x5];
	[sflag:s6] =	ssyncadd.s32 $0xFFFFC000  }
0x3c: {  	[hbm4b:s1+s2] =	stream.linear.scatter [tilespmem:s7], [sflag:$0x2], $0x400, $0x38;
	[tilespmem:$0x4800] =	vst v63  }
0x3d: {  	_ =	swait.ge [sflag:s6], $0x400  }
0x3e: {  	[sflag:s6] =	ssyncset.done $0x0  }
0x3f: {  	s1 =	rddreg [dreg:$0x6];
	[sflag:s6] =	ssyncadd.s32 $0xFFFFFC00  }
0x40: {  	[tilespmem:s2], [sflag:$0x2] =	stream.linear.gather [hbm4b:s1+s2], $0x400, $0x38;
	[tilespmem:$0x4800] =	vst v63  }
0x41: {  	_ =	swait.ge [sflag:s6], $0x400  }
0x42: {  	[sflag:s6] =	ssyncset.done $0x0  }
0x43: {  	[sflag:s6] =	ssyncadd.s32 $0xFFFFFC00  }
0x44: {  	[tilespmem:s9], [sflag:$0x1] =	stream.indirect.gather [hbm4b:s10+s9], $0x10, s2, s9, $0xb8;
	[tilespmem:$0x4800] =	vst v63  }
0x45: {  	_ = 	snop  }
0x46: {  	[tilespmem:s7], [sflag:$0x1] =	stream.indirect.gather [hbm4b:s3+s9], $0x1, s2, s9, $0xb8;
	[tilespmem:$0x4800] =	vst v63  }
0x47: {  	_ =	swait.ge [sflag:s11], $0x4000  }
0x48: {  	[sflag:s11] =	ssyncset.done $0x0  }
0x49: {  	[sflag:s11] =	ssyncadd.s32 $0xFFFFC000  }
0x4a: {  	_ =	swait.ge [sflag:s11], $0x400  }
0x4b: {  	[sflag:s11] =	ssyncset.done $0x0  }
0x4c: {  	s1 =	rddreg [dreg:$0x7];
	[sflag:s11] =	ssyncadd.s32 $0xFFFFFC00  }
0x4d: {  	[hbm4b:s1+s2] =	stream.linear.scatter [tilespmem:s9], [sflag:$0x2], $0x4000, $0x38;
	[tilespmem:$0x4800] =	vst v63  }
0x4e: {  	_ =	swait.ge [sflag:s6], $0x4000  }
0x4f: {  	[sflag:s6] =	ssyncset.done $0x0  }
0x50: {  	s1 =	rddreg [dreg:$0x8];
	[sflag:s6] =	ssyncadd.s32 $0xFFFFC000  }
0x51: {  	[hbm4b:s1+s2] =	stream.linear.scatter [tilespmem:s7], [sflag:$0x2], $0x400, $0x38;
	[tilespmem:$0x4800] =	vst v63  }
0x52: {  	_ =	swait.ge [sflag:s6], $0x400  }
0x53: {  	[sflag:s6] =	ssyncset.done $0x0  }
0x54: {  	s1 =	rddreg [dreg:$0x9];
	[sflag:s6] =	ssyncadd.s32 $0xFFFFFC00  }
0x55: {  	[tilespmem:s2], [sflag:$0x2] =	stream.linear.gather [hbm4b:s1+s2], $0x400, $0x38;
	[tilespmem:$0x4800] =	vst v63  }
0x56: {  	_ =	swait.ge [sflag:s6], $0x400  }
0x57: {  	[sflag:s6] =	ssyncset.done $0x0  }
0x58: {  	[sflag:s6] =	ssyncadd.s32 $0xFFFFFC00  }
0x59: {  	[tilespmem:s9], [sflag:$0x1] =	stream.indirect.gather [hbm4b:s10+s9], $0x10, s2, s9, $0xb8;
	[tilespmem:$0x4800] =	vst v63  }
0x5a: {  	_ = 	snop  }
0x5b: {  	[tilespmem:s7], [sflag:$0x1] =	stream.indirect.gather [hbm4b:s3+s9], $0x1, s2, s9, $0xb8;
	[tilespmem:$0x4800] =	vst v63  }
0x5c: {  	_ =	swait.ge [sflag:s11], $0x4000  }
0x5d: {  	[sflag:s11] =	ssyncset.done $0x0  }
0x5e: {  	[sflag:s11] =	ssyncadd.s32 $0xFFFFC000  }
0x5f: {  	_ =	swait.ge [sflag:s11], $0x400  }
0x60: {  	[sflag:s11] =	ssyncset.done $0x0  }
0x61: {  	s1 =	rddreg [dreg:$0xa];
	[sflag:s11] =	ssyncadd.s32 $0xFFFFFC00  }
0x62: {  	[hbm4b:s1+s2] =	stream.linear.scatter [tilespmem:s9], [sflag:$0x2], $0x4000, $0x38;
	[tilespmem:$0x4800] =	vst v63  }
0x63: {  	_ =	swait.ge [sflag:s6], $0x4000  }
0x64: {  	[sflag:s6] =	ssyncset.done $0x0  }
0x65: {  	s1 =	rddreg [dreg:$0xb];
	[sflag:s6] =	ssyncadd.s32 $0xFFFFC000  }
0x66: {  	[hbm4b:s1+s2] =	stream.linear.scatter [tilespmem:s7], [sflag:$0x2], $0x400, $0x38;
	[tilespmem:$0x4800] =	vst v63  }
0x67: {  	_ =	swait.ge [sflag:s6], $0x400  }
0x68: {  	[sflag:s6] =	ssyncset.done $0x0  }
0x69: {  	s1 =	rddreg [dreg:$0xc];
	[sflag:s6] =	ssyncadd.s32 $0xFFFFFC00  }
0x6a: {  	[tilespmem:s2], [sflag:$0x2] =	stream.linear.gather [hbm4b:s1+s2], $0x400, $0x38;
	[tilespmem:$0x4800] =	vst v63  }
0x6b: {  	_ =	swait.ge [sflag:s6], $0x400  }
0x6c: {  	[sflag:s6] =	ssyncset.done $0x0  }
0x6d: {  	[sflag:s6] =	ssyncadd.s32 $0xFFFFFC00  }
0x6e: {  	[tilespmem:s9], [sflag:$0x1] =	stream.indirect.gather [hbm4b:s10+s9], $0x10, s2, s9, $0xb8;
	[tilespmem:$0x4800] =	vst v63  }
0x6f: {  	_ = 	snop  }
0x70: {  	[tilespmem:s7], [sflag:$0x1] =	stream.indirect.gather [hbm4b:s3+s9], $0x1, s2, s9, $0xb8;
	[tilespmem:$0x4800] =	vst v63  }
0x71: {  	_ =	swait.ge [sflag:s11], $0x4000  }
0x72: {  	[sflag:s11] =	ssyncset.done $0x0  }
0x73: {  	[sflag:s11] =	ssyncadd.s32 $0xFFFFC000  }
0x74: {  	_ =	swait.ge [sflag:s11], $0x400  }
0x75: {  	[sflag:s11] =	ssyncset.done $0x0  }
0x76: {  	s1 =	rddreg [dreg:$0xd];
	[sflag:s11] =	ssyncadd.s32 $0xFFFFFC00  }
0x77: {  	[hbm4b:s1+s2] =	stream.linear.scatter [tilespmem:s9], [sflag:$0x2], $0x4000, $0x38;
	[tilespmem:$0x4800] =	vst v63  }
0x78: {  	_ =	swait.ge [sflag:s6], $0x4000  }
0x79: {  	[sflag:s6] =	ssyncset.done $0x0  }
0x7a: {  	s1 =	rddreg [dreg:$0xe];
	[sflag:s6] =	ssyncadd.s32 $0xFFFFC000  }
0x7b: {  	[hbm4b:s1+s2] =	stream.linear.scatter [tilespmem:s7], [sflag:$0x2], $0x400, $0x38;
	[tilespmem:$0x4800] =	vst v63  }
0x7c: {  	_ =	swait.ge [sflag:s6], $0x400  }
0x7d: {  	[sflag:s6] =	ssyncset.done $0x0  }
0x7e: {  	s1 =	rddreg [dreg:$0xf];
	[sflag:s6] =	ssyncadd.s32 $0xFFFFFC00  }
0x7f: {  	[tilespmem:s2], [sflag:$0x2] =	stream.linear.gather [hbm4b:s1+s2], $0x400, $0x38;
	[tilespmem:$0x4800] =	vst v63  }
0x80: {  	_ =	swait.ge [sflag:s6], $0x400  }
0x81: {  	[sflag:s6] =	ssyncset.done $0x0  }
0x82: {  	[sflag:s6] =	ssyncadd.s32 $0xFFFFFC00  }
0x83: {  	[tilespmem:s9], [sflag:$0x1] =	stream.indirect.gather [hbm4b:s10+s9], $0x10, s2, s9, $0xb8;
	[tilespmem:$0x4800] =	vst v63  }
0x84: {  	_ = 	snop  }
0x85: {  	[tilespmem:s7], [sflag:$0x1] =	stream.indirect.gather [hbm4b:s3+s9], $0x1, s2, s9, $0xb8;
	[tilespmem:$0x4800] =	vst v63  }
0x86: {  	_ =	swait.ge [sflag:s11], $0x4000  }
0x87: {  	[sflag:s11] =	ssyncset.done $0x0  }
0x88: {  	[sflag:s11] =	ssyncadd.s32 $0xFFFFC000  }
0x89: {  	_ =	swait.ge [sflag:s11], $0x400  }
0x8a: {  	[sflag:s11] =	ssyncset.done $0x0  }
0x8b: {  	s1 =	rddreg [dreg:$0x10];
	[sflag:s11] =	ssyncadd.s32 $0xFFFFFC00  }
0x8c: {  	[hbm4b:s1+s2] =	stream.linear.scatter [tilespmem:s9], [sflag:$0x2], $0x4000, $0x38;
	[tilespmem:$0x4800] =	vst v63  }
0x8d: {  	_ =	swait.ge [sflag:s6], $0x4000  }
0x8e: {  	[sflag:s6] =	ssyncset.done $0x0  }
0x8f: {  	s1 =	rddreg [dreg:$0x11];
	[sflag:s6] =	ssyncadd.s32 $0xFFFFC000  }
0x90: {  	[hbm4b:s1+s2] =	stream.linear.scatter [tilespmem:s7], [sflag:$0x2], $0x400, $0x38;
	[tilespmem:$0x4800] =	vst v63  }
0x91: {  	_ =	swait.ge [sflag:s6], $0x400  }
0x92: {  	[sflag:s6] =	ssyncset.done $0x0  }
0x93: {  	s1 =	rddreg [dreg:$0x12];
	[sflag:s6] =	ssyncadd.s32 $0xFFFFFC00  }
0x94: {  	[tilespmem:s2], [sflag:$0x2] =	stream.linear.gather [hbm4b:s1+s2], $0x400, $0x38;
	[tilespmem:$0x4800] =	vst v63  }
0x95: {  	_ =	swait.ge [sflag:s6], $0x400  }
0x96: {  	[sflag:s6] =	ssyncset.done $0x0  }
0x97: {  	[sflag:s6] =	ssyncadd.s32 $0xFFFFFC00  }
0x98: {  	[tilespmem:s9], [sflag:$0x1] =	stream.indirect.gather [hbm4b:s10+s9], $0x10, s2, s9, $0xb8;
	[tilespmem:$0x4800] =	vst v63  }
0x99: {  	_ = 	snop  }
0x9a: {  	[tilespmem:s7], [sflag:$0x1] =	stream.indirect.gather [hbm4b:s3+s9], $0x1, s2, s9, $0xb8;
	[tilespmem:$0x4800] =	vst v63  }
0x9b: {  	_ =	swait.ge [sflag:s11], $0x4000  }
0x9c: {  	[sflag:s11] =	ssyncset.done $0x0  }
0x9d: {  	[sflag:s11] =	ssyncadd.s32 $0xFFFFC000  }
0x9e: {  	_ =	swait.ge [sflag:s11], $0x400  }
0x9f: {  	[sflag:s11] =	ssyncset.done $0x0  }
0xa0: {  	s1 =	rddreg [dreg:$0x13];
	[sflag:s11] =	ssyncadd.s32 $0xFFFFFC00  }
0xa1: {  	[hbm4b:s1+s2] =	stream.linear.scatter [tilespmem:s9], [sflag:$0x2], $0x4000, $0x38;
	[tilespmem:$0x4800] =	vst v63  }
0xa2: {  	_ =	swait.ge [sflag:s6], $0x4000  }
0xa3: {  	[sflag:s6] =	ssyncset.done $0x0  }
0xa4: {  	[sflag:s6] =	ssyncadd.s32 $0xFFFFC000  }
0xa5: {  	[hbm4b:s30+s2] =	stream.linear.scatter [tilespmem:s7], [sflag:$0x2], $0x400, $0x38;
	[tilespmem:$0x4800] =	vst v63  }
0xa6: {  	_ =	swait.ge [sflag:s6], $0x400  }
0xa7: {  	[sflag:s6] =	ssyncset.done $0x0  }
0xa8: {  	[sflag:s6] =	ssyncadd.s32 $0xFFFFFC00  }
0xa9: {  	[tilespmem:s2], [sflag:$0x2] =	stream.linear.gather [hbm4b:s31+s2], $0x400, $0x38;
	[tilespmem:$0x4800] =	vst v63  }
0xaa: {  	_ =	swait.ge [sflag:s6], $0x400  }
0xab: {  	[sflag:s6] =	ssyncset.done $0x0  }
0xac: {  	[sflag:s6] =	ssyncadd.s32 $0xFFFFFC00  }
0xad: {  	[tilespmem:s9], [sflag:$0x1] =	stream.indirect.gather [hbm4b:s10+s9], $0x10, s2, s9, $0xb8;
	[tilespmem:$0x4800] =	vst v63  }
0xae: {  	_ = 	snop  }
0xaf: {  	[tilespmem:s7], [sflag:$0x1] =	stream.indirect.gather [hbm4b:s3+s9], $0x1, s2, s9, $0xb8;
	[tilespmem:$0x4800] =	vst v63  }
0xb0: {  	_ =	swait.ge [sflag:s11], $0x4000  }
0xb1: {  	[sflag:s11] =	ssyncset.done $0x0  }
0xb2: {  	[sflag:s11] =	ssyncadd.s32 $0xFFFFC000  }
0xb3: {  	_ =	swait.ge [sflag:s11], $0x400  }
0xb4: {  	[sflag:s11] =	ssyncset.done $0x0  }
0xb5: {  	[sflag:s11] =	ssyncadd.s32 $0xFFFFFC00  }
0xb6: {  	[hbm4b:s29+s2] =	stream.linear.scatter [tilespmem:s9], [sflag:$0x2], $0x4000, $0x38;
	[tilespmem:$0x4800] =	vst v63  }
0xb7: {  	_ =	swait.ge [sflag:s6], $0x4000  }
0xb8: {  	[sflag:s6] =	ssyncset.done $0x0  }
0xb9: {  	[sflag:s6] =	ssyncadd.s32 $0xFFFFC000  }
0xba: {  	[hbm4b:s28+s2] =	stream.linear.scatter [tilespmem:s7], [sflag:$0x2], $0x400, $0x38;
	[tilespmem:$0x4800] =	vst v63  }
0xbb: {  	_ =	swait.ge [sflag:s6], $0x400  }
0xbc: {  	[sflag:s6] =	ssyncset.done $0x0  }
0xbd: {  	[sflag:s6] =	ssyncadd.s32 $0xFFFFFC00  }
0xbe: {  	[tilespmem:s2], [sflag:$0x2] =	stream.linear.gather [hbm4b:s25+s2], $0x400, $0x38;
	[tilespmem:$0x4800] =	vst v63  }
0xbf: {  	_ =	swait.ge [sflag:s6], $0x400  }
0xc0: {  	[sflag:s6] =	ssyncset.done $0x0  }
0xc1: {  	[sflag:s6] =	ssyncadd.s32 $0xFFFFFC00  }
0xc2: {  	[tilespmem:s9], [sflag:$0x1] =	stream.indirect.gather [hbm4b:s10+s9], $0x10, s2, s9, $0xb8;
	[tilespmem:$0x4800] =	vst v63  }
0xc3: {  	_ = 	snop  }
0xc4: {  	[tilespmem:s7], [sflag:$0x1] =	stream.indirect.gather [hbm4b:s3+s9], $0x1, s2, s9, $0xb8;
	[tilespmem:$0x4800] =	vst v63  }
0xc5: {  	_ =	swait.ge [sflag:s11], $0x4000  }
0xc6: {  	[sflag:s11] =	ssyncset.done $0x0  }
0xc7: {  	[sflag:s11] =	ssyncadd.s32 $0xFFFFC000  }
0xc8: {  	_ =	swait.ge [sflag:s11], $0x400  }
0xc9: {  	[sflag:s11] =	ssyncset.done $0x0  }
0xca: {  	[sflag:s11] =	ssyncadd.s32 $0xFFFFFC00  }
0xcb: {  	[hbm4b:s24+s2] =	stream.linear.scatter [tilespmem:s9], [sflag:$0x2], $0x4000, $0x38;
	[tilespmem:$0x4800] =	vst v63  }
0xcc: {  	_ =	swait.ge [sflag:s6], $0x4000  }
0xcd: {  	[sflag:s6] =	ssyncset.done $0x0  }
0xce: {  	[sflag:s6] =	ssyncadd.s32 $0xFFFFC000  }
0xcf: {  	[hbm4b:s23+s2] =	stream.linear.scatter [tilespmem:s7], [sflag:$0x2], $0x400, $0x38;
	[tilespmem:$0x4800] =	vst v63  }
0xd0: {  	_ =	swait.ge [sflag:s6], $0x400  }
0xd1: {  	[sflag:s6] =	ssyncset.done $0x0  }
0xd2: {  	[sflag:s6] =	ssyncadd.s32 $0xFFFFFC00  }
0xd3: {  	[tilespmem:s2], [sflag:$0x2] =	stream.linear.gather [hbm4b:s26+s2], $0x400, $0x38;
	[tilespmem:$0x4800] =	vst v63  }
0xd4: {  	_ =	swait.ge [sflag:s6], $0x400  }
0xd5: {  	[sflag:s6] =	ssyncset.done $0x0  }
0xd6: {  	[sflag:s6] =	ssyncadd.s32 $0xFFFFFC00  }
0xd7: {  	[tilespmem:s9], [sflag:$0x1] =	stream.indirect.gather [hbm4b:s10+s9], $0x10, s2, s9, $0xb8;
	[tilespmem:$0x4800] =	vst v63  }
0xd8: {  	_ = 	snop  }
0xd9: {  	[tilespmem:s7], [sflag:$0x1] =	stream.indirect.gather [hbm4b:s3+s9], $0x1, s2, s9, $0xb8;
	[tilespmem:$0x4800] =	vst v63  }
0xda: {  	_ =	swait.ge [sflag:s11], $0x4000  }
0xdb: {  	[sflag:s11] =	ssyncset.done $0x0  }
0xdc: {  	[sflag:s11] =	ssyncadd.s32 $0xFFFFC000  }
0xdd: {  	_ =	swait.ge [sflag:s11], $0x400  }
0xde: {  	[sflag:s11] =	ssyncset.done $0x0  }
0xdf: {  	[sflag:s11] =	ssyncadd.s32 $0xFFFFFC00  }
0xe0: {  	[hbm4b:s20+s2] =	stream.linear.scatter [tilespmem:s9], [sflag:$0x2], $0x4000, $0x38;
	[tilespmem:$0x4800] =	vst v63  }
0xe1: {  	_ =	swait.ge [sflag:s6], $0x4000  }
0xe2: {  	[sflag:s6] =	ssyncset.done $0x0  }
0xe3: {  	[sflag:s6] =	ssyncadd.s32 $0xFFFFC000  }
0xe4: {  	[hbm4b:s22+s2] =	stream.linear.scatter [tilespmem:s7], [sflag:$0x2], $0x400, $0x38;
	[tilespmem:$0x4800] =	vst v63  }
0xe5: {  	_ =	swait.ge [sflag:s6], $0x400  }
0xe6: {  	[sflag:s6] =	ssyncset.done $0x0  }
0xe7: {  	[sflag:s6] =	ssyncadd.s32 $0xFFFFFC00  }
0xe8: {  	[tilespmem:s2], [sflag:$0x2] =	stream.linear.gather [hbm4b:s21+s2], $0x400, $0x38;
	[tilespmem:$0x4800] =	vst v63  }
0xe9: {  	_ =	swait.ge [sflag:s6], $0x400  }
0xea: {  	[sflag:s6] =	ssyncset.done $0x0  }
0xeb: {  	[sflag:s6] =	ssyncadd.s32 $0xFFFFFC00  }
0xec: {  	[tilespmem:s9], [sflag:$0x1] =	stream.indirect.gather [hbm4b:s10+s9], $0x10, s2, s9, $0xb8;
	[tilespmem:$0x4800] =	vst v63  }
0xed: {  	_ = 	snop  }
0xee: {  	[tilespmem:s7], [sflag:$0x1] =	stream.indirect.gather [hbm4b:s3+s9], $0x1, s2, s9, $0xb8;
	[tilespmem:$0x4800] =	vst v63  }
0xef: {  	_ =	swait.ge [sflag:s11], $0x4000  }
0xf0: {  	[sflag:s11] =	ssyncset.done $0x0  }
0xf1: {  	[sflag:s11] =	ssyncadd.s32 $0xFFFFC000  }
0xf2: {  	_ =	swait.ge [sflag:s11], $0x400  }
0xf3: {  	[sflag:s11] =	ssyncset.done $0x0  }
0xf4: {  	[sflag:s11] =	ssyncadd.s32 $0xFFFFFC00  }
0xf5: {  	[hbm4b:s17+s2] =	stream.linear.scatter [tilespmem:s9], [sflag:$0x2], $0x4000, $0x38;
	[tilespmem:$0x4800] =	vst v63  }
0xf6: {  	_ =	swait.ge [sflag:s6], $0x4000  }
0xf7: {  	[sflag:s6] =	ssyncset.done $0x0  }
0xf8: {  	[sflag:s6] =	ssyncadd.s32 $0xFFFFC000  }
0xf9: {  	[hbm4b:s19+s2] =	stream.linear.scatter [tilespmem:s7], [sflag:$0x2], $0x400, $0x38;
	[tilespmem:$0x4800] =	vst v63  }
0xfa: {  	_ =	swait.ge [sflag:s6], $0x400  }
0xfb: {  	[sflag:s6] =	ssyncset.done $0x0  }
0xfc: {  	[sflag:s6] =	ssyncadd.s32 $0xFFFFFC00  }
0xfd: {  	[tilespmem:s2], [sflag:$0x2] =	stream.linear.gather [hbm4b:s18+s2], $0x400, $0x38;
	[tilespmem:$0x4800] =	vst v63  }
0xfe: {  	_ =	swait.ge [sflag:s6], $0x400  }
0xff: {  	[sflag:s6] =	ssyncset.done $0x0  }
0x100: {  	[sflag:s6] =	ssyncadd.s32 $0xFFFFFC00  }
0x101: {  	[tilespmem:s9], [sflag:$0x1] =	stream.indirect.gather [hbm4b:s10+s9], $0x10, s2, s9, $0xb8;
	[tilespmem:$0x4800] =	vst v63  }
0x102: {  	_ = 	snop  }
0x103: {  	[tilespmem:s7], [sflag:$0x1] =	stream.indirect.gather [hbm4b:s3+s9], $0x1, s2, s9, $0xb8;
	[tilespmem:$0x4800] =	vst v63  }
0x104: {  	_ =	swait.ge [sflag:s11], $0x4000  }
0x105: {  	[sflag:s11] =	ssyncset.done $0x0  }
0x106: {  	[sflag:s11] =	ssyncadd.s32 $0xFFFFC000  }
0x107: {  	_ =	swait.ge [sflag:s11], $0x400  }
0x108: {  	[sflag:s11] =	ssyncset.done $0x0  }
0x109: {  	[sflag:s11] =	ssyncadd.s32 $0xFFFFFC00  }
0x10a: {  	[hbm4b:s14+s2] =	stream.linear.scatter [tilespmem:s9], [sflag:$0x2], $0x4000, $0x38;
	[tilespmem:$0x4800] =	vst v63  }
0x10b: {  	_ =	swait.ge [sflag:s6], $0x4000  }
0x10c: {  	[sflag:s6] =	ssyncset.done $0x0  }
0x10d: {  	[sflag:s6] =	ssyncadd.s32 $0xFFFFC000  }
0x10e: {  	[hbm4b:s16+s2] =	stream.linear.scatter [tilespmem:s7], [sflag:$0x2], $0x400, $0x38;
	[tilespmem:$0x4800] =	vst v63  }
0x10f: {  	_ =	swait.ge [sflag:s6], $0x400  }
0x110: {  	[sflag:s6] =	ssyncset.done $0x0  }
0x111: {  	[sflag:s6] =	ssyncadd.s32 $0xFFFFFC00  }
0x112: {  	[tilespmem:s2], [sflag:$0x2] =	stream.linear.gather [hbm4b:s15+s2], $0x400, $0x38;
	[tilespmem:$0x4800] =	vst v63  }
0x113: {  	_ =	swait.ge [sflag:s6], $0x400  }
0x114: {  	[sflag:s6] =	ssyncset.done $0x0  }
0x115: {  	[sflag:s6] =	ssyncadd.s32 $0xFFFFFC00  }
0x116: {  	[tilespmem:s9], [sflag:$0x1] =	stream.indirect.gather [hbm4b:s10+s9], $0x10, s2, s9, $0xb8;
	[tilespmem:$0x4800] =	vst v63  }
0x117: {  	_ = 	snop  }
0x118: {  	[tilespmem:s7], [sflag:$0x1] =	stream.indirect.gather [hbm4b:s3+s9], $0x1, s2, s9, $0xb8;
	[tilespmem:$0x4800] =	vst v63  }
0x119: {  	_ =	swait.ge [sflag:s11], $0x4000  }
0x11a: {  	[sflag:s11] =	ssyncset.done $0x0  }
0x11b: {  	[sflag:s11] =	ssyncadd.s32 $0xFFFFC000  }
0x11c: {  	_ =	swait.ge [sflag:s11], $0x400  }
0x11d: {  	[sflag:s11] =	ssyncset.done $0x0  }
0x11e: {  	[sflag:s11] =	ssyncadd.s32 $0xFFFFFC00  }
0x11f: {  	[hbm4b:s8+s2] =	stream.linear.scatter [tilespmem:s9], [sflag:$0x2], $0x4000, $0x38;
	[tilespmem:$0x4800] =	vst v63  }
0x120: {  	_ =	swait.ge [sflag:s6], $0x4000  }
0x121: {  	[sflag:s6] =	ssyncset.done $0x0  }
0x122: {  	[sflag:s6] =	ssyncadd.s32 $0xFFFFC000  }
0x123: {  	[hbm4b:s13+s2] =	stream.linear.scatter [tilespmem:s7], [sflag:$0x2], $0x400, $0x38;
	[tilespmem:$0x4800] =	vst v63  }
0x124: {  	_ =	swait.ge [sflag:s6], $0x400  }
0x125: {  	[sflag:s6] =	ssyncset.done $0x0  }
0x126: {  	[sflag:s6] =	ssyncadd.s32 $0xFFFFFC00  }
0x127: {  	[tilespmem:s2], [sflag:$0x2] =	stream.linear.gather [hbm4b:s12+s2], $0x400, $0x38;
	[tilespmem:$0x4800] =	vst v63  }
0x128: {  	_ =	swait.ge [sflag:s6], $0x400  }
0x129: {  	[sflag:s6] =	ssyncset.done $0x0  }
0x12a: {  	[sflag:s6] =	ssyncadd.s32 $0xFFFFFC00  }
0x12b: {  	[tilespmem:s9], [sflag:$0x1] =	stream.indirect.gather [hbm4b:s10+s9], $0x10, s2, s9, $0xb8;
	[tilespmem:$0x4800] =	vst v63  }
0x12c: {  	_ = 	snop  }
0x12d: {  	[tilespmem:s7], [sflag:$0x1] =	stream.indirect.gather [hbm4b:s3+s9], $0x1, s2, s9, $0xb8;
	[tilespmem:$0x4800] =	vst v63  }
0x12e: {  	_ =	swait.ge [sflag:s11], $0x4000  }
0x12f: {  	[sflag:s11] =	ssyncset.done $0x0  }
0x130: {  	[sflag:s11] =	ssyncadd.s32 $0xFFFFC000  }
0x131: {  	_ =	swait.ge [sflag:s11], $0x400  }
0x132: {  	[sflag:s11] =	ssyncset.done $0x0  }
0x133: {  	[sflag:s11] =	ssyncadd.s32 $0xFFFFFC00  }
0x134: {  	[hbm4b:s4+s2] =	stream.linear.scatter [tilespmem:s9], [sflag:$0x2], $0x4000, $0x38;
	[tilespmem:$0x4800] =	vst v63  }
0x135: {  	p1 =	sne.s32 s0, $0x1;
	_ =	swait.ge [sflag:s6], $0x4000  }
.Ltmp1:
0x136: {  	[sflag:s6] =	ssyncset.done $0x0;
	(pc) =	sbr.rel @!p1 .LBB2_3-.Ltmp1, $4  }
0x137: {  	[sflag:s6] =	ssyncadd.s32 $0xFFFFC000  }
0x138: {  	[hbm4b:s5+s2] =	stream.linear.scatter [tilespmem:s7], [sflag:$0x2], $0x400, $0x38;
	[tilespmem:$0x4800] =	vst v63  }
0x139: {  	s0 =	sadd.s32 $0xFFFFFFFF, s0;
	_ =	swait.ge [sflag:s6], $0x400  }
0x13a: {  	p0 =	por $0x1, $0x1;
	s1 =	rddreg [dreg:$0x3];
	[sflag:s6] =	ssyncset.done $0x0  }
.LBB2_2:
0x13b: {  	[sflag:s6] =	ssyncadd.s32 $0xFFFFFC00  }
0x13c: {  	[tilespmem:s2], [sflag:$0x2] =	stream.linear.gather [hbm4b:s1+s2], $0x400, $0x38;
	[tilespmem:$0x4800] =	vst v63  }
0x13d: {  	_ =	swait.ge [sflag:s6], $0x400  }
0x13e: {  	[sflag:s6] =	ssyncset.done $0x0  }
0x13f: {  	[sflag:s6] =	ssyncadd.s32 $0xFFFFFC00  }
0x140: {  	[tilespmem:s9], [sflag:$0x1] =	stream.indirect.gather [hbm4b:s10+s9], $0x10, s2, s9, $0xb8;
	[tilespmem:$0x4800] =	vst v63  }
0x141: {  	_ = 	snop  }
0x142: {  	[tilespmem:s7], [sflag:$0x1] =	stream.indirect.gather [hbm4b:s3+s9], $0x1, s2, s9, $0xb8;
	[tilespmem:$0x4800] =	vst v63  }
0x143: {  	_ =	swait.ge [sflag:s11], $0x4000  }
0x144: {  	[sflag:s11] =	ssyncset.done $0x0  }
0x145: {  	[sflag:s11] =	ssyncadd.s32 $0xFFFFC000  }
0x146: {  	_ =	swait.ge [sflag:s11], $0x400  }
0x147: {  	[sflag:s11] =	ssyncset.done $0x0  }
0x148: {  	s1 =	rddreg [dreg:$0x4];
	[sflag:s11] =	ssyncadd.s32 $0xFFFFFC00  }
0x149: {  	[hbm4b:s1+s2] =	stream.linear.scatter [tilespmem:s9], [sflag:$0x2], $0x4000, $0x38;
	[tilespmem:$0x4800] =	vst v63  }
0x14a: {  	_ =	swait.ge [sflag:s6], $0x4000  }
0x14b: {  	[sflag:s6] =	ssyncset.done $0x0  }
0x14c: {  	s1 =	rddreg [dreg:$0x5];
	[sflag:s6] =	ssyncadd.s32 $0xFFFFC000  }
0x14d: {  	[hbm4b:s1+s2] =	stream.linear.scatter [tilespmem:s7], [sflag:$0x2], $0x400, $0x38;
	[tilespmem:$0x4800] =	vst v63  }
0x14e: {  	_ =	swait.ge [sflag:s6], $0x400  }
0x14f: {  	[sflag:s6] =	ssyncset.done $0x0  }
0x150: {  	s1 =	rddreg [dreg:$0x6];
	[sflag:s6] =	ssyncadd.s32 $0xFFFFFC00  }
0x151: {  	[tilespmem:s2], [sflag:$0x2] =	stream.linear.gather [hbm4b:s1+s2], $0x400, $0x38;
	[tilespmem:$0x4800] =	vst v63  }
0x152: {  	_ =	swait.ge [sflag:s6], $0x400  }
0x153: {  	[sflag:s6] =	ssyncset.done $0x0  }
0x154: {  	[sflag:s6] =	ssyncadd.s32 $0xFFFFFC00  }
0x155: {  	[tilespmem:s9], [sflag:$0x1] =	stream.indirect.gather [hbm4b:s10+s9], $0x10, s2, s9, $0xb8;
	[tilespmem:$0x4800] =	vst v63  }
0x156: {  	_ = 	snop  }
0x157: {  	[tilespmem:s7], [sflag:$0x1] =	stream.indirect.gather [hbm4b:s3+s9], $0x1, s2, s9, $0xb8;
	[tilespmem:$0x4800] =	vst v63  }
0x158: {  	_ =	swait.ge [sflag:s11], $0x4000  }
0x159: {  	[sflag:s11] =	ssyncset.done $0x0  }
0x15a: {  	[sflag:s11] =	ssyncadd.s32 $0xFFFFC000  }
0x15b: {  	_ =	swait.ge [sflag:s11], $0x400  }
0x15c: {  	[sflag:s11] =	ssyncset.done $0x0  }
0x15d: {  	s1 =	rddreg [dreg:$0x7];
	[sflag:s11] =	ssyncadd.s32 $0xFFFFFC00  }
0x15e: {  	[hbm4b:s1+s2] =	stream.linear.scatter [tilespmem:s9], [sflag:$0x2], $0x4000, $0x38;
	[tilespmem:$0x4800] =	vst v63  }
0x15f: {  	_ =	swait.ge [sflag:s6], $0x4000  }
0x160: {  	[sflag:s6] =	ssyncset.done $0x0  }
0x161: {  	s1 =	rddreg [dreg:$0x8];
	[sflag:s6] =	ssyncadd.s32 $0xFFFFC000  }
0x162: {  	[hbm4b:s1+s2] =	stream.linear.scatter [tilespmem:s7], [sflag:$0x2], $0x400, $0x38;
	[tilespmem:$0x4800] =	vst v63  }
0x163: {  	_ =	swait.ge [sflag:s6], $0x400  }
0x164: {  	[sflag:s6] =	ssyncset.done $0x0  }
0x165: {  	s1 =	rddreg [dreg:$0x9];
	[sflag:s6] =	ssyncadd.s32 $0xFFFFFC00  }
0x166: {  	[tilespmem:s2], [sflag:$0x2] =	stream.linear.gather [hbm4b:s1+s2], $0x400, $0x38;
	[tilespmem:$0x4800] =	vst v63  }
0x167: {  	_ =	swait.ge [sflag:s6], $0x400  }
0x168: {  	[sflag:s6] =	ssyncset.done $0x0  }
0x169: {  	[sflag:s6] =	ssyncadd.s32 $0xFFFFFC00  }
0x16a: {  	[tilespmem:s9], [sflag:$0x1] =	stream.indirect.gather [hbm4b:s10+s9], $0x10, s2, s9, $0xb8;
	[tilespmem:$0x4800] =	vst v63  }
0x16b: {  	_ = 	snop  }
0x16c: {  	[tilespmem:s7], [sflag:$0x1] =	stream.indirect.gather [hbm4b:s3+s9], $0x1, s2, s9, $0xb8;
	[tilespmem:$0x4800] =	vst v63  }
0x16d: {  	_ =	swait.ge [sflag:s11], $0x4000  }
0x16e: {  	[sflag:s11] =	ssyncset.done $0x0  }
0x16f: {  	[sflag:s11] =	ssyncadd.s32 $0xFFFFC000  }
0x170: {  	_ =	swait.ge [sflag:s11], $0x400  }
0x171: {  	[sflag:s11] =	ssyncset.done $0x0  }
0x172: {  	s1 =	rddreg [dreg:$0xa];
	[sflag:s11] =	ssyncadd.s32 $0xFFFFFC00  }
0x173: {  	[hbm4b:s1+s2] =	stream.linear.scatter [tilespmem:s9], [sflag:$0x2], $0x4000, $0x38;
	[tilespmem:$0x4800] =	vst v63  }
0x174: {  	_ =	swait.ge [sflag:s6], $0x4000  }
0x175: {  	[sflag:s6] =	ssyncset.done $0x0  }
0x176: {  	s1 =	rddreg [dreg:$0xb];
	[sflag:s6] =	ssyncadd.s32 $0xFFFFC000  }
0x177: {  	[hbm4b:s1+s2] =	stream.linear.scatter [tilespmem:s7], [sflag:$0x2], $0x400, $0x38;
	[tilespmem:$0x4800] =	vst v63  }
0x178: {  	_ =	swait.ge [sflag:s6], $0x400  }
0x179: {  	[sflag:s6] =	ssyncset.done $0x0  }
0x17a: {  	s1 =	rddreg [dreg:$0xc];
	[sflag:s6] =	ssyncadd.s32 $0xFFFFFC00  }
0x17b: {  	[tilespmem:s2], [sflag:$0x2] =	stream.linear.gather [hbm4b:s1+s2], $0x400, $0x38;
	[tilespmem:$0x4800] =	vst v63  }
0x17c: {  	_ =	swait.ge [sflag:s6], $0x400  }
0x17d: {  	[sflag:s6] =	ssyncset.done $0x0  }
0x17e: {  	[sflag:s6] =	ssyncadd.s32 $0xFFFFFC00  }
0x17f: {  	[tilespmem:s9], [sflag:$0x1] =	stream.indirect.gather [hbm4b:s10+s9], $0x10, s2, s9, $0xb8;
	[tilespmem:$0x4800] =	vst v63  }
0x180: {  	_ = 	snop  }
0x181: {  	[tilespmem:s7], [sflag:$0x1] =	stream.indirect.gather [hbm4b:s3+s9], $0x1, s2, s9, $0xb8;
	[tilespmem:$0x4800] =	vst v63  }
0x182: {  	_ =	swait.ge [sflag:s11], $0x4000  }
0x183: {  	[sflag:s11] =	ssyncset.done $0x0  }
0x184: {  	[sflag:s11] =	ssyncadd.s32 $0xFFFFC000  }
0x185: {  	_ =	swait.ge [sflag:s11], $0x400  }
0x186: {  	[sflag:s11] =	ssyncset.done $0x0  }
0x187: {  	s1 =	rddreg [dreg:$0xd];
	[sflag:s11] =	ssyncadd.s32 $0xFFFFFC00  }
0x188: {  	[hbm4b:s1+s2] =	stream.linear.scatter [tilespmem:s9], [sflag:$0x2], $0x4000, $0x38;
	[tilespmem:$0x4800] =	vst v63  }
0x189: {  	_ =	swait.ge [sflag:s6], $0x4000  }
0x18a: {  	[sflag:s6] =	ssyncset.done $0x0  }
0x18b: {  	s1 =	rddreg [dreg:$0xe];
	[sflag:s6] =	ssyncadd.s32 $0xFFFFC000  }
0x18c: {  	[hbm4b:s1+s2] =	stream.linear.scatter [tilespmem:s7], [sflag:$0x2], $0x400, $0x38;
	[tilespmem:$0x4800] =	vst v63  }
0x18d: {  	_ =	swait.ge [sflag:s6], $0x400  }
0x18e: {  	[sflag:s6] =	ssyncset.done $0x0  }
0x18f: {  	s1 =	rddreg [dreg:$0xf];
	[sflag:s6] =	ssyncadd.s32 $0xFFFFFC00  }
0x190: {  	[tilespmem:s2], [sflag:$0x2] =	stream.linear.gather [hbm4b:s1+s2], $0x400, $0x38;
	[tilespmem:$0x4800] =	vst v63  }
0x191: {  	_ =	swait.ge [sflag:s6], $0x400  }
0x192: {  	[sflag:s6] =	ssyncset.done $0x0  }
0x193: {  	[sflag:s6] =	ssyncadd.s32 $0xFFFFFC00  }
0x194: {  	[tilespmem:s9], [sflag:$0x1] =	stream.indirect.gather [hbm4b:s10+s9], $0x10, s2, s9, $0xb8;
	[tilespmem:$0x4800] =	vst v63  }
0x195: {  	_ = 	snop  }
0x196: {  	[tilespmem:s7], [sflag:$0x1] =	stream.indirect.gather [hbm4b:s3+s9], $0x1, s2, s9, $0xb8;
	[tilespmem:$0x4800] =	vst v63  }
0x197: {  	_ =	swait.ge [sflag:s11], $0x4000  }
0x198: {  	[sflag:s11] =	ssyncset.done $0x0  }
0x199: {  	[sflag:s11] =	ssyncadd.s32 $0xFFFFC000  }
0x19a: {  	_ =	swait.ge [sflag:s11], $0x400  }
0x19b: {  	[sflag:s11] =	ssyncset.done $0x0  }
0x19c: {  	s1 =	rddreg [dreg:$0x10];
	[sflag:s11] =	ssyncadd.s32 $0xFFFFFC00  }
0x19d: {  	[hbm4b:s1+s2] =	stream.linear.scatter [tilespmem:s9], [sflag:$0x2], $0x4000, $0x38;
	[tilespmem:$0x4800] =	vst v63  }
0x19e: {  	_ =	swait.ge [sflag:s6], $0x4000  }
0x19f: {  	[sflag:s6] =	ssyncset.done $0x0  }
0x1a0: {  	s1 =	rddreg [dreg:$0x11];
	[sflag:s6] =	ssyncadd.s32 $0xFFFFC000  }
0x1a1: {  	[hbm4b:s1+s2] =	stream.linear.scatter [tilespmem:s7], [sflag:$0x2], $0x400, $0x38;
	[tilespmem:$0x4800] =	vst v63  }
0x1a2: {  	_ =	swait.ge [sflag:s6], $0x400  }
0x1a3: {  	[sflag:s6] =	ssyncset.done $0x0  }
0x1a4: {  	s1 =	rddreg [dreg:$0x12];
	[sflag:s6] =	ssyncadd.s32 $0xFFFFFC00  }
0x1a5: {  	[tilespmem:s2], [sflag:$0x2] =	stream.linear.gather [hbm4b:s1+s2], $0x400, $0x38;
	[tilespmem:$0x4800] =	vst v63  }
0x1a6: {  	_ =	swait.ge [sflag:s6], $0x400  }
0x1a7: {  	[sflag:s6] =	ssyncset.done $0x0  }
0x1a8: {  	[sflag:s6] =	ssyncadd.s32 $0xFFFFFC00  }
0x1a9: {  	[tilespmem:s9], [sflag:$0x1] =	stream.indirect.gather [hbm4b:s10+s9], $0x10, s2, s9, $0xb8;
	[tilespmem:$0x4800] =	vst v63  }
0x1aa: {  	_ = 	snop  }
0x1ab: {  	[tilespmem:s7], [sflag:$0x1] =	stream.indirect.gather [hbm4b:s3+s9], $0x1, s2, s9, $0xb8;
	[tilespmem:$0x4800] =	vst v63  }
0x1ac: {  	_ =	swait.ge [sflag:s11], $0x4000  }
0x1ad: {  	[sflag:s11] =	ssyncset.done $0x0  }
0x1ae: {  	[sflag:s11] =	ssyncadd.s32 $0xFFFFC000  }
0x1af: {  	_ =	swait.ge [sflag:s11], $0x400  }
0x1b0: {  	[sflag:s11] =	ssyncset.done $0x0  }
0x1b1: {  	s1 =	rddreg [dreg:$0x13];
	[sflag:s11] =	ssyncadd.s32 $0xFFFFFC00  }
0x1b2: {  	[hbm4b:s1+s2] =	stream.linear.scatter [tilespmem:s9], [sflag:$0x2], $0x4000, $0x38;
	[tilespmem:$0x4800] =	vst v63  }
0x1b3: {  	_ =	swait.ge [sflag:s6], $0x4000  }
0x1b4: {  	[sflag:s6] =	ssyncset.done $0x0  }
0x1b5: {  	[sflag:s6] =	ssyncadd.s32 $0xFFFFC000  }
0x1b6: {  	[hbm4b:s30+s2] =	stream.linear.scatter [tilespmem:s7], [sflag:$0x2], $0x400, $0x38;
	[tilespmem:$0x4800] =	vst v63  }
0x1b7: {  	_ =	swait.ge [sflag:s6], $0x400  }
0x1b8: {  	[sflag:s6] =	ssyncset.done $0x0  }
0x1b9: {  	[sflag:s6] =	ssyncadd.s32 $0xFFFFFC00  }
0x1ba: {  	[tilespmem:s2], [sflag:$0x2] =	stream.linear.gather [hbm4b:s31+s2], $0x400, $0x38;
	[tilespmem:$0x4800] =	vst v63  }
0x1bb: {  	_ =	swait.ge [sflag:s6], $0x400  }
0x1bc: {  	[sflag:s6] =	ssyncset.done $0x0  }
0x1bd: {  	[sflag:s6] =	ssyncadd.s32 $0xFFFFFC00  }
0x1be: {  	[tilespmem:s9], [sflag:$0x1] =	stream.indirect.gather [hbm4b:s10+s9], $0x10, s2, s9, $0xb8;
	[tilespmem:$0x4800] =	vst v63  }
0x1bf: {  	_ = 	snop  }
0x1c0: {  	[tilespmem:s7], [sflag:$0x1] =	stream.indirect.gather [hbm4b:s3+s9], $0x1, s2, s9, $0xb8;
	[tilespmem:$0x4800] =	vst v63  }
0x1c1: {  	_ =	swait.ge [sflag:s11], $0x4000  }
0x1c2: {  	[sflag:s11] =	ssyncset.done $0x0  }
0x1c3: {  	[sflag:s11] =	ssyncadd.s32 $0xFFFFC000  }
0x1c4: {  	_ =	swait.ge [sflag:s11], $0x400  }
0x1c5: {  	[sflag:s11] =	ssyncset.done $0x0  }
0x1c6: {  	[sflag:s11] =	ssyncadd.s32 $0xFFFFFC00  }
0x1c7: {  	[hbm4b:s29+s2] =	stream.linear.scatter [tilespmem:s9], [sflag:$0x2], $0x4000, $0x38;
	[tilespmem:$0x4800] =	vst v63  }
0x1c8: {  	_ =	swait.ge [sflag:s6], $0x4000  }
0x1c9: {  	[sflag:s6] =	ssyncset.done $0x0  }
0x1ca: {  	[sflag:s6] =	ssyncadd.s32 $0xFFFFC000  }
0x1cb: {  	[hbm4b:s28+s2] =	stream.linear.scatter [tilespmem:s7], [sflag:$0x2], $0x400, $0x38;
	[tilespmem:$0x4800] =	vst v63  }
0x1cc: {  	_ =	swait.ge [sflag:s6], $0x400  }
0x1cd: {  	[sflag:s6] =	ssyncset.done $0x0  }
0x1ce: {  	[sflag:s6] =	ssyncadd.s32 $0xFFFFFC00  }
0x1cf: {  	[tilespmem:s2], [sflag:$0x2] =	stream.linear.gather [hbm4b:s25+s2], $0x400, $0x38;
	[tilespmem:$0x4800] =	vst v63  }
0x1d0: {  	_ =	swait.ge [sflag:s6], $0x400  }
0x1d1: {  	[sflag:s6] =	ssyncset.done $0x0  }
0x1d2: {  	[sflag:s6] =	ssyncadd.s32 $0xFFFFFC00  }
0x1d3: {  	[tilespmem:s9], [sflag:$0x1] =	stream.indirect.gather [hbm4b:s10+s9], $0x10, s2, s9, $0xb8;
	[tilespmem:$0x4800] =	vst v63  }
0x1d4: {  	_ = 	snop  }
0x1d5: {  	[tilespmem:s7], [sflag:$0x1] =	stream.indirect.gather [hbm4b:s3+s9], $0x1, s2, s9, $0xb8;
	[tilespmem:$0x4800] =	vst v63  }
0x1d6: {  	_ =	swait.ge [sflag:s11], $0x4000  }
0x1d7: {  	[sflag:s11] =	ssyncset.done $0x0  }
0x1d8: {  	[sflag:s11] =	ssyncadd.s32 $0xFFFFC000  }
0x1d9: {  	_ =	swait.ge [sflag:s11], $0x400  }
0x1da: {  	[sflag:s11] =	ssyncset.done $0x0  }
0x1db: {  	[sflag:s11] =	ssyncadd.s32 $0xFFFFFC00  }
0x1dc: {  	[hbm4b:s24+s2] =	stream.linear.scatter [tilespmem:s9], [sflag:$0x2], $0x4000, $0x38;
	[tilespmem:$0x4800] =	vst v63  }
0x1dd: {  	_ =	swait.ge [sflag:s6], $0x4000  }
0x1de: {  	[sflag:s6] =	ssyncset.done $0x0  }
0x1df: {  	[sflag:s6] =	ssyncadd.s32 $0xFFFFC000  }
0x1e0: {  	[hbm4b:s23+s2] =	stream.linear.scatter [tilespmem:s7], [sflag:$0x2], $0x400, $0x38;
	[tilespmem:$0x4800] =	vst v63  }
0x1e1: {  	_ =	swait.ge [sflag:s6], $0x400  }
0x1e2: {  	[sflag:s6] =	ssyncset.done $0x0  }
0x1e3: {  	[sflag:s6] =	ssyncadd.s32 $0xFFFFFC00  }
0x1e4: {  	[tilespmem:s2], [sflag:$0x2] =	stream.linear.gather [hbm4b:s26+s2], $0x400, $0x38;
	[tilespmem:$0x4800] =	vst v63  }
0x1e5: {  	_ =	swait.ge [sflag:s6], $0x400  }
0x1e6: {  	[sflag:s6] =	ssyncset.done $0x0  }
0x1e7: {  	[sflag:s6] =	ssyncadd.s32 $0xFFFFFC00  }
0x1e8: {  	[tilespmem:s9], [sflag:$0x1] =	stream.indirect.gather [hbm4b:s10+s9], $0x10, s2, s9, $0xb8;
	[tilespmem:$0x4800] =	vst v63  }
0x1e9: {  	_ = 	snop  }
0x1ea: {  	[tilespmem:s7], [sflag:$0x1] =	stream.indirect.gather [hbm4b:s3+s9], $0x1, s2, s9, $0xb8;
	[tilespmem:$0x4800] =	vst v63  }
0x1eb: {  	_ =	swait.ge [sflag:s11], $0x4000  }
0x1ec: {  	[sflag:s11] =	ssyncset.done $0x0  }
0x1ed: {  	[sflag:s11] =	ssyncadd.s32 $0xFFFFC000  }
0x1ee: {  	_ =	swait.ge [sflag:s11], $0x400  }
0x1ef: {  	[sflag:s11] =	ssyncset.done $0x0  }
0x1f0: {  	[sflag:s11] =	ssyncadd.s32 $0xFFFFFC00  }
0x1f1: {  	[hbm4b:s20+s2] =	stream.linear.scatter [tilespmem:s9], [sflag:$0x2], $0x4000, $0x38;
	[tilespmem:$0x4800] =	vst v63  }
0x1f2: {  	_ =	swait.ge [sflag:s6], $0x4000  }
0x1f3: {  	[sflag:s6] =	ssyncset.done $0x0  }
0x1f4: {  	[sflag:s6] =	ssyncadd.s32 $0xFFFFC000  }
0x1f5: {  	[hbm4b:s22+s2] =	stream.linear.scatter [tilespmem:s7], [sflag:$0x2], $0x400, $0x38;
	[tilespmem:$0x4800] =	vst v63  }
0x1f6: {  	_ =	swait.ge [sflag:s6], $0x400  }
0x1f7: {  	[sflag:s6] =	ssyncset.done $0x0  }
0x1f8: {  	[sflag:s6] =	ssyncadd.s32 $0xFFFFFC00  }
0x1f9: {  	[tilespmem:s2], [sflag:$0x2] =	stream.linear.gather [hbm4b:s21+s2], $0x400, $0x38;
	[tilespmem:$0x4800] =	vst v63  }
0x1fa: {  	_ =	swait.ge [sflag:s6], $0x400  }
0x1fb: {  	[sflag:s6] =	ssyncset.done $0x0  }
0x1fc: {  	[sflag:s6] =	ssyncadd.s32 $0xFFFFFC00  }
0x1fd: {  	[tilespmem:s9], [sflag:$0x1] =	stream.indirect.gather [hbm4b:s10+s9], $0x10, s2, s9, $0xb8;
	[tilespmem:$0x4800] =	vst v63  }
0x1fe: {  	_ = 	snop  }
0x1ff: {  	[tilespmem:s7], [sflag:$0x1] =	stream.indirect.gather [hbm4b:s3+s9], $0x1, s2, s9, $0xb8;
	[tilespmem:$0x4800] =	vst v63  }
0x200: {  	_ =	swait.ge [sflag:s11], $0x4000  }
0x201: {  	[sflag:s11] =	ssyncset.done $0x0  }
0x202: {  	[sflag:s11] =	ssyncadd.s32 $0xFFFFC000  }
0x203: {  	_ =	swait.ge [sflag:s11], $0x400  }
0x204: {  	[sflag:s11] =	ssyncset.done $0x0  }
0x205: {  	[sflag:s11] =	ssyncadd.s32 $0xFFFFFC00  }
0x206: {  	[hbm4b:s17+s2] =	stream.linear.scatter [tilespmem:s9], [sflag:$0x2], $0x4000, $0x38;
	[tilespmem:$0x4800] =	vst v63  }
0x207: {  	_ =	swait.ge [sflag:s6], $0x4000  }
0x208: {  	[sflag:s6] =	ssyncset.done $0x0  }
0x209: {  	[sflag:s6] =	ssyncadd.s32 $0xFFFFC000  }
0x20a: {  	[hbm4b:s19+s2] =	stream.linear.scatter [tilespmem:s7], [sflag:$0x2], $0x400, $0x38;
	[tilespmem:$0x4800] =	vst v63  }
0x20b: {  	_ =	swait.ge [sflag:s6], $0x400  }
0x20c: {  	[sflag:s6] =	ssyncset.done $0x0  }
0x20d: {  	[sflag:s6] =	ssyncadd.s32 $0xFFFFFC00  }
0x20e: {  	[tilespmem:s2], [sflag:$0x2] =	stream.linear.gather [hbm4b:s18+s2], $0x400, $0x38;
	[tilespmem:$0x4800] =	vst v63  }
0x20f: {  	_ =	swait.ge [sflag:s6], $0x400  }
0x210: {  	[sflag:s6] =	ssyncset.done $0x0  }
0x211: {  	[sflag:s6] =	ssyncadd.s32 $0xFFFFFC00  }
0x212: {  	[tilespmem:s9], [sflag:$0x1] =	stream.indirect.gather [hbm4b:s10+s9], $0x10, s2, s9, $0xb8;
	[tilespmem:$0x4800] =	vst v63  }
0x213: {  	_ = 	snop  }
0x214: {  	[tilespmem:s7], [sflag:$0x1] =	stream.indirect.gather [hbm4b:s3+s9], $0x1, s2, s9, $0xb8;
	[tilespmem:$0x4800] =	vst v63  }
0x215: {  	_ =	swait.ge [sflag:s11], $0x4000  }
0x216: {  	[sflag:s11] =	ssyncset.done $0x0  }
0x217: {  	[sflag:s11] =	ssyncadd.s32 $0xFFFFC000  }
0x218: {  	_ =	swait.ge [sflag:s11], $0x400  }
0x219: {  	[sflag:s11] =	ssyncset.done $0x0  }
0x21a: {  	[sflag:s11] =	ssyncadd.s32 $0xFFFFFC00  }
0x21b: {  	[hbm4b:s14+s2] =	stream.linear.scatter [tilespmem:s9], [sflag:$0x2], $0x4000, $0x38;
	[tilespmem:$0x4800] =	vst v63  }
0x21c: {  	_ =	swait.ge [sflag:s6], $0x4000  }
0x21d: {  	[sflag:s6] =	ssyncset.done $0x0  }
0x21e: {  	[sflag:s6] =	ssyncadd.s32 $0xFFFFC000  }
0x21f: {  	[hbm4b:s16+s2] =	stream.linear.scatter [tilespmem:s7], [sflag:$0x2], $0x400, $0x38;
	[tilespmem:$0x4800] =	vst v63  }
0x220: {  	_ =	swait.ge [sflag:s6], $0x400  }
0x221: {  	[sflag:s6] =	ssyncset.done $0x0  }
0x222: {  	[sflag:s6] =	ssyncadd.s32 $0xFFFFFC00  }
0x223: {  	[tilespmem:s2], [sflag:$0x2] =	stream.linear.gather [hbm4b:s15+s2], $0x400, $0x38;
	[tilespmem:$0x4800] =	vst v63  }
0x224: {  	_ =	swait.ge [sflag:s6], $0x400  }
0x225: {  	[sflag:s6] =	ssyncset.done $0x0  }
0x226: {  	[sflag:s6] =	ssyncadd.s32 $0xFFFFFC00  }
0x227: {  	[tilespmem:s9], [sflag:$0x1] =	stream.indirect.gather [hbm4b:s10+s9], $0x10, s2, s9, $0xb8;
	[tilespmem:$0x4800] =	vst v63  }
0x228: {  	_ = 	snop  }
0x229: {  	[tilespmem:s7], [sflag:$0x1] =	stream.indirect.gather [hbm4b:s3+s9], $0x1, s2, s9, $0xb8;
	[tilespmem:$0x4800] =	vst v63  }
0x22a: {  	_ =	swait.ge [sflag:s11], $0x4000  }
0x22b: {  	[sflag:s11] =	ssyncset.done $0x0  }
0x22c: {  	[sflag:s11] =	ssyncadd.s32 $0xFFFFC000  }
0x22d: {  	_ =	swait.ge [sflag:s11], $0x400  }
0x22e: {  	[sflag:s11] =	ssyncset.done $0x0  }
0x22f: {  	[sflag:s11] =	ssyncadd.s32 $0xFFFFFC00  }
0x230: {  	[hbm4b:s8+s2] =	stream.linear.scatter [tilespmem:s9], [sflag:$0x2], $0x4000, $0x38;
	[tilespmem:$0x4800] =	vst v63  }
0x231: {  	_ =	swait.ge [sflag:s6], $0x4000  }
0x232: {  	[sflag:s6] =	ssyncset.done $0x0  }
0x233: {  	[sflag:s6] =	ssyncadd.s32 $0xFFFFC000  }
0x234: {  	[hbm4b:s13+s2] =	stream.linear.scatter [tilespmem:s7], [sflag:$0x2], $0x400, $0x38;
	[tilespmem:$0x4800] =	vst v63  }
0x235: {  	_ =	swait.ge [sflag:s6], $0x400  }
0x236: {  	[sflag:s6] =	ssyncset.done $0x0  }
0x237: {  	[sflag:s6] =	ssyncadd.s32 $0xFFFFFC00  }
0x238: {  	[tilespmem:s2], [sflag:$0x2] =	stream.linear.gather [hbm4b:s12+s2], $0x400, $0x38;
	[tilespmem:$0x4800] =	vst v63  }
0x239: {  	_ =	swait.ge [sflag:s6], $0x400  }
0x23a: {  	[sflag:s6] =	ssyncset.done $0x0  }
0x23b: {  	[sflag:s6] =	ssyncadd.s32 $0xFFFFFC00  }
0x23c: {  	[tilespmem:s9], [sflag:$0x1] =	stream.indirect.gather [hbm4b:s10+s9], $0x10, s2, s9, $0xb8;
	[tilespmem:$0x4800] =	vst v63  }
0x23d: {  	_ = 	snop  }
0x23e: {  	[tilespmem:s7], [sflag:$0x1] =	stream.indirect.gather [hbm4b:s3+s9], $0x1, s2, s9, $0xb8;
	[tilespmem:$0x4800] =	vst v63  }
0x23f: {  	_ =	swait.ge [sflag:s11], $0x4000  }
0x240: {  	[sflag:s11] =	ssyncset.done $0x0  }
0x241: {  	[sflag:s11] =	ssyncadd.s32 $0xFFFFC000  }
0x242: {  	_ =	swait.ge [sflag:s11], $0x400  }
0x243: {  	[sflag:s11] =	ssyncset.done $0x0  }
0x244: {  	[sflag:s11] =	ssyncadd.s32 $0xFFFFFC00  }
0x245: {  	[hbm4b:s4+s2] =	stream.linear.scatter [tilespmem:s9], [sflag:$0x2], $0x4000, $0x38;
	[tilespmem:$0x4800] =	vst v63  }
0x246: {  	p1 =	sne.s32 s0, $0x1;
	_ =	swait.ge [sflag:s6], $0x4000  }
.Ltmp2:
0x247: {  	[sflag:s6] =	ssyncset.done $0x0;
	(pc) =	sbr.rel @p1 .LBB2_2-.Ltmp2, $4  }
0x248: {  	[sflag:s6] =	ssyncadd.s32 $0xFFFFC000  }
0x249: {  	[hbm4b:s5+s2] =	stream.linear.scatter [tilespmem:s7], [sflag:$0x2], $0x400, $0x38;
	[tilespmem:$0x4800] =	vst v63  }
0x24a: {  	_ =	swait.ge [sflag:s6], $0x400  }
0x24b: {  	s0 =	sadd.s32 $0xFFFFFFFF, s0;
	s1 =	rddreg [dreg:$0x3];
	[sflag:s6] =	ssyncset.done $0x0  }
.LBB2_3:
0x24c: {  	[sflag:s6] =	ssyncadd.s32 @p0 $0xFFFFFC00  }
0x24d: {  	[tilespmem:s2], [sflag:$0x2] =	stream.linear.gather [hbm4b:s1+s2], $0x400, $0x38;
	[tilespmem:$0x4800] =	vst v63  }
0x24e: {  	_ =	swait.ge [sflag:s6], $0x400  }
0x24f: {  	[sflag:s6] =	ssyncset.done $0x0  }
0x250: {  	[sflag:s6] =	ssyncadd.s32 $0xFFFFFC00  }
0x251: {  	[tilespmem:s9], [sflag:$0x1] =	stream.indirect.gather [hbm4b:s10+s9], $0x10, s2, s9, $0xb8;
	[tilespmem:$0x4800] =	vst v63  }
0x252: {  	_ = 	snop  }
0x253: {  	[tilespmem:s7], [sflag:$0x1] =	stream.indirect.gather [hbm4b:s3+s9], $0x1, s2, s9, $0xb8;
	[tilespmem:$0x4800] =	vst v63  }
0x254: {  	_ =	swait.ge [sflag:s11], $0x4000  }
0x255: {  	[sflag:s11] =	ssyncset.done $0x0  }
0x256: {  	[sflag:s11] =	ssyncadd.s32 $0xFFFFC000  }
0x257: {  	_ =	swait.ge [sflag:s11], $0x400  }
0x258: {  	[sflag:s11] =	ssyncset.done $0x0  }
0x259: {  	s0 =	rddreg [dreg:$0x4];
	[sflag:s11] =	ssyncadd.s32 $0xFFFFFC00  }
0x25a: {  	[hbm4b:s0+s2] =	stream.linear.scatter [tilespmem:s9], [sflag:$0x2], $0x4000, $0x38;
	[tilespmem:$0x4800] =	vst v63  }
0x25b: {  	_ =	swait.ge [sflag:s6], $0x4000  }
0x25c: {  	[sflag:s6] =	ssyncset.done $0x0  }
0x25d: {  	s1 =	rddreg [dreg:$0x5];
	[sflag:s6] =	ssyncadd.s32 $0xFFFFC000  }
0x25e: {  	[hbm4b:s1+s2] =	stream.linear.scatter [tilespmem:s7], [sflag:$0x2], $0x400, $0x38;
	[tilespmem:$0x4800] =	vst v63  }
0x25f: {  	_ =	swait.ge [sflag:s6], $0x400  }
0x260: {  	[sflag:s6] =	ssyncset.done $0x0  }
0x261: {  	s1 =	rddreg [dreg:$0x6];
	[sflag:s6] =	ssyncadd.s32 $0xFFFFFC00  }
0x262: {  	[tilespmem:s2], [sflag:$0x2] =	stream.linear.gather [hbm4b:s1+s2], $0x400, $0x38;
	[tilespmem:$0x4800] =	vst v63  }
0x263: {  	_ =	swait.ge [sflag:s6], $0x400  }
0x264: {  	[sflag:s6] =	ssyncset.done $0x0  }
0x265: {  	[sflag:s6] =	ssyncadd.s32 $0xFFFFFC00  }
0x266: {  	[tilespmem:s9], [sflag:$0x1] =	stream.indirect.gather [hbm4b:s10+s9], $0x10, s2, s9, $0xb8;
	[tilespmem:$0x4800] =	vst v63  }
0x267: {  	_ = 	snop  }
0x268: {  	[tilespmem:s7], [sflag:$0x1] =	stream.indirect.gather [hbm4b:s3+s9], $0x1, s2, s9, $0xb8;
	[tilespmem:$0x4800] =	vst v63  }
0x269: {  	_ =	swait.ge [sflag:s11], $0x4000  }
0x26a: {  	[sflag:s11] =	ssyncset.done $0x0  }
0x26b: {  	[sflag:s11] =	ssyncadd.s32 $0xFFFFC000  }
0x26c: {  	_ =	swait.ge [sflag:s11], $0x400  }
0x26d: {  	[sflag:s11] =	ssyncset.done $0x0  }
0x26e: {  	s1 =	rddreg [dreg:$0x7];
	[sflag:s11] =	ssyncadd.s32 $0xFFFFFC00  }
0x26f: {  	[hbm4b:s1+s2] =	stream.linear.scatter [tilespmem:s9], [sflag:$0x2], $0x4000, $0x38;
	[tilespmem:$0x4800] =	vst v63  }
0x270: {  	_ =	swait.ge [sflag:s6], $0x4000  }
0x271: {  	[sflag:s6] =	ssyncset.done $0x0  }
0x272: {  	s1 =	rddreg [dreg:$0x8];
	[sflag:s6] =	ssyncadd.s32 $0xFFFFC000  }
0x273: {  	[hbm4b:s1+s2] =	stream.linear.scatter [tilespmem:s7], [sflag:$0x2], $0x400, $0x38;
	[tilespmem:$0x4800] =	vst v63  }
0x274: {  	_ =	swait.ge [sflag:s6], $0x400  }
0x275: {  	[sflag:s6] =	ssyncset.done $0x0  }
0x276: {  	s1 =	rddreg [dreg:$0x9];
	[sflag:s6] =	ssyncadd.s32 $0xFFFFFC00  }
0x277: {  	[tilespmem:s2], [sflag:$0x2] =	stream.linear.gather [hbm4b:s1+s2], $0x400, $0x38;
	[tilespmem:$0x4800] =	vst v63  }
0x278: {  	_ =	swait.ge [sflag:s6], $0x400  }
0x279: {  	[sflag:s6] =	ssyncset.done $0x0  }
0x27a: {  	[sflag:s6] =	ssyncadd.s32 $0xFFFFFC00  }
0x27b: {  	[tilespmem:s9], [sflag:$0x1] =	stream.indirect.gather [hbm4b:s10+s9], $0x10, s2, s9, $0xb8;
	[tilespmem:$0x4800] =	vst v63  }
0x27c: {  	_ = 	snop  }
0x27d: {  	[tilespmem:s7], [sflag:$0x1] =	stream.indirect.gather [hbm4b:s3+s9], $0x1, s2, s9, $0xb8;
	[tilespmem:$0x4800] =	vst v63  }
0x27e: {  	_ =	swait.ge [sflag:s11], $0x4000  }
0x27f: {  	[sflag:s11] =	ssyncset.done $0x0  }
0x280: {  	[sflag:s11] =	ssyncadd.s32 $0xFFFFC000  }
0x281: {  	_ =	swait.ge [sflag:s11], $0x400  }
0x282: {  	[sflag:s11] =	ssyncset.done $0x0  }
0x283: {  	s1 =	rddreg [dreg:$0xa];
	[sflag:s11] =	ssyncadd.s32 $0xFFFFFC00  }
0x284: {  	[hbm4b:s1+s2] =	stream.linear.scatter [tilespmem:s9], [sflag:$0x2], $0x4000, $0x38;
	[tilespmem:$0x4800] =	vst v63  }
0x285: {  	_ =	swait.ge [sflag:s6], $0x4000  }
0x286: {  	[sflag:s6] =	ssyncset.done $0x0  }
0x287: {  	s1 =	rddreg [dreg:$0xb];
	[sflag:s6] =	ssyncadd.s32 $0xFFFFC000  }
0x288: {  	[hbm4b:s1+s2] =	stream.linear.scatter [tilespmem:s7], [sflag:$0x2], $0x400, $0x38;
	[tilespmem:$0x4800] =	vst v63  }
0x289: {  	_ =	swait.ge [sflag:s6], $0x400  }
0x28a: {  	[sflag:s6] =	ssyncset.done $0x0  }
0x28b: {  	s1 =	rddreg [dreg:$0xc];
	[sflag:s6] =	ssyncadd.s32 $0xFFFFFC00  }
0x28c: {  	[tilespmem:s2], [sflag:$0x2] =	stream.linear.gather [hbm4b:s1+s2], $0x400, $0x38;
	[tilespmem:$0x4800] =	vst v63  }
0x28d: {  	_ =	swait.ge [sflag:s6], $0x400  }
0x28e: {  	[sflag:s6] =	ssyncset.done $0x0  }
0x28f: {  	[sflag:s6] =	ssyncadd.s32 $0xFFFFFC00  }
0x290: {  	[tilespmem:s9], [sflag:$0x1] =	stream.indirect.gather [hbm4b:s10+s9], $0x10, s2, s9, $0xb8;
	[tilespmem:$0x4800] =	vst v63  }
0x291: {  	_ = 	snop  }
0x292: {  	[tilespmem:s7], [sflag:$0x1] =	stream.indirect.gather [hbm4b:s3+s9], $0x1, s2, s9, $0xb8;
	[tilespmem:$0x4800] =	vst v63  }
0x293: {  	_ =	swait.ge [sflag:s11], $0x4000  }
0x294: {  	[sflag:s11] =	ssyncset.done $0x0  }
0x295: {  	[sflag:s11] =	ssyncadd.s32 $0xFFFFC000  }
0x296: {  	_ =	swait.ge [sflag:s11], $0x400  }
0x297: {  	[sflag:s11] =	ssyncset.done $0x0  }
0x298: {  	s1 =	rddreg [dreg:$0xd];
	[sflag:s11] =	ssyncadd.s32 $0xFFFFFC00  }
0x299: {  	[hbm4b:s1+s2] =	stream.linear.scatter [tilespmem:s9], [sflag:$0x2], $0x4000, $0x38;
	[tilespmem:$0x4800] =	vst v63  }
0x29a: {  	_ =	swait.ge [sflag:s6], $0x4000  }
0x29b: {  	[sflag:s6] =	ssyncset.done $0x0  }
0x29c: {  	s1 =	rddreg [dreg:$0xe];
	[sflag:s6] =	ssyncadd.s32 $0xFFFFC000  }
0x29d: {  	[hbm4b:s1+s2] =	stream.linear.scatter [tilespmem:s7], [sflag:$0x2], $0x400, $0x38;
	[tilespmem:$0x4800] =	vst v63  }
0x29e: {  	_ =	swait.ge [sflag:s6], $0x400  }
0x29f: {  	[sflag:s6] =	ssyncset.done $0x0  }
0x2a0: {  	s1 =	rddreg [dreg:$0xf];
	[sflag:s6] =	ssyncadd.s32 $0xFFFFFC00  }
0x2a1: {  	[tilespmem:s2], [sflag:$0x2] =	stream.linear.gather [hbm4b:s1+s2], $0x400, $0x38;
	[tilespmem:$0x4800] =	vst v63  }
0x2a2: {  	_ =	swait.ge [sflag:s6], $0x400  }
0x2a3: {  	[sflag:s6] =	ssyncset.done $0x0  }
0x2a4: {  	[sflag:s6] =	ssyncadd.s32 $0xFFFFFC00  }
0x2a5: {  	[tilespmem:s9], [sflag:$0x1] =	stream.indirect.gather [hbm4b:s10+s9], $0x10, s2, s9, $0xb8;
	[tilespmem:$0x4800] =	vst v63  }
0x2a6: {  	_ = 	snop  }
0x2a7: {  	[tilespmem:s7], [sflag:$0x1] =	stream.indirect.gather [hbm4b:s3+s9], $0x1, s2, s9, $0xb8;
	[tilespmem:$0x4800] =	vst v63  }
0x2a8: {  	_ =	swait.ge [sflag:s11], $0x4000  }
0x2a9: {  	[sflag:s11] =	ssyncset.done $0x0  }
0x2aa: {  	[sflag:s11] =	ssyncadd.s32 $0xFFFFC000  }
0x2ab: {  	_ =	swait.ge [sflag:s11], $0x400  }
0x2ac: {  	[sflag:s11] =	ssyncset.done $0x0  }
0x2ad: {  	s1 =	rddreg [dreg:$0x10];
	[sflag:s11] =	ssyncadd.s32 $0xFFFFFC00  }
0x2ae: {  	[hbm4b:s1+s2] =	stream.linear.scatter [tilespmem:s9], [sflag:$0x2], $0x4000, $0x38;
	[tilespmem:$0x4800] =	vst v63  }
0x2af: {  	_ =	swait.ge [sflag:s6], $0x4000  }
0x2b0: {  	[sflag:s6] =	ssyncset.done $0x0  }
0x2b1: {  	s1 =	rddreg [dreg:$0x11];
	[sflag:s6] =	ssyncadd.s32 $0xFFFFC000  }
0x2b2: {  	[hbm4b:s1+s2] =	stream.linear.scatter [tilespmem:s7], [sflag:$0x2], $0x400, $0x38;
	[tilespmem:$0x4800] =	vst v63  }
0x2b3: {  	_ =	swait.ge [sflag:s6], $0x400  }
0x2b4: {  	[sflag:s6] =	ssyncset.done $0x0  }
0x2b5: {  	s1 =	rddreg [dreg:$0x12];
	[sflag:s6] =	ssyncadd.s32 $0xFFFFFC00  }
0x2b6: {  	[tilespmem:s2], [sflag:$0x2] =	stream.linear.gather [hbm4b:s1+s2], $0x400, $0x38;
	[tilespmem:$0x4800] =	vst v63  }
0x2b7: {  	_ =	swait.ge [sflag:s6], $0x400  }
0x2b8: {  	[sflag:s6] =	ssyncset.done $0x0  }
0x2b9: {  	[sflag:s6] =	ssyncadd.s32 $0xFFFFFC00  }
0x2ba: {  	[tilespmem:s9], [sflag:$0x1] =	stream.indirect.gather [hbm4b:s10+s9], $0x10, s2, s9, $0xb8;
	[tilespmem:$0x4800] =	vst v63  }
0x2bb: {  	_ = 	snop  }
0x2bc: {  	[tilespmem:s7], [sflag:$0x1] =	stream.indirect.gather [hbm4b:s3+s9], $0x1, s2, s9, $0xb8;
	[tilespmem:$0x4800] =	vst v63  }
0x2bd: {  	_ =	swait.ge [sflag:s11], $0x4000  }
0x2be: {  	[sflag:s11] =	ssyncset.done $0x0  }
0x2bf: {  	[sflag:s11] =	ssyncadd.s32 $0xFFFFC000  }
0x2c0: {  	_ =	swait.ge [sflag:s11], $0x400  }
0x2c1: {  	[sflag:s11] =	ssyncset.done $0x0  }
0x2c2: {  	s1 =	rddreg [dreg:$0x13];
	[sflag:s11] =	ssyncadd.s32 $0xFFFFFC00  }
0x2c3: {  	[hbm4b:s1+s2] =	stream.linear.scatter [tilespmem:s9], [sflag:$0x2], $0x4000, $0x38;
	[tilespmem:$0x4800] =	vst v63  }
0x2c4: {  	_ =	swait.ge [sflag:s6], $0x4000  }
0x2c5: {  	[sflag:s6] =	ssyncset.done $0x0  }
0x2c6: {  	[sflag:s6] =	ssyncadd.s32 $0xFFFFC000  }
0x2c7: {  	[hbm4b:s30+s2] =	stream.linear.scatter [tilespmem:s7], [sflag:$0x2], $0x400, $0x38;
	[tilespmem:$0x4800] =	vst v63  }
0x2c8: {  	_ =	swait.ge [sflag:s6], $0x400  }
0x2c9: {  	[sflag:s6] =	ssyncset.done $0x0  }
0x2ca: {  	[sflag:s6] =	ssyncadd.s32 $0xFFFFFC00  }
0x2cb: {  	[tilespmem:s2], [sflag:$0x2] =	stream.linear.gather [hbm4b:s31+s2], $0x400, $0x38;
	[tilespmem:$0x4800] =	vst v63  }
0x2cc: {  	_ =	swait.ge [sflag:s6], $0x400  }
0x2cd: {  	[sflag:s6] =	ssyncset.done $0x0  }
0x2ce: {  	[sflag:s6] =	ssyncadd.s32 $0xFFFFFC00  }
0x2cf: {  	[tilespmem:s9], [sflag:$0x1] =	stream.indirect.gather [hbm4b:s10+s9], $0x10, s2, s9, $0xb8;
	[tilespmem:$0x4800] =	vst v63  }
0x2d0: {  	_ = 	snop  }
0x2d1: {  	[tilespmem:s7], [sflag:$0x1] =	stream.indirect.gather [hbm4b:s3+s9], $0x1, s2, s9, $0xb8;
	[tilespmem:$0x4800] =	vst v63  }
0x2d2: {  	_ =	swait.ge [sflag:s11], $0x4000  }
0x2d3: {  	[sflag:s11] =	ssyncset.done $0x0  }
0x2d4: {  	[sflag:s11] =	ssyncadd.s32 $0xFFFFC000  }
0x2d5: {  	_ =	swait.ge [sflag:s11], $0x400  }
0x2d6: {  	[sflag:s11] =	ssyncset.done $0x0  }
0x2d7: {  	[sflag:s11] =	ssyncadd.s32 $0xFFFFFC00  }
0x2d8: {  	[hbm4b:s29+s2] =	stream.linear.scatter [tilespmem:s9], [sflag:$0x2], $0x4000, $0x38;
	[tilespmem:$0x4800] =	vst v63  }
0x2d9: {  	_ =	swait.ge [sflag:s6], $0x4000  }
0x2da: {  	[sflag:s6] =	ssyncset.done $0x0  }
0x2db: {  	[sflag:s6] =	ssyncadd.s32 $0xFFFFC000  }
0x2dc: {  	[hbm4b:s28+s2] =	stream.linear.scatter [tilespmem:s7], [sflag:$0x2], $0x400, $0x38;
	[tilespmem:$0x4800] =	vst v63  }
0x2dd: {  	_ =	swait.ge [sflag:s6], $0x400  }
0x2de: {  	[sflag:s6] =	ssyncset.done $0x0  }
0x2df: {  	[sflag:s6] =	ssyncadd.s32 $0xFFFFFC00  }
0x2e0: {  	[tilespmem:s2], [sflag:$0x2] =	stream.linear.gather [hbm4b:s25+s2], $0x400, $0x38;
	[tilespmem:$0x4800] =	vst v63  }
0x2e1: {  	_ =	swait.ge [sflag:s6], $0x400  }
0x2e2: {  	[sflag:s6] =	ssyncset.done $0x0  }
0x2e3: {  	[sflag:s6] =	ssyncadd.s32 $0xFFFFFC00  }
0x2e4: {  	[tilespmem:s9], [sflag:$0x1] =	stream.indirect.gather [hbm4b:s10+s9], $0x10, s2, s9, $0xb8;
	[tilespmem:$0x4800] =	vst v63  }
0x2e5: {  	_ = 	snop  }
0x2e6: {  	[tilespmem:s7], [sflag:$0x1] =	stream.indirect.gather [hbm4b:s3+s9], $0x1, s2, s9, $0xb8;
	[tilespmem:$0x4800] =	vst v63  }
0x2e7: {  	_ =	swait.ge [sflag:s11], $0x4000  }
0x2e8: {  	[sflag:s11] =	ssyncset.done $0x0  }
0x2e9: {  	[sflag:s11] =	ssyncadd.s32 $0xFFFFC000  }
0x2ea: {  	_ =	swait.ge [sflag:s11], $0x400  }
0x2eb: {  	[sflag:s11] =	ssyncset.done $0x0  }
0x2ec: {  	[sflag:s11] =	ssyncadd.s32 $0xFFFFFC00  }
0x2ed: {  	[hbm4b:s24+s2] =	stream.linear.scatter [tilespmem:s9], [sflag:$0x2], $0x4000, $0x38;
	[tilespmem:$0x4800] =	vst v63  }
0x2ee: {  	_ =	swait.ge [sflag:s6], $0x4000  }
0x2ef: {  	[sflag:s6] =	ssyncset.done $0x0  }
0x2f0: {  	[sflag:s6] =	ssyncadd.s32 $0xFFFFC000  }
0x2f1: {  	[hbm4b:s23+s2] =	stream.linear.scatter [tilespmem:s7], [sflag:$0x2], $0x400, $0x38;
	[tilespmem:$0x4800] =	vst v63  }
0x2f2: {  	_ =	swait.ge [sflag:s6], $0x400  }
0x2f3: {  	[sflag:s6] =	ssyncset.done $0x0  }
0x2f4: {  	[sflag:s6] =	ssyncadd.s32 $0xFFFFFC00  }
0x2f5: {  	[tilespmem:s2], [sflag:$0x2] =	stream.linear.gather [hbm4b:s26+s2], $0x400, $0x38;
	[tilespmem:$0x4800] =	vst v63  }
0x2f6: {  	_ =	swait.ge [sflag:s6], $0x400  }
0x2f7: {  	[sflag:s6] =	ssyncset.done $0x0  }
0x2f8: {  	[sflag:s6] =	ssyncadd.s32 $0xFFFFFC00  }
0x2f9: {  	[tilespmem:s9], [sflag:$0x1] =	stream.indirect.gather [hbm4b:s10+s9], $0x10, s2, s9, $0xb8;
	[tilespmem:$0x4800] =	vst v63  }
0x2fa: {  	_ = 	snop  }
0x2fb: {  	[tilespmem:s7], [sflag:$0x1] =	stream.indirect.gather [hbm4b:s3+s9], $0x1, s2, s9, $0xb8;
	[tilespmem:$0x4800] =	vst v63  }
0x2fc: {  	_ =	swait.ge [sflag:s11], $0x4000  }
0x2fd: {  	[sflag:s11] =	ssyncset.done $0x0  }
0x2fe: {  	[sflag:s11] =	ssyncadd.s32 $0xFFFFC000  }
0x2ff: {  	_ =	swait.ge [sflag:s11], $0x400  }
0x300: {  	[sflag:s11] =	ssyncset.done $0x0  }
0x301: {  	[sflag:s11] =	ssyncadd.s32 $0xFFFFFC00  }
0x302: {  	[hbm4b:s20+s2] =	stream.linear.scatter [tilespmem:s9], [sflag:$0x2], $0x4000, $0x38;
	[tilespmem:$0x4800] =	vst v63  }
0x303: {  	_ =	swait.ge [sflag:s6], $0x4000  }
0x304: {  	[sflag:s6] =	ssyncset.done $0x0  }
0x305: {  	[sflag:s6] =	ssyncadd.s32 $0xFFFFC000  }
0x306: {  	[hbm4b:s22+s2] =	stream.linear.scatter [tilespmem:s7], [sflag:$0x2], $0x400, $0x38;
	[tilespmem:$0x4800] =	vst v63  }
0x307: {  	_ =	swait.ge [sflag:s6], $0x400  }
0x308: {  	[sflag:s6] =	ssyncset.done $0x0  }
0x309: {  	[sflag:s6] =	ssyncadd.s32 $0xFFFFFC00  }
0x30a: {  	[tilespmem:s2], [sflag:$0x2] =	stream.linear.gather [hbm4b:s21+s2], $0x400, $0x38;
	[tilespmem:$0x4800] =	vst v63  }
0x30b: {  	_ =	swait.ge [sflag:s6], $0x400  }
0x30c: {  	[sflag:s6] =	ssyncset.done $0x0  }
0x30d: {  	[sflag:s6] =	ssyncadd.s32 $0xFFFFFC00  }
0x30e: {  	[tilespmem:s9], [sflag:$0x1] =	stream.indirect.gather [hbm4b:s10+s9], $0x10, s2, s9, $0xb8;
	[tilespmem:$0x4800] =	vst v63  }
0x30f: {  	_ = 	snop  }
0x310: {  	[tilespmem:s7], [sflag:$0x1] =	stream.indirect.gather [hbm4b:s3+s9], $0x1, s2, s9, $0xb8;
	[tilespmem:$0x4800] =	vst v63  }
0x311: {  	_ =	swait.ge [sflag:s11], $0x4000  }
0x312: {  	[sflag:s11] =	ssyncset.done $0x0  }
0x313: {  	[sflag:s11] =	ssyncadd.s32 $0xFFFFC000  }
0x314: {  	_ =	swait.ge [sflag:s11], $0x400  }
0x315: {  	[sflag:s11] =	ssyncset.done $0x0  }
0x316: {  	[sflag:s11] =	ssyncadd.s32 $0xFFFFFC00  }
0x317: {  	[hbm4b:s17+s2] =	stream.linear.scatter [tilespmem:s9], [sflag:$0x2], $0x4000, $0x38;
	[tilespmem:$0x4800] =	vst v63  }
0x318: {  	_ =	swait.ge [sflag:s6], $0x4000  }
0x319: {  	[sflag:s6] =	ssyncset.done $0x0  }
0x31a: {  	[sflag:s6] =	ssyncadd.s32 $0xFFFFC000  }
0x31b: {  	[hbm4b:s19+s2] =	stream.linear.scatter [tilespmem:s7], [sflag:$0x2], $0x400, $0x38;
	[tilespmem:$0x4800] =	vst v63  }
0x31c: {  	_ =	swait.ge [sflag:s6], $0x400  }
0x31d: {  	[sflag:s6] =	ssyncset.done $0x0  }
0x31e: {  	[sflag:s6] =	ssyncadd.s32 $0xFFFFFC00  }
0x31f: {  	[tilespmem:s2], [sflag:$0x2] =	stream.linear.gather [hbm4b:s18+s2], $0x400, $0x38;
	[tilespmem:$0x4800] =	vst v63  }
0x320: {  	_ =	swait.ge [sflag:s6], $0x400  }
0x321: {  	[sflag:s6] =	ssyncset.done $0x0  }
0x322: {  	[sflag:s6] =	ssyncadd.s32 $0xFFFFFC00  }
0x323: {  	[tilespmem:s9], [sflag:$0x1] =	stream.indirect.gather [hbm4b:s10+s9], $0x10, s2, s9, $0xb8;
	[tilespmem:$0x4800] =	vst v63  }
0x324: {  	_ = 	snop  }
0x325: {  	[tilespmem:s7], [sflag:$0x1] =	stream.indirect.gather [hbm4b:s3+s9], $0x1, s2, s9, $0xb8;
	[tilespmem:$0x4800] =	vst v63  }
0x326: {  	_ =	swait.ge [sflag:s11], $0x4000  }
0x327: {  	[sflag:s11] =	ssyncset.done $0x0  }
0x328: {  	[sflag:s11] =	ssyncadd.s32 $0xFFFFC000  }
0x329: {  	_ =	swait.ge [sflag:s11], $0x400  }
0x32a: {  	[sflag:s11] =	ssyncset.done $0x0  }
0x32b: {  	[sflag:s11] =	ssyncadd.s32 $0xFFFFFC00  }
0x32c: {  	[hbm4b:s14+s2] =	stream.linear.scatter [tilespmem:s9], [sflag:$0x2], $0x4000, $0x38;
	[tilespmem:$0x4800] =	vst v63  }
0x32d: {  	_ =	swait.ge [sflag:s6], $0x4000  }
0x32e: {  	[sflag:s6] =	ssyncset.done $0x0  }
0x32f: {  	[sflag:s6] =	ssyncadd.s32 $0xFFFFC000  }
0x330: {  	[hbm4b:s16+s2] =	stream.linear.scatter [tilespmem:s7], [sflag:$0x2], $0x400, $0x38;
	[tilespmem:$0x4800] =	vst v63  }
0x331: {  	_ =	swait.ge [sflag:s6], $0x400  }
0x332: {  	[sflag:s6] =	ssyncset.done $0x0  }
0x333: {  	[sflag:s6] =	ssyncadd.s32 $0xFFFFFC00  }
0x334: {  	[tilespmem:s2], [sflag:$0x2] =	stream.linear.gather [hbm4b:s15+s2], $0x400, $0x38;
	[tilespmem:$0x4800] =	vst v63  }
0x335: {  	_ =	swait.ge [sflag:s6], $0x400  }
0x336: {  	[sflag:s6] =	ssyncset.done $0x0  }
0x337: {  	[sflag:s6] =	ssyncadd.s32 $0xFFFFFC00  }
0x338: {  	[tilespmem:s9], [sflag:$0x1] =	stream.indirect.gather [hbm4b:s10+s9], $0x10, s2, s9, $0xb8;
	[tilespmem:$0x4800] =	vst v63  }
0x339: {  	_ = 	snop  }
0x33a: {  	[tilespmem:s7], [sflag:$0x1] =	stream.indirect.gather [hbm4b:s3+s9], $0x1, s2, s9, $0xb8;
	[tilespmem:$0x4800] =	vst v63  }
0x33b: {  	_ =	swait.ge [sflag:s11], $0x4000  }
0x33c: {  	[sflag:s11] =	ssyncset.done $0x0  }
0x33d: {  	[sflag:s11] =	ssyncadd.s32 $0xFFFFC000  }
0x33e: {  	_ =	swait.ge [sflag:s11], $0x400  }
0x33f: {  	[sflag:s11] =	ssyncset.done $0x0  }
0x340: {  	[sflag:s11] =	ssyncadd.s32 $0xFFFFFC00  }
0x341: {  	[hbm4b:s8+s2] =	stream.linear.scatter [tilespmem:s9], [sflag:$0x2], $0x4000, $0x38;
	[tilespmem:$0x4800] =	vst v63  }
0x342: {  	_ =	swait.ge [sflag:s6], $0x4000  }
0x343: {  	[sflag:s6] =	ssyncset.done $0x0  }
0x344: {  	[sflag:s6] =	ssyncadd.s32 $0xFFFFC000  }
0x345: {  	[hbm4b:s13+s2] =	stream.linear.scatter [tilespmem:s7], [sflag:$0x2], $0x400, $0x38;
	[tilespmem:$0x4800] =	vst v63  }
0x346: {  	_ =	swait.ge [sflag:s6], $0x400  }
0x347: {  	[sflag:s6] =	ssyncset.done $0x0  }
0x348: {  	[sflag:s6] =	ssyncadd.s32 $0xFFFFFC00  }
0x349: {  	[tilespmem:s2], [sflag:$0x2] =	stream.linear.gather [hbm4b:s12+s2], $0x400, $0x38;
	[tilespmem:$0x4800] =	vst v63  }
0x34a: {  	_ =	swait.ge [sflag:s6], $0x400  }
0x34b: {  	[sflag:s6] =	ssyncset.done $0x0  }
0x34c: {  	[sflag:s6] =	ssyncadd.s32 $0xFFFFFC00  }
0x34d: {  	[tilespmem:s9], [sflag:$0x1] =	stream.indirect.gather [hbm4b:s10+s9], $0x10, s2, s9, $0xb8;
	[tilespmem:$0x4800] =	vst v63  }
0x34e: {  	_ = 	snop  }
0x34f: {  	[tilespmem:s7], [sflag:$0x1] =	stream.indirect.gather [hbm4b:s3+s9], $0x1, s2, s9, $0xb8;
	[tilespmem:$0x4800] =	vst v63  }
0x350: {  	_ =	swait.ge [sflag:s11], $0x4000  }
0x351: {  	[sflag:s11] =	ssyncset.done $0x0  }
0x352: {  	[sflag:s11] =	ssyncadd.s32 $0xFFFFC000  }
0x353: {  	_ =	swait.ge [sflag:s11], $0x400  }
0x354: {  	[sflag:s11] =	ssyncset.done $0x0  }
0x355: {  	[sflag:s11] =	ssyncadd.s32 $0xFFFFFC00  }
0x356: {  	[hbm4b:s4+s2] =	stream.linear.scatter [tilespmem:s9], [sflag:$0x2], $0x4000, $0x38;
	[tilespmem:$0x4800] =	vst v63  }
0x357: {  	_ =	swait.ge [sflag:s6], $0x4000  }
0x358: {  	[sflag:s6] =	ssyncset.done $0x0  }
0x359: {  	[sflag:s6] =	ssyncadd.s32 $0xFFFFC000  }
0x35a: {  	[hbm4b:s5+s2] =	stream.linear.scatter [tilespmem:s7], [sflag:$0x2], $0x400, $0x38;
	[tilespmem:$0x4800] =	vst v63  }
0x35b: {  	_ =	swait.ge [sflag:s6], $0x400  }
0x35c: {  	[sflag:s6] =	ssyncset.done $0x0  }
0x35d: {  	[sflag:s6] =	ssyncadd.s32 $0xFFFFFC00  }
0x35e: {  	_ =	sfence.sel $0x180000  }
0x35f: {  	[bflag:$0x0] =	sbarrier.arrive $0xFFFF  }
0x360: {  	_ =	strace $0x9000004D  }
0x361: {  	s31 =	stileid.u32;
	[bflag:$0x2] =	sbarrier.arrive $0xFFFF  }
0x362: {  	p0 =	sne.s32 s31, $0x0;
	s0 =	rddreg [dreg:$0x2]  }
0x363: {  	s0 =	sadd.s32 @!p0 $0x100000, s0  }
0x364: {  	[sflag:s0] =	ssyncadd.tile.s32 @!p0 $0x1;
	_ =	shalt  }
.Lfunc_end2:
_tile_overlayer_lowered:
.L_overlay_start_2:
0x365: {  	(tag) =	ssettag $0x2  }
0x366: {  	s0 =	rddreg [dreg:$0x0];
	s2 =	stileid.u32  }
0x367: {  	s1 =	rddreg [dreg:$0x1];
	p0 =	sne.s32 s2, $0x0  }
0x368: {  	s3 =	rddreg [dreg:$0x2];
	[bflag:$0x3] =	sbarrier.arrive $0xFFFF;
	s2 =	simm.s32 @!p0 $0x1C02  }
0x369: {  	[timem:s3], [sflag:s2] =	dma.local @!p0 [hbm:s0], s1  }
0x36a: {  	s0 =	simm.s32 @!p0 $0x2  }
0x36b: {  	_ =	swait.ge @!p0 [sflag:s0], s1  }
0x36c: {  	s1 =	ssub.s32 @!p0 $0x0, s1;
	[sflag:s0] =	ssyncset.done @!p0 $0x0  }
0x36d: {  	[sflag:s0] =	ssyncadd.s32 @!p0 s1  }
0x36e: {  	[bflag:$0x3] =	sbarrier.arrive $0xFFFF  }
0x36f: {  	_ =	shalt  }

// kernel: sparse-core-data-format-call.1.cloned.1.call-start
scs
called_computation.1_lowered:
.L_overlay_start_0:
0x0: {  	s1 =	sld [smem:$0x3FD9]  }
0x1: {  	s2 =	sld [smem:$0x3FFE];
	_ =	sdelay $0x1  }
0x2: {  	s3 =	srdreg.scid  }
0x3: {  	s0 =	sand.u32 $0x1, s3  }
0x4: {  	s17 =	sshll.u32 s0, $0xA;
	s1 =	sadd.s32 s2, s1  }
0x5: {  	s1 =	sadd.s32 s1, s17  }
0x6: {  	[smem:$0x3FC5] =	sst s1  }
0x7: {  	_ = 	snop  }
0x8: {  	(tm) =	ssettm $0x1  }
0x9: {  	s18 =	sld [smem:$0x3FFB];
	_ =	sdelay $0x3  }
0xa: {  	_ =	strace s18  }
0xb: {  	s1 =	sld [smem:$0x3FFC];
	_ =	sdelay $0x3  }
0xc: {  	_ =	strace s1  }
0xd: {  	s1 =	sld [smem:$0x3FFD];
	_ =	sdelay $0x3  }
0xe: {  	_ =	strace s1  }
0xf: {  	_ =	strace $0x8FFFFFFF  }
0x10: {  	s19 =	sld [smem:$0x3FDB];
	_ =	sdelay $0x1  }
0x11: {  	s20 =	simm.s32 $_scs_section_size  }
0x12: {  	s4 =	simm.s32 $_size__tile_overlayer_lowered;
	s5 =	simm.s32 $_tile_overlayer_lowered  }
0x13: {  	s23 =	simm.s32 $0x1BFF;
	s22 =	sshll.u32 s5, $0x1;
	s1 =	sadd.s32 s20, s19  }
0x14: {  	s6 =	simm.s32 $0x0;
	s21 =	sshll.u32 s4, $0x1;
	s4 =	sadd.s32 s22, s1  }
0x15: {  	[timem:s6], [sflag:s23] =	dma.local [hbm:s4], s21  }
0x16: {  	_ =	swait.ge [sflag:s23], s21  }
0x17: {  	s2 =	ssub.s32 $0x0, s21;
	[sflag:s23] =	ssyncset.done $0x0  }
0x18: {  	[sflag:s23] =	ssyncadd.s32 s2;
	_ =	sdelay $0x1  }
0x19: {  	s24 =	simm.s32 $0x1B8B  }
0x1a: {  	_ =	swait.ge [sflag:s24], $0x1  }
0x1b: {  	[sflag:s24] =	ssyncset.done $0x0  }
0x1c: {  	s26 =	simm.s32 $0x1B8E;
	s25 =	sld [smem:$0x3FFE];
	[sflag:s24] =	ssyncadd.s32 $0xFFFFFFFF  }
0x1d: {  	s27 =	simm.s32 $execute0_lowered;
	[smem:$0x3FD2] =	sst s26  }
0x1e: {  	s4 =	sshll.u32 s27, $0x1;
	_ =	strace $0x80000046;
	[dreg:$0x1] =	wrdreg $0xFFFFFFFF  }
0x1f: {  	s28 =	simm.s32 $_size_execute0_lowered;
	s1 =	sadd.s32 s1, s4;
	[dreg:$0x0] =	wrdreg $0x0  }
0x20: {  	s4 =	sshll.u32 s28, $0x1;
	[dreg:$0x2] =	wrdreg s1  }
0x21: {  	[dreg:$0x3] =	wrdreg s4  }
0x22: {  	[dreg:$0x4] =	wrdreg $0xC0  }
0x23: {  	_ =	task [dreg:s6], $0x5FFFF  }
0x24: {  	[dreg:$0x1] =	wrdreg $0xFFFFFFFF  }
0x25: {  	[dreg:$0x0] =	wrdreg $0x60  }
0x26: {  	[dreg:$0x2] =	wrdreg s25  }
0x27: {  	[dreg:$0x3] =	wrdreg $0x9  }
0x28: {  	_ =	task.clear_ibuf [dreg:s6], $0x4FFFF;
	_ =	strace $0x90000046  }
0x29: {  	s29 =	simm.s32 $0x9;
	_ =	strace $0x80000048  }
0x2a: {  	_ =	swait.ge [sflag:s29], $0x1  }
0x2b: {  	[sflag:s29] =	ssyncadd.s32 $0xFFFFFFFF  }
0x2c: {  	_ =	strace $0x90000048  }
0x2d: {  	_ =	sfence  }
0x2e: {  	s30 =	sld [smem:$0x0];
	_ =	sdelay $0x2  }
0x2f: {  	s31 =	sshll.u32 s3, $0xD;
	s3 =	sshrl.u32 s3, $0x2  }
0x30: {  	s2 =	sand.u32 $0x4000, s31;
	s1 =	sadd.s32 s3, s30  }
0x31: {  	s0 =	sor.u32 s2, s0;
	s1 =	sshll.u32 s1, $0x11  }
0x32: {  	s0 =	sor.u32 s1, s0  }
0x33: {  	s0 =	sadd.s32 $0x8F2B, s0  }
0x34: {  	[sflag:s0] =	ssyncadd.remote.s32 $0x1  }
0x35: {  	_ =	sfence.sel $0xFFFF  }
0x36: {  	[dreg:$0x0] =	wrdreg $0xFFFFFFFF;
	(pc) =	sbr.abs _section_cstart, $3  }
0x37: {  	[dreg:$0x1] =	wrdreg $0xFFFFFFFF  }
0x38: {  	_ =	task.clear_ibuf [dreg:s6], $0x2FFFF;
	_ =	strace $0x9FFFFFFF  }
0x39: {  	(tm) =	ssettm $0x7FFFFFFF  }
tec
execute0_lowered:
.L_overlay_start_1:
0x0: {  	(tag) =	ssettag $0x1  }
0x1: {  	s0 =	srdreg.scid  }
0x2: {  	s4 =	rddreg [dreg:$0x0];
	s1 =	stileid.u32  }
0x3: {  	s5 =	simm.s32 $0x1;
	s7 =	simm.s32 $0x2;
	s0 =	sshll.u32 s0, $0x4  }
0x4: {  	s8 =	simm.s32 $0x0;
	s12 =	simm.s32 $0x0;
	s2 =	sand.u32 $0x10, s0  }
.Ltmp0:
0x5: {  	s10 =	simm.s32 $0x0;
	s3 =	sor.u32 s1, s2;
	(pc) =	sbr.rel .LBB1_1-.Ltmp0, $4  }
0x6: {  	s11 =	simm.s32 $0x0;
	s0 =	rddreg [dreg:$0x1];
	s3 =	sshll.u32 s3, $0x3  }
0x7: {  	_ =	strace $0x80000047;
	s2 =	sadd.s32 $0x1800, s4;
	s6 =	ssub.s32 $0x3D08, s3  }
0x8: {  	s4 =	sadd.s32 $0x1E9E00, s4;
	[sflag:s5] =	ssyncpa.u1 $0x0;
	s6 =	sshrl.u32 s6, $0x8  }
0x9: {  	[sflag:s7] =	ssyncpa.u1 $0x0;
	s9 =	smov.u32 s3;
	s7 =	sor.u32 $0x2, s6  }
.LBB1_9:
0xa: {  	s14 =	sshll.u32 s10, $0x7  }
0xb: {  	s14 =	sadd.s32 s4, s14  }
0xc: {  	[hbm4b:s14+s8] =	stream.linear.scatter [tilespmem:s15], [sflag:$0x2], s13, $0x38;
	[tilespmem:$0x8000] =	vst v63  }
.LBB1_10:
0xd: {  	p0 =	slt.u32 s11, $0x2  }
0xe: {  	p1 =	sgt.s32 @!p0 s12, $0x3D01  }
0xf: {  	s13 =	smov.u32 s12;
	s14 =	sshra.s32 @!p0 s12, $0x1F;
	p1 =	por !p1, p0  }
0x10: {  	s12 =	sand.u32 @!p0 s14, s12;
	s13 =	simm.s32 @p1 $0x3D01  }
0x11: {  	s12 =	ssub.s32 @!p0 s13, s12  }
0x12: {  	s12 =	sadd.s32 @!p0 $0xFFFFC2FF, s12  }
0x13: {  	s13 =	sshll.u32 @!p0 s12, $0xC  }
0x14: {  	p1 =	sgt.s32 @!p0 s12, $0x7;
	s12 =	ssub.s32 @!p0 $0x8000, s13  }
0x15: {  	s14 =	sadd.s32 $0x100, s9;
	p1 =	por !p1, p0;
	s12 =	sshrl.u32 @!p0 s12, $0x2  }
0x16: {  	s12 =	simm.s32 @!p1 $0x0;
	p1 =	sgt.s32 s14, $0x3D08  }
0x17: {  	s14 =	smov.u32 @p1 s3;
	p1 =	sne.s32 s11, s7  }
.Ltmp1:
0x18: {  	_ = 	snop;
	(pc) =	sbr.rel @!p1 .LBB1_11-.Ltmp1, $4  }
0x19: {  	s13 =	simm.s32 @!p0 $0x2  }
0x1a: {  	_ =	swait.ge @!p0 [sflag:s13], s12;
	s15 =	ssub.s32 @!p0 $0x0, s12  }
0x1b: {  	s12 =	smov.u32 s10;
	s11 =	sadd.s32 $0x1, s11;
	[sflag:s13] =	ssyncset.done @!p0 $0x0  }
0x1c: {  	s10 =	smov.u32 s9;
	s9 =	smov.u32 s14;
	[sflag:s13] =	ssyncadd.s32 @!p0 s15  }
.LBB1_1:
0x1d: {  	p0 =	sgt.u32 s11, s6  }
0x1e: {  	p1 =	sgt.s32 @!p0 s9, $0x3D01  }
0x1f: {  	s13 =	smov.u32 s9;
	s14 =	sshra.s32 @!p0 s9, $0x1F;
	p1 =	por !p1, p0  }
0x20: {  	s14 =	sand.u32 @!p0 s14, s9;
	s13 =	simm.s32 @p1 $0x3D01  }
0x21: {  	s13 =	ssub.s32 @!p0 s13, s14  }
0x22: {  	s13 =	sadd.s32 @!p0 $0xFFFFC2FF, s13  }
0x23: {  	s15 =	sshll.u32 @!p0 s9, $0x7;
	s16 =	simm.s32 @!p0 $0x0;
	s14 =	sshll.u32 @!p0 s13, $0xC  }
0x24: {  	p1 =	sgt.s32 @!p0 s13, $0x7;
	s13 =	ssub.s32 @!p0 $0x8000, s14;
	s14 =	sxor.u32 @!p0 $0xFFFFFFFF, s11  }
0x25: {  	p1 =	por !p1, p0;
	s13 =	sshrl.u32 @!p0 s13, $0x2;
	s14 =	sshll.u32 @!p0 s14, $0xD  }
0x26: {  	s15 =	sadd.s32 @!p0 s2, s15;
	s13 =	simm.s32 @!p1 $0x0;
	s14 =	sand.u32 @!p0 $0x2000, s14  }
0x27: {  	[tilespmem:s14], [sflag:$0x1] =	stream.linear.gather @!p0 [hbm4b:s15+s16], s13, $0x38;
	[tilespmem:$0x8000] =	vst v63  }
0x28: {  	p0 =	seq.s32 s11, $0x0  }
0x29: {  	p1 =	sge.u32 @!p0 s11, s7  }
0x2a: {  	p0 =	por p0, p1  }
.Ltmp2:
0x2b: {  	_ = 	snop;
	(pc) =	sbr.rel @p0 .LBB1_10-.Ltmp2, $1  }
0x2c: {  	_ =	sdelay $0x3  }
0x2d: {  	p0 =	sgt.s32 s10, $0x3D01;
	s13 =	smov.u32 s10;
	s14 =	sshra.s32 s10, $0x1F  }
0x2e: {  	s13 =	simm.s32 @!p0 $0x3D01;
	s14 =	sand.u32 s14, s10  }
0x2f: {  	s13 =	ssub.s32 s13, s14  }
0x30: {  	s13 =	sadd.s32 $0xFFFFC2FF, s13  }
0x31: {  	s31 =	sshll.u32 s13, $0xC  }
0x32: {  	s14 =	ssub.s32 $0x8000, s31  }
0x33: {  	p0 =	sgt.s32 s13, $0x7;
	s13 =	sshrl.u32 s14, $0x2;
	s14 =	sadd.s32 $0x8, s10  }
0x34: {  	s13 =	simm.s32 @p0 $0x0;
	p0 =	slt.s32 s14, $0x3D09  }
0x35: {  	s14 =	simm.s32 @!p0 $0x3D09  }
0x36: {  	s14 =	ssub.s32 s14, s10  }
0x37: {  	p0 =	slt.s32 s14, $0x1  }
.Ltmp3:
0x38: {  	_ = 	snop;
	(pc) =	sbr.rel @p0 .LBB1_9-.Ltmp3, $4  }
0x39: {  	s16 =	sshll.u32 s11, $0xF  }
0x3a: {  	s16 =	sand.u32 $0x8000, s16;
	_ =	swait.ge [sflag:s5], s13  }
0x3b: {  	s16 =	sshrl.u32 s16, $0x2;
	s15 =	ssub.s32 $0x0, s13;
	[sflag:s5] =	ssyncset.done $0x0  }
0x3c: {  	[sflag:s5] =	ssyncadd.s32 s15;
	s15 =	sor.u32 $0x4000, s16  }
0x3d: {  	s17 =	simm.s32 $0x0  }
.LBB1_4:
0x3e: {  	s18 =	sshll.u32 s17, $0xC  }
0x3f: {  	s18 =	sshra.s32 s18, $0x2  }
0x40: {  	s19 =	sadd.s32 s18, s16  }
0x41: {  	s20 =	sadd.s32 $0x100, s19;
	v0 =	vmov s19  }
0x42: {  	s21 =	sadd.s32 $0x200, s19;
	v1 =	vmov s20  }
0x43: {  	s22 =	sadd.s32 $0x300, s19;
	v2 =	vmov s21  }
0x44: {  	p1 =	por $0x1, $0x1;
	s18 =	sadd.s32 s18, s15;
	v3 =	vmov s22;
	s20 =	simm.s32 $0x0  }
.LBB1_5:
0x45: {  	s19 =	sshll.u32 s20, $0x7  }
0x46: {  	s21 =	sand.u32 $0x3FFFFF80, s19  }
0x47: {  	p0 =	por p1, p1;
	s21 =	sadd.s32 s21, s18  }
0x48: {  	s22 =	sadd.s32 $0x80, s21;
	s23 =	sadd.s32 $0x100, s21;
	s24 =	sadd.s32 $0x180, s21;
	v4 =	vmov s21  }
0x49: {  	s20 =	sshll.u32 s20, $0x5;
	p1 =	por $0x1, $0x1;
	s21 =	simm.s32 $0x0;
	v5 =	vmov s22;
	v6 =	vmov s23;
	v7 =	vmov s24  }
.LBB1_6:
0x4a: {  	s22 =	sor.u32 s20, s21  }
0x4b: {  	v8 =	vld.idx.msk [tilespmem:v0+s22+$0x0 ss:$0x1], $0xffff  }
0x4c: {  	v9 =	vld.idx.msk [tilespmem:v1+s22+$0x0 ss:$0x1], $0xffff  }
0x4d: {  	v10 =	vld.idx.msk [tilespmem:v2+s22+$0x0 ss:$0x1], $0xffff;
	_ =	sdelay $0x1  }
0x4e: {  	v13 =	vld.idx.msk [tilespmem:v3+s22+$0x0 ss:$0x1], $0xffff  }
0x4f: {  	v24 =	vld.idx.msk [tilespmem:v0+s22+$0x10 ss:$0x1], $0xffff;
	v11 =	vshrl.u32 v8, $0x10;
	v12 =	vshrl.u32 v8, $0x8;
	v14 =	vshrl.u32 v8, $0x18  }
0x50: {  	v38 =	vld.idx.msk [tilespmem:v1+s22+$0x10 ss:$0x1], $0xffff;
	v8 =	vand.u32 $0xFF, v8;
	v15 =	vshrl.u32 v9, $0x10;
	v16 =	vshrl.u32 v9, $0x8  }
0x51: {  	v43 =	vld.idx.msk [tilespmem:v2+s22+$0x10 ss:$0x1], $0xffff;
	v17 =	vshrl.u32 v9, $0x18;
	v9 =	vand.u32 $0xFF, v9;
	v18 =	vshrl.u32 v10, $0x10  }
0x52: {  	v46 =	vld.idx.msk [tilespmem:v3+s22+$0x10 ss:$0x1], $0xffff;
	v19 =	vshrl.u32 v10, $0x8;
	v20 =	vshrl.u32 v10, $0x18;
	v10 =	vand.u32 $0xFF, v10  }
0x53: {  	v21 =	vshrl.u32 v13, $0x18;
	v22 =	vshrl.u32 v13, $0x10;
	v23 =	vshrl.u32 v13, $0x8  }
0x54: {  	v13 =	vand.u32 $0xFF, v13;
	v44 =	vshrl.u32 v24, $0x10;
	v45 =	vshrl.u32 v24, $0x8  }
0x55: {  	v47 =	vshrl.u32 v24, $0x18;
	v48 =	vand.u32 $0xFF, v24;
	v49 =	vshrl.u32 v38, $0x10  }
0x56: {  	v50 =	vshrl.u32 v38, $0x8;
	v51 =	vshrl.u32 v38, $0x18;
	v52 =	vshrl.u32 v43, $0x10  }
0x57: {  	v53 =	vshrl.u32 v43, $0x8;
	v54 =	vshrl.u32 v43, $0x18;
	v25 =	vshrl.u32 v46, $0x10  }
0x58: {  	v26 =	vand.u32 $0xFF, v46;
	v55 =	vshrl.u32 v46, $0x8;
	v11 =	vand.u32 $0xFF, v11  }
0x59: {  	v12 =	vand.u32 $0xFF, v12;
	v15 =	vand.u32 $0xFF, v15;
	v16 =	vand.u32 $0xFF, v16  }
0x5a: {  	v18 =	vand.u32 $0xFF, v18;
	v19 =	vand.u32 $0xFF, v19;
	v22 =	vand.u32 $0xFF, v22  }
0x5b: {  	v23 =	vand.u32 $0xFF, v23;
	v8 =	vpack.i.b32.b16 v10, v8;
	v9 =	vpack.i.b32.b16 v13, v9  }
0x5c: {  	s23 =	sshll.u32 s21, $0x2;
	v41 =	vpack.i.b32.b16 v20, v14;
	v42 =	vpack.i.b32.b16 v21, v17;
	v13 =	vand.u32 $0xFF, v44  }
0x5d: {  	s21 =	sor.u32 $0x80, s23;
	v20 =	vand.u32 $0xFF, v50;
	v14 =	vand.u32 $0xFF, v43;
	v25 =	vand.u32 $0xFF, v25  }
0x5e: {  	s31 =	sor.u32 s19, s21;
	v62 =	vpack.i.b32.b16 v54, v47;
	v8 =	vpack.i.b16.b8 v9, v8;
	v36 =	vpack.i.b32.b16 v19, v12  }
0x5f: {  	s22 =	sshra.s32 s31, $0x2;
	v37 =	vpack.i.b32.b16 v23, v16;
	v39 =	vpack.i.b32.b16 v18, v11;
	v40 =	vpack.i.b32.b16 v22, v15  }
0x60: {  	v56 =	vld.idx.msk [tilespmem:v0+s22+$0x0 ss:$0x1], $0xffff;
	v11 =	vpack.i.b16.b8 v42, v41;
	v15 =	vand.u32 $0xFF, v45;
	v19 =	vand.u32 $0xFF, v49  }
0x61: {  	v59 =	vld.idx.msk [tilespmem:v1+s22+$0x0 ss:$0x1], $0xffff;
	v12 =	vand.u32 $0xFF, v38;
	v22 =	vand.u32 $0xFF, v52;
	v23 =	vand.u32 $0xFF, v53  }
0x62: {  	v61 =	vld.idx.msk [tilespmem:v2+s22+$0x0 ss:$0x1], $0xffff;
	v14 =	vpack.i.b32.b16 v14, v48;
	v16 =	vshrl.u32 v46, $0x18;
	v18 =	vand.u32 $0xFF, v55  }
0x63: {  	v63 =	vld.idx.msk [tilespmem:v3+s22+$0x0 ss:$0x1], $0xffff;
	v9 =	vpack.i.b16.b8 v37, v36;
	v10 =	vpack.i.b16.b8 v40, v39;
	v12 =	vpack.i.b32.b16 v26, v12  }
0x64: {  	v57 =	vpack.i.b32.b16 v23, v15;
	v58 =	vpack.i.b32.b16 v18, v20;
	v13 =	vpack.i.b32.b16 v22, v13  }
0x65: {  	v60 =	vpack.i.b32.b16 v25, v19;
	v16 =	vpack.i.b32.b16 v16, v51;
	v25 =	vshrl.u32 v56, $0x10  }
0x66: {  	v27 =	vshrl.u32 v56, $0x8;
	v28 =	vshrl.u32 v56, $0x18;
	v29 =	vand.u32 $0xFF, v56  }
0x67: {  	v30 =	vshrl.u32 v59, $0x18;
	v31 =	vshrl.u32 v59, $0x10;
	v32 =	vshrl.u32 v59, $0x8  }
0x68: {  	s23 =	sshra.s32 s23, $0x2;
	v33 =	vand.u32 $0xFF, v61;
	v18 =	vand.u32 $0xFF, v59;
	v34 =	vand.u32 $0xFF, v63  }
0x69: {  	v35 =	vshrl.u32 v61, $0x10;
	[tilespmem:v4+s23+$0x0 ss:$0x1] =	vst.idx.msk $0xffff, v8;
	v8 =	vshrl.u32 v61, $0x18;
	v19 =	vshrl.u32 v61, $0x8  }
0x6a: {  	v37 =	vshrl.u32 v63, $0x8;
	v39 =	vshrl.u32 v63, $0x10;
	v40 =	vshrl.u32 v63, $0x18  }
0x6b: {  	v12 =	vpack.i.b16.b8 v12, v14;
	v14 =	vpack.i.b16.b8 v58, v57;
	v13 =	vpack.i.b16.b8 v60, v13  }
0x6c: {  	v15 =	vpack.i.b16.b8 v16, v62;
	v16 =	vand.u32 $0xFF, v25;
	v20 =	vand.u32 $0xFF, v27  }
0x6d: {  	[tilespmem:v7+s23+$0x0 ss:$0x1] =	vst.idx.msk $0xffff, v11;
	v24 =	vand.u32 $0xFF, v31;
	v22 =	vpack.i.b32.b16 v33, v29;
	v25 =	vand.u32 $0xFF, v32  }
0x6e: {  	v43 =	vld.idx.msk [tilespmem:v2+s22+$0x10 ss:$0x1], $0xffff;
	v18 =	vpack.i.b32.b16 v34, v18;
	v26 =	vand.u32 $0xFF, v35;
	[tilespmem:v5+s23+$0x0 ss:$0x1] =	vst.idx.msk $0xffff, v9;
	v36 =	vand.u32 $0xFF, v19  }
0x6f: {  	v38 =	vld.idx.msk [tilespmem:v0+s22+$0x10 ss:$0x1], $0xffff;
	[tilespmem:v6+s23+$0x0 ss:$0x1] =	vst.idx.msk $0xffff, v10;
	v19 =	vand.u32 $0xFF, v37;
	v10 =	vand.u32 $0xFF, v39;
	v8 =	vpack.i.b32.b16 v8, v28  }
0x70: {  	v42 =	vld.idx.msk [tilespmem:v1+s22+$0x10 ss:$0x1], $0xffff;
	v11 =	vpack.i.b32.b16 v40, v30;
	v18 =	vpack.i.b16.b8 v18, v22;
	v9 =	vpack.i.b32.b16 v36, v20  }
0x71: {  	v41 =	vpack.i.b32.b16 v19, v25;
	v16 =	vpack.i.b32.b16 v26, v16;
	v10 =	vpack.i.b32.b16 v10, v24  }
0x72: {  	v46 =	vld.idx.msk [tilespmem:v3+s22+$0x10 ss:$0x1], $0xffff;
	v8 =	vpack.i.b16.b8 v11, v8;
	v9 =	vpack.i.b16.b8 v41, v9;
	v10 =	vpack.i.b16.b8 v10, v16  }
0x73: {  	v53 =	vshrl.u32 v43, $0x18;
	v54 =	vshrl.u32 v43, $0x8;
	v55 =	vshrl.u32 v43, $0x10  }
0x74: {  	[tilespmem:v4+s23+$0x10 ss:$0x1] =	vst.idx.msk $0xffff, v12;
	v16 =	vand.u32 $0xFF, v43;
	v44 =	vshrl.u32 v38, $0x10;
	v45 =	vshrl.u32 v38, $0x8  }
0x75: {  	[tilespmem:v5+s23+$0x10 ss:$0x1] =	vst.idx.msk $0xffff, v14;
	v47 =	vshrl.u32 v38, $0x18;
	v48 =	vand.u32 $0xFF, v38;
	v49 =	vshrl.u32 v42, $0x10  }
0x76: {  	[tilespmem:v6+s23+$0x10 ss:$0x1] =	vst.idx.msk $0xffff, v13;
	v50 =	vshrl.u32 v42, $0x8;
	v51 =	vshrl.u32 v42, $0x18;
	v52 =	vand.u32 $0xFF, v42  }
0x77: {  	s21 =	sshrl.u32 s21, $0x2;
	[tilespmem:v7+s23+$0x10 ss:$0x1] =	vst.idx.msk $0xffff, v15;
	v22 =	vand.u32 $0xFF, v54;
	v56 =	vshrl.u32 v46, $0x10;
	v57 =	vshrl.u32 v46, $0x8  }
0x78: {  	[tilespmem:v5+s21+$0x0 ss:$0x1] =	vst.idx.msk $0xffff, v9;
	v58 =	vand.u32 $0xFF, v46;
	v9 =	vand.u32 $0xFF, v55;
	v11 =	vand.u32 $0xFF, v44  }
0x79: {  	[tilespmem:v4+s21+$0x0 ss:$0x1] =	vst.idx.msk $0xffff, v18;
	v12 =	vand.u32 $0xFF, v45;
	v20 =	vand.u32 $0xFF, v49;
	v21 =	vand.u32 $0xFF, v50  }
0x7a: {  	[tilespmem:v7+s21+$0x0 ss:$0x1] =	vst.idx.msk $0xffff, v8;
	v8 =	vand.u32 $0xFF, v57;
	v13 =	vpack.i.b32.b16 v16, v48;
	v59 =	vpack.i.b32.b16 v58, v52  }
0x7b: {  	p2 =	por p1, p1;
	[tilespmem:v6+s21+$0x0 ss:$0x1] =	vst.idx.msk $0xffff, v10;
	v10 =	vand.u32 $0xFF, v56;
	v12 =	vpack.i.b32.b16 v22, v12;
	v8 =	vpack.i.b32.b16 v8, v21  }
.Ltmp4:
0x7c: {  	v62 =	vpack.i.b32.b16 v53, v47;
	v13 =	vpack.i.b16.b8 v59, v13;
	v8 =	vpack.i.b16.b8 v8, v12;
	(pc) =	sbr.rel @p2 .LBB1_6-.Ltmp4, $4  }
0x7d: {  	v60 =	vshrl.u32 v46, $0x18;
	v61 =	vpack.i.b32.b16 v10, v20;
	[tilespmem:v5+s21+$0x10 ss:$0x1] =	vst.idx.msk $0xffff, v8;
	v8 =	vpack.i.b32.b16 v9, v11  }
0x7e: {  	v63 =	vpack.i.b32.b16 v60, v51;
	[tilespmem:v4+s21+$0x10 ss:$0x1] =	vst.idx.msk $0xffff, v13;
	v8 =	vpack.i.b16.b8 v61, v8  }
0x7f: {  	[tilespmem:v6+s21+$0x10 ss:$0x1] =	vst.idx.msk $0xffff, v8;
	v8 =	vpack.i.b16.b8 v63, v62  }
0x80: {  	p1 =	por $0x0, $0x0;
	[tilespmem:v7+s21+$0x10 ss:$0x1] =	vst.idx.msk $0xffff, v8;
	s21 =	simm.s32 $0x40  }
.Ltmp5:
0x81: {  	(pc) =	sbr.rel @p0 .LBB1_5-.Ltmp5, $2  }
0x82: {  	_ =	sdelay $0x2  }
0x83: {  	s20 =	simm.s32 $0x4;
	p1 =	por $0x0, $0x0  }
0x84: {  	s17 =	sadd.s32 $0x1, s17  }
0x85: {  	p0 =	sne.s32 s17, s14  }
.Ltmp6:
0x86: {  	_ = 	snop;
	(pc) =	sbr.rel @p0 .LBB1_4-.Ltmp6, $4  }
.Ltmp7:
0x87: {  	_ = 	snop;
	(pc) =	sbr.rel @!p0 .LBB1_9-.Ltmp7, $4  }
0x88: {  	_ = 	snop  }
0x89: {  	_ = 	snop  }
0x8a: {  	_ = 	snop  }
0x8b: {  	_ = 	snop  }
.LBB1_11:
0x8c: {  	_ =	sfence.sel $0x180000  }
0x8d: {  	s2 =	simm.s32 $0x1;
	[bflag:$0x0] =	sbarrier.arrive $0xFFFF  }
0x8e: {  	s31 =	simm.s32 $0x2;
	[sflag:s2] =	ssyncpa.u1 $0x1  }
0x8f: {  	[sflag:s31] =	ssyncpa.u1 $0x1  }
0x90: {  	p0 =	sne.s32 s1, $0x0;
	_ =	strace $0x90000047  }
0x91: {  	s0 =	sadd.s32 @!p0 $0x100000, s0;
	[bflag:$0x2] =	sbarrier.arrive $0xFFFF  }
0x92: {  	[sflag:s0] =	ssyncadd.tile.s32 @!p0 $0x1;
	_ =	shalt  }
.Lfunc_end1:
_tile_overlayer_lowered:
.L_overlay_start_2:
0x93: {  	(tag) =	ssettag $0x2  }
0x94: {  	s0 =	rddreg [dreg:$0x0];
	s2 =	stileid.u32  }
0x95: {  	s1 =	rddreg [dreg:$0x1];
	p0 =	sne.s32 s2, $0x0  }
0x96: {  	s3 =	rddreg [dreg:$0x2];
	[bflag:$0x3] =	sbarrier.arrive $0xFFFF;
	s2 =	simm.s32 @!p0 $0x1C01  }
0x97: {  	[timem:s3], [sflag:s2] =	dma.local @!p0 [hbm:s0], s1  }
0x98: {  	s0 =	simm.s32 @!p0 $0x1  }
0x99: {  	_ =	swait.ge @!p0 [sflag:s0], s1  }
0x9a: {  	s1 =	ssub.s32 @!p0 $0x0, s1;
	[sflag:s0] =	ssyncset.done @!p0 $0x0  }
0x9b: {  	[sflag:s0] =	ssyncadd.s32 @!p0 s1  }
0x9c: {  	[bflag:$0x3] =	sbarrier.arrive $0xFFFF  }
0x9d: {  	_ =	shalt  }

// kernel: sparse-core-data-format-call.cloned.1.call-start
scs
called_computation_lowered:
.L_overlay_start_0:
0x0: {  	s2 =	sld [smem:$0x3FD9]  }
0x1: {  	s3 =	sld [smem:$0x3FFE];
	_ =	sdelay $0x1  }
0x2: {  	s1 =	srdreg.scid  }
0x3: {  	s0 =	sand.u32 $0x1, s1  }
0x4: {  	s18 =	sshll.u32 s0, $0xA;
	s2 =	sadd.s32 s3, s2  }
0x5: {  	s2 =	sadd.s32 s2, s18  }
0x6: {  	[smem:$0x3FC5] =	sst s2  }
0x7: {  	_ = 	snop  }
0x8: {  	s2 =	sld [smem:$0x3FD0];
	(tm) =	ssettm $0x1  }
0x9: {  	s19 =	sld [smem:$0x3FFB];
	_ =	sdelay $0x3  }
0xa: {  	_ =	strace s19  }
0xb: {  	s3 =	sld [smem:$0x3FFC];
	_ =	sdelay $0x3  }
0xc: {  	_ =	strace s3  }
0xd: {  	s3 =	sld [smem:$0x3FFD];
	_ =	sdelay $0x3  }
0xe: {  	_ =	strace s3  }
0xf: {  	_ =	strace $0x8FFFFFFF  }
0x10: {  	s20 =	sld [smem:$0x3FDB];
	_ =	sdelay $0x1  }
0x11: {  	s4 =	simm.s32 $_scs_section_size  }
0x12: {  	s5 =	simm.s32 $_size__tile_overlayer_lowered;
	s6 =	simm.s32 $_tile_overlayer_lowered  }
0x13: {  	s23 =	simm.s32 $0x1BFF;
	s22 =	sshll.u32 s6, $0x1;
	s3 =	sadd.s32 s4, s20  }
0x14: {  	s7 =	simm.s32 $0x0;
	s21 =	sshll.u32 s5, $0x1;
	s5 =	sadd.s32 s22, s3  }
0x15: {  	[timem:s7], [sflag:s23] =	dma.local [hbm:s5], s21  }
0x16: {  	_ =	swait.ge [sflag:s23], s21  }
0x17: {  	s4 =	ssub.s32 $0x0, s21;
	[sflag:s23] =	ssyncset.done $0x0  }
0x18: {  	[sflag:s23] =	ssyncadd.s32 s4;
	_ =	sdelay $0x1  }
0x19: {  	s24 =	simm.s32 $0x1B8B  }
0x1a: {  	_ =	swait.ge [sflag:s24], $0x1  }
0x1b: {  	[sflag:s24] =	ssyncset.done $0x0  }
0x1c: {  	s26 =	simm.s32 $0x1B8E;
	s25 =	sld [smem:$0x3FFE];
	[sflag:s24] =	ssyncadd.s32 $0xFFFFFFFF  }
0x1d: {  	s27 =	simm.s32 $execute0_lowered;
	[smem:$0x3FD2] =	sst s26  }
0x1e: {  	s5 =	sshll.u32 s27, $0x1;
	_ =	strace $0x8000004F;
	[dreg:$0x1] =	wrdreg $0xFFFFFFFF  }
0x1f: {  	s28 =	simm.s32 $_size_execute0_lowered;
	s3 =	sadd.s32 s3, s5;
	[dreg:$0x0] =	wrdreg $0x0  }
0x20: {  	s5 =	sshll.u32 s28, $0x1;
	[dreg:$0x2] =	wrdreg s3  }
0x21: {  	[dreg:$0x3] =	wrdreg s5  }
0x22: {  	[dreg:$0x4] =	wrdreg $0xC0  }
0x23: {  	_ =	task [dreg:s7], $0x5FFFF  }
0x24: {  	[dreg:$0x1] =	wrdreg $0xFFFFFFFF  }
0x25: {  	[dreg:$0x0] =	wrdreg $0x60  }
0x26: {  	[dreg:$0x2] =	wrdreg s25  }
0x27: {  	[dreg:$0x3] =	wrdreg s2  }
0x28: {  	[dreg:$0x4] =	wrdreg $0x9  }
0x29: {  	_ =	task.clear_ibuf [dreg:s7], $0x5FFFF;
	_ =	strace $0x9000004F  }
0x2a: {  	s29 =	simm.s32 $0x9;
	_ =	strace $0x80000051  }
0x2b: {  	_ =	swait.ge [sflag:s29], $0x1  }
0x2c: {  	[sflag:s29] =	ssyncadd.s32 $0xFFFFFFFF  }
0x2d: {  	_ =	strace $0x90000051  }
0x2e: {  	_ =	sfence  }
0x2f: {  	s30 =	sld [smem:$0x0];
	_ =	sdelay $0x2  }
0x30: {  	s31 =	sshll.u32 s1, $0xD;
	s1 =	sshrl.u32 s1, $0x2  }
0x31: {  	s3 =	sand.u32 $0x4000, s31;
	s1 =	sadd.s32 s1, s30  }
0x32: {  	s0 =	sor.u32 s3, s0;
	s1 =	sshll.u32 s1, $0x11  }
0x33: {  	s0 =	sor.u32 s1, s0  }
0x34: {  	s0 =	sadd.s32 $0x8F2B, s0  }
0x35: {  	[sflag:s0] =	ssyncadd.remote.s32 $0x1  }
0x36: {  	_ =	sfence.sel $0xFFFF  }
0x37: {  	[dreg:$0x0] =	wrdreg $0xFFFFFFFF;
	(pc) =	sbr.abs _section_cstart, $3  }
0x38: {  	[dreg:$0x1] =	wrdreg $0xFFFFFFFF  }
0x39: {  	_ =	task.clear_ibuf [dreg:s7], $0x2FFFF;
	_ =	strace $0x9FFFFFFF  }
0x3a: {  	(tm) =	ssettm $0x7FFFFFFF  }
0x3b: {  	_ =	shalt  }
tec
execute0_lowered:
.L_overlay_start_1:
0x0: {  	(tag) =	ssettag $0x1  }
0x1: {  	s0 =	srdreg.scid  }
0x2: {  	s1 =	sshll.u32 s0, $0x4  }
0x3: {  	s0 =	stileid.u32;
	s1 =	sand.u32 $0x10, s1  }
0x4: {  	s1 =	sor.u32 s0, s1  }
0x5: {  	s6 =	rddreg [dreg:$0x0];
	s4 =	simm.s32 $0x1;
	s2 =	sshll.u32 s1, $0x7  }
0x6: {  	s7 =	simm.s32 $0x2;
	s13 =	simm.s32 $0x0;
	s1 =	ssub.s32 $0x4000, s2  }
0x7: {  	s8 =	simm.s32 $0x10000;
	s12 =	simm.s32 $0x0;
	s3 =	sand.u32 $0xF80, s1  }
0x8: {  	s9 =	simm.s32 $0x0;
	s5 =	sshrl.u32 s1, $0xC;
	p0 =	sne.s32 s3, $0x0  }
.Ltmp0:
0x9: {  	s1 =	rddreg [dreg:$0x2];
	s4 =	simm.s32 @!p0 $0x0;
	(pc) =	sbr.rel .LBB1_1-.Ltmp0, $4  }
0xa: {  	s11 =	simm.s32 $0x0;
	s3 =	rddreg [dreg:$0x1];
	s5 =	sadd.s32 s4, s5  }
0xb: {  	_ =	strace $0x80000050;
	s4 =	simm.s32 $0x1;
	s5 =	smul.u32 $0xD, s5  }
0xc: {  	s6 =	sadd.s32 $0x1800, s6;
	s10 =	smov.u32 s2;
	[sflag:s4] =	ssyncpa.u1 $0x0  }
0xd: {  	p0 =	por $0x0, $0x0;
	[sflag:s7] =	ssyncpa.u1 $0x0;
	s7 =	sadd.s32 $0x1, s5  }
.LBB1_4:
0xe: {  	v1 =	vperm.xlane.i2c.b16 v1;
	v0 =	vperm.xlane.i2c.b16 v0  }
0xf: {  	v2 =	vperm.xlane.i2c.b16 v2;
	v3 =	vperm.xlane.i2c.b16 v3  }
0x10: {  	[tilespmem:s16+$0x0 ss:$0x81] =	vst.msk $0xffff, v5;
	s17 =	sshra.s32 s17, $0x2;
	s18 =	sshll.u32 s12, $0x3;
	s19 =	sshll.u32 s12, $0x1;
	v62 =	vcombine.low v0, v1  }
0x11: {  	s13 =	sshll.u32 s13, $0x10;
	s30 =	sshrl.u32 s12, $0x1;
	[tilespmem:s16+$0x1020 ss:$0x81] =	vst.msk $0xffff, v4;
	s15 =	sadd.s32 s17, s15;
	v63 =	vcombine.low v3, v2  }
0x12: {  	s31 =	sand.u32 $0x7, s12;
	s28 =	sand.u32 $0xF0, s19;
	s29 =	sand.u32 $0x3C00, s18;
	v0 =	vcombine.high v0, v1;
	[tilespmem:s15+$0x810 ss:$0x81] =	vst.msk $0xffff, v62  }
0x13: {  	s17 =	sand.u32 $0xFC00, s30;
	s13 =	sadd.s32 s3, s13;
	s16 =	sor.u32 s28, s29;
	v2 =	vcombine.high v3, v2;
	[tilespmem:s15+$0x0 ss:$0x81] =	vst.msk $0xffff, v63  }
0x14: {  	s12 =	sshll.u32 s31, $0x12;
	s13 =	sadd.s32 s17, s13;
	s16 =	sshrl.u32 s16, $0x4;
	[tilespmem:s15+$0x1830 ss:$0x81] =	vst.msk $0xffff, v0  }
0x15: {  	s12 =	sor.u32 $0x200, s12;
	s13 =	sadd.s32 s16, s13;
	[tilespmem:s15+$0x1020 ss:$0x81] =	vst.msk $0xffff, v2  }
0x16: {  	[hbm4b:s13+s12] =	stream.strided.scatter [tilespmem:s14], [sflag:$0x2], $0x2000, s8, s12, $0x20;
	[tilespmem:$0x8080] =	vst v63  }
.LBB1_5:
0x17: {  	s14 =	sadd.s32 $0x2, s9  }
0x18: {  	s12 =	sadd.s32 $0x1000, s10;
	s16 =	smov.u32 s10;
	p2 =	sgt.s32 s14, $0x19  }
0x19: {  	s16 =	smov.u32 @p2 s12  }
0x1a: {  	s14 =	simm.s32 @p2 $0x0;
	p2 =	sgt.s32 s16, $0x3FFF  }
0x1b: {  	s16 =	smov.u32 @p2 s2;
	p2 =	sne.s32 s11, s7  }
.Ltmp1:
0x1c: {  	p1 =	slt.u32 s11, $0x2;
	(pc) =	sbr.rel @!p2 .LBB1_6-.Ltmp1, $4  }
0x1d: {  	s15 =	simm.s32 @!p1 $0x2  }
0x1e: {  	s13 =	smov.u32 s9;
	p0 =	por !p0, !p0;
	_ =	swait.ge @!p1 [sflag:s15], $0x2000  }
0x1f: {  	s12 =	smov.u32 s10;
	[sflag:s15] =	ssyncset.done @!p1 $0x0;
	s9 =	smov.u32 s14  }
0x20: {  	s11 =	sadd.s32 $0x1, s11;
	[sflag:s15] =	ssyncadd.s32 @!p1 $0xFFFFE000;
	s10 =	smov.u32 s16  }
.LBB1_1:
0x21: {  	p1 =	sge.u32 s11, s5  }
0x22: {  	s14 =	sshll.u32 @!p1 s10, $0x8;
	s15 =	sshll.u32 @!p1 s9, $0x3  }
0x23: {  	s16 =	sxor.u32 @!p1 $0xFFFFFFFF, s11;
	s15 =	sand.u32 @!p1 $0xF0, s15;
	s14 =	sadd.s32 @!p1 s6, s14  }
0x24: {  	s31 =	sadd.s32 $0xFFFFFFFF, s11;
	s14 =	sadd.s32 @!p1 s15, s14;
	s15 =	sshll.u32 @!p1 s16, $0xD  }
0x25: {  	s17 =	simm.s32 @!p1 $0x800;
	s16 =	simm.s32 @!p1 $0x40;
	s15 =	sand.u32 @!p1 $0x2000, s15  }
0x26: {  	[tilespmem:s15], [sflag:$0x1] =	stream.strided.gather @!p1 [hbm4b:s14+s16], $0x2000, s17, s16, $0x38;
	[tilespmem:$0x8080] =	vst v63  }
0x27: {  	p1 =	sge.u32 s31, s5  }
.Ltmp2:
0x28: {  	_ = 	snop;
	(pc) =	sbr.rel @p1 .LBB1_5-.Ltmp2, $1  }
0x29: {  	_ =	sdelay $0x3  }
0x2a: {  	s14 =	simm.s32 $0x1  }
0x2b: {  	_ =	swait.ge [sflag:s4], $0x2000;
	s14 =	simm.s32 @!p0 $0x0  }
0x2c: {  	[sflag:s4] =	ssyncset.done $0x0;
	s15 =	sshll.u32 s14, $0xD  }
0x2d: {  	[sflag:s4] =	ssyncadd.s32 $0xFFFFE000;
	s15 =	sor.u32 $0x20, s15  }
0x2e: {  	v0 =	vld [tilespmem:s15+$0x0]  }
0x2f: {  	v1 =	vld [tilespmem:s15+$0x10]  }
0x30: {  	v2 =	vld [tilespmem:s15+$0xFFFFFFF0]  }
0x31: {  	v3 =	vld [tilespmem:s15+$0xFFFFFFE0];
	_ =	sdelay $0x1  }
0x32: {  	s14 =	smul.u32 $0x8100, s14;
	s19 =	sadd.s32 $0x40, s15  }
0x33: {  	s16 =	sand.u32 $0x1, s11;
	v4 =	vperm.xlane.i2c.b16 v1;
	v5 =	vperm.xlane.i2c.b16 v0;
	v0 =	vld [tilespmem:s19+$0x0]  }
0x34: {  	s16 =	smul.u32 $0x8100, s16;
	s14 =	sshrl.u32 s14, $0x2;
	v6 =	vperm.xlane.i2c.b16 v2;
	v1 =	vld [tilespmem:s19+$0x10]  }
0x35: {  	s15 =	sor.u32 $0x4000, s14;
	v8 =	vperm.xlane.i2c.b16 v3;
	v2 =	vld [tilespmem:s19+$0xFFFFFFF0];
	v7 =	vcombine.low v5, v4  }
0x36: {  	s31 =	sshrl.u32 s16, $0x2;
	s16 =	sadd.s32 $0x0, s15;
	v3 =	vld [tilespmem:s19+$0xFFFFFFE0];
	v9 =	vcombine.high v5, v4  }
0x37: {  	s17 =	simm.s32 $0x4;
	v5 =	vcombine.low v8, v6;
	[tilespmem:s16+$0x810 ss:$0x81] =	vst.msk $0xffff, v7  }
0x38: {  	s18 =	simm.s32 $0x8;
	s14 =	sor.u32 $0x4000, s31;
	s19 =	sadd.s32 $0x40, s19;
	v4 =	vcombine.high v8, v6;
	[tilespmem:s16+$0x1830 ss:$0x81] =	vst.msk $0xffff, v9  }
.LBB1_3:
0x39: {  	v6 =	vperm.xlane.i2c.b16 v1;
	v7 =	vperm.xlane.i2c.b16 v0;
	v0 =	vld [tilespmem:s19+$0x0];
	[tilespmem:s16+$0x0 ss:$0x81] =	vst.msk $0xffff, v5;
	s20 =	smov.u32 s18;
	p1 =	sne.s32 s18, $0x1FC  }
.Ltmp3:
0x3a: {  	v8 =	vperm.xlane.i2c.b16 v2;
	v1 =	vld [tilespmem:s19+$0x10];
	[tilespmem:s16+$0x1020 ss:$0x81] =	vst.msk $0xffff, v4;
	(pc) =	sbr.rel @p1 .LBB1_3-.Ltmp3, $4  }
0x3b: {  	s18 =	sadd.s32 $0x4, s18;
	v4 =	vperm.xlane.i2c.b16 v3;
	s16 =	sshra.s32 s17, $0x2;
	v2 =	vld [tilespmem:s19+$0xFFFFFFF0];
	v9 =	vcombine.low v7, v6  }
0x3c: {  	s17 =	smov.u32 s20;
	s16 =	sadd.s32 s16, s15;
	v6 =	vcombine.high v7, v6;
	v3 =	vld [tilespmem:s19+$0xFFFFFFE0]  }
0x3d: {  	v5 =	vcombine.low v4, v8;
	v4 =	vcombine.high v4, v8;
	[tilespmem:s16+$0x810 ss:$0x81] =	vst.msk $0xffff, v9  }
0x3e: {  	s19 =	sadd.s32 $0x40, s19;
	[tilespmem:s16+$0x1830 ss:$0x81] =	vst.msk $0xffff, v6  }
.Ltmp4:
0x3f: {  	_ = 	snop;
	(pc) =	sbr.rel .LBB1_4-.Ltmp4, $1  }
0x40: {  	_ =	sdelay $0x3  }
.LBB1_6:
0x41: {  	_ =	sfence.sel $0x180000  }
0x42: {  	s2 =	simm.s32 $0x1;
	[bflag:$0x0] =	sbarrier.arrive $0xFFFF  }
0x43: {  	s31 =	simm.s32 $0x2;
	[sflag:s2] =	ssyncpa.u1 $0x1  }
0x44: {  	[sflag:s31] =	ssyncpa.u1 $0x1  }
0x45: {  	p0 =	sne.s32 s0, $0x0;
	_ =	strace $0x90000050  }
0x46: {  	s0 =	sadd.s32 @!p0 $0x100000, s1;
	[bflag:$0x2] =	sbarrier.arrive $0xFFFF  }
0x47: {  	[sflag:s0] =	ssyncadd.tile.s32 @!p0 $0x1;
	_ =	shalt  }
.Lfunc_end1:
_tile_overlayer_lowered:
.L_overlay_start_2:
0x48: {  	(tag) =	ssettag $0x2  }
0x49: {  	s0 =	rddreg [dreg:$0x0];
	s2 =	stileid.u32  }
0x4a: {  	s1 =	rddreg [dreg:$0x1];
	p0 =	sne.s32 s2, $0x0  }
0x4b: {  	s3 =	rddreg [dreg:$0x2];
	[bflag:$0x3] =	sbarrier.arrive $0xFFFF;
	s2 =	simm.s32 @!p0 $0x1C01  }
0x4c: {  	[timem:s3], [sflag:s2] =	dma.local @!p0 [hbm:s0], s1  }
0x4d: {  	s0 =	simm.s32 @!p0 $0x1  }
0x4e: {  	_ =	swait.ge @!p0 [sflag:s0], s1  }
0x4f: {  	s1 =	ssub.s32 @!p0 $0x0, s1;
	[sflag:s0] =	ssyncset.done @!p0 $0x0  }
0x50: {  	[sflag:s0] =	ssyncadd.s32 @!p0 s1  }
0x51: {  	[bflag:$0x3] =	sbarrier.arrive $0xFFFF  }
0x52: {  	_ =	shalt  }

</sc_bundles>
